<compile_context>
chip_gen: v7x
topology: tpu7x:2x2x1
jax: 0.10.2.dev20260603
libtpu: 0.0.44.dev20260713+nightly
codegen_flags: <defaults>
</compile_context>

<pallas_src>
import functools

import jax
import jax.numpy as jnp
from jax import lax
from jax.experimental import pallas as pl
from jax.experimental.pallas import tpu as pltpu
from jax.experimental.pallas import tpu_sc as plsc

_EMBED = 64
_FEAT = 128
_BATCH = 16384
_NW = 32
_BPW = _BATCH // _NW
_CHUNK = 128
_NCHUNK = _BPW // _CHUNK
_L = 16
_DEPTH = 8

_MESH = plsc.VectorSubcoreMesh(core_axis_name="c", subcore_axis_name="s")
_PARAMS = pltpu.CompilerParams(needs_layout_passes=False)


def _sc_author(nid_author2d, feats_author):
    @functools.partial(
        pl.kernel,
        mesh=_MESH,
        compiler_params=_PARAMS,
        out_type=jax.ShapeDtypeStruct((_BATCH, _FEAT), jnp.float32),
        scratch_types=[
            pltpu.VMEM((_NCHUNK, _CHUNK), jnp.int32),
            pltpu.VMEM((_BPW, _FEAT), jnp.float32),
            pltpu.SemaphoreType.DMA,
        ],
    )
    def k(nida_hbm, feats_hbm, outa_hbm, idxa_v, rowsa_v, sema):
        wid = lax.axis_index("s") * 2 + lax.axis_index("c")
        base = wid * _BPW
        pltpu.sync_copy(nida_hbm.at[pl.ds(wid * _NCHUNK, _NCHUNK)], idxa_v)
        a_copies = []
        for c in range(_NCHUNK):
            a_copies.append(pltpu.async_copy(
                feats_hbm.at[idxa_v.at[c]],
                rowsa_v.at[pl.ds(c * _CHUNK, _CHUNK)], sema))
        for cp in a_copies:
            cp.wait()
        pltpu.sync_copy(rowsa_v, outa_hbm.at[pl.ds(base, _BPW)])

    return k(nid_author2d, feats_author)


def _sc_paper(nid_paper, emb_paperT):
    @functools.partial(
        pl.kernel,
        mesh=_MESH,
        compiler_params=_PARAMS,
        out_type=jax.ShapeDtypeStruct((_EMBED, _BATCH), jnp.float32),
        scratch_types=[
            pltpu.VMEM((_BPW + 2 * _L,), jnp.int32),
            pltpu.VMEM((_DEPTH * _EMBED, _CHUNK), jnp.float32),
            pltpu.VMEM((_EMBED, _CHUNK), jnp.float32),
            pltpu.SemaphoreType.DMA,
        ],
    )
    def k(nidp_hbm, embT_hbm, outpT_hbm, idxp_v, tbuf_v, poutT_v, semp):
        wid = lax.axis_index("s") * 2 + lax.axis_index("c")
        base = wid * _BPW
        pltpu.sync_copy(nidp_hbm.at[pl.ds(base, _BPW)],
                        idxp_v.at[pl.ds(0, _BPW)])

        featvs = [[lax.iota(jnp.int32, _L) + (_L * c2 + _EMBED * slot)
                   for c2 in range(_EMBED // _L)]
                  for slot in range(_DEPTH)]
        outvs = [lax.iota(jnp.int32, _L) + _L * c2
                 for c2 in range(_EMBED // _L)]

        def fire(r, slot):
            joff = pl.multiple_of(r - lax.rem(r, _CHUNK), _CHUNK)
            pltpu.async_copy(
                embT_hbm.at[:, pl.ds(joff, _CHUNK)],
                tbuf_v.at[pl.ds(_EMBED * slot, _EMBED)],
                semp)

        def drain(slot):
            pltpu.make_async_copy(
                embT_hbm.at[:, pl.ds(0, _CHUNK)],
                tbuf_v.at[pl.ds(_EMBED * slot, _EMBED)],
                semp).wait()

        def extract(r, slot, row):
            col = jnp.broadcast_to(lax.rem(r, _CHUNK) +
                                   jnp.zeros((), jnp.int32), (_L,))
            rowv = jnp.broadcast_to(row + jnp.zeros((), jnp.int32), (_L,))
            for c2 in range(_EMBED // _L):
                vals = plsc.load_gather(tbuf_v, [featvs[slot][c2], col])
                plsc.store_scatter(poutT_v, [outvs[c2], rowv], vals)

        vec0 = idxp_v[pl.ds(0, _L)]
        for w in range(_DEPTH):
            fire(vec0[w], w)

        def chunk(j, carry):
            veca = idxp_v[pl.ds(_L * j, _L)]
            vecb = idxp_v[pl.ds(_L * j + _L, _L)]
            qrow = (j & (_CHUNK // _L - 1)) * _L
            for b in range(_L):
                slot = b % _DEPTH
                drain(slot)
                extract(veca[b], slot, qrow + b)
                rnext = veca[b + _DEPTH] if b + _DEPTH < _L else (
                    vecb[b + _DEPTH - _L])
                i_next = _L * j + b + _DEPTH

                @pl.when(i_next < _BPW)
                def _():
                    fire(rnext, slot)

            @pl.when((j & (_CHUNK // _L - 1)) == (_CHUNK // _L - 1))
            def _():
                pltpu.sync_copy(
                    poutT_v,
                    outpT_hbm.at[:, pl.ds(
                        base + (j // (_CHUNK // _L)) * _CHUNK, _CHUNK)])
            return carry

        lax.fori_loop(0, _BPW // _L, chunk, 0, unroll=False)

    return k(nid_paper, emb_paperT)


def _tc_matmul_body(x_ref, w_ref, o_ref):
    o_ref[...] = jnp.dot(x_ref[...], w_ref[...],
                         preferred_element_type=jnp.float32)


def _tc_project(x, w):
    rows = 2048
    grid = _BATCH // rows
    return pl.pallas_call(
        _tc_matmul_body,
        grid=(grid,),
        in_specs=[
            pl.BlockSpec((rows, _FEAT), lambda i: (i, 0)),
            pl.BlockSpec((_FEAT, _EMBED), lambda i: (0, 0)),
        ],
        out_specs=pl.BlockSpec((rows, _EMBED), lambda i: (i, 0)),
        out_shape=jax.ShapeDtypeStruct((_BATCH, _EMBED), jnp.float32),
    )(x, w)


def kernel(nid_paper, nid_author, emb_paper, feats_author, W_author):
    nidp = nid_paper.astype(jnp.int32)
    nida = nid_author.astype(jnp.int32).reshape(_NW * _NCHUNK, _CHUNK)
    feats_g = _sc_author(nida, feats_author)
    x_paperT = _sc_paper(nidp, emb_paper.T)
    x_author = _tc_project(feats_g, W_author)
    return (x_paperT.T, x_author)

# --- scband reference (transcript-rebuilt; emitter-appended) ---
"""Pipeline reference for scband-rel-graph-embedding-4363686773568 (READ-ONLY COPY).

The authoritative reference and input builder live on the scoring server;
editing this copy changes nothing except your own understanding.
"""

import jax, jax.numpy as jnp
import numpy as np

EMBED_SIZE = 64
NUM_PAPER = 1000000
NUM_AUTHOR = 100000
FEAT_AUTHOR = 128
BATCH = 16384


def setup_inputs(seed: int = 0) -> dict:
    key = jax.random.key(seed)
    k1, k2, k3, k4, k5 = jax.random.split(key, 5)
    nid_paper = jax.random.randint(k1, (BATCH,), 0, NUM_PAPER, dtype=jnp.int64 if jax.config.jax_enable_x64 else jnp.int32)
    nid_author = jax.random.randint(k2, (BATCH,), 0, NUM_AUTHOR, dtype=jnp.int64 if jax.config.jax_enable_x64 else jnp.int32)
    # learned embedding table for featureless ntype 'paper': nn.init.uniform_(-1, 1)
    emb_paper = jax.random.uniform(k3, (NUM_PAPER, EMBED_SIZE), dtype=jnp.float32, minval=-1.0, maxval=1.0)
    # fixed input node features for ntype 'author'
    feats_author = jax.random.normal(k4, (NUM_AUTHOR, FEAT_AUTHOR), dtype=jnp.float32)
    # projection parameter: xavier_uniform
    bound = float(np.sqrt(6.0 / (FEAT_AUTHOR + EMBED_SIZE)))
    W_author = jax.random.uniform(k5, (FEAT_AUTHOR, EMBED_SIZE), dtype=jnp.float32, minval=-bound, maxval=bound)
    return {"nid_paper": nid_paper, "nid_author": nid_author, "emb_paper": emb_paper, "feats_author": feats_author, "W_author": W_author}


def reference(nid_paper, nid_author, emb_paper, feats_author, W_author):
    # ntype 'paper': node_feats is None -> learned embedding lookup
    x_paper = jnp.take(emb_paper, nid_paper, axis=0)
    # ntype 'author': node_feats present + projection -> gather feats then project
    x_author = jnp.take(feats_author, nid_author, axis=0) @ W_author
    return (x_paper, x_author)

if __name__ == "__main__":
    import jax
    _d = setup_inputs()
    print(jax.jit(kernel)(*tuple(_d.values())))

</pallas_src>

<mosaic_0001>
#map = affine_map<(d0, d1) -> (0, 0)>
module attributes {stable_mosaic.version = 14 : i64} {
  func.func @k(%arg0: i32, %arg1: i32, %arg2: memref<128x128xi32, #tpu.memory_space<hbm>>, %arg3: memref<100000x128xf32, #tpu.memory_space<hbm>>, %arg4: memref<16384x128xf32, #tpu.memory_space<hbm>>, %arg5: memref<4x128xi32, #tpu.memory_space<vmem>>, %arg6: memref<512x128xf32, #tpu.memory_space<vmem>>, %arg7: memref<!tpu.dma_semaphore, #tpu.memory_space<semaphore_mem>>) attributes {dimension_semantics = [#tpu.dimension_semantics<core_parallel>, #tpu.dimension_semantics<subcore_parallel>], iteration_bounds = array<i64: 2, 16>, scalar_prefetch = 0 : i64, scratch_operands = 3 : i64, tpu.core_type = #tpu.core_type<sc_vector_subcore>, window_params = [{transform_indices = #map}, {transform_indices = #map}, {transform_indices = #map}]} {
    %mul3A = arith.constant 2 : i32
    %mul3A_0 = arith.muli %arg1, %mul3A : i32
    %add3A = arith.addi %mul3A_0, %arg0 : i32
    %mul3A_1 = arith.constant 512 : i32
    %mul3A_2 = arith.muli %add3A, %mul3A_1 : i32
    %mul3A_3 = arith.constant 4 : i32
    %mul3A_4 = arith.muli %add3A, %mul3A_3 : i32
    "tpu.region"() ({
      %run_scoped3A = tpu.sem_alloc : memref<!tpu.dma_semaphore, #tpu.memory_space<semaphore_mem>>
      %dma_start3A_83 = arith.constant 0 : i32
      %dma_start3A_84 = tpu.memref_slice %arg2[%mul3A_4, %dma_start3A_83] : memref<128x128xi32, #tpu.memory_space<hbm>> -> memref<4x128xi32, #tpu.memory_space<hbm>>
      %dma_start3A_85 = arith.constant 0 : i32
      %dma_start3A_86 = tpu.memref_slice %arg2[%mul3A_4, %dma_start3A_85] : memref<128x128xi32, #tpu.memory_space<hbm>> -> memref<4x128xi32, #tpu.memory_space<hbm>>
      tpu.enqueue_dma source(%dma_start3A_86 : memref<4x128xi32, #tpu.memory_space<hbm>>) target(%arg5 : memref<4x128xi32, #tpu.memory_space<vmem>>) target_semaphore(%run_scoped3A : memref<!tpu.dma_semaphore, #tpu.memory_space<semaphore_mem>>)
      %dma_wait3A_87 = arith.constant 0 : i32
      %dma_wait3A_88 = tpu.memref_slice %arg2[%mul3A_4, %dma_wait3A_87] : memref<128x128xi32, #tpu.memory_space<hbm>> -> memref<4x128xi32, #tpu.memory_space<hbm>>
      %dma_wait3A_89 = arith.constant 0 : i32
      %dma_wait3A_90 = tpu.memref_slice %arg2[%mul3A_4, %dma_wait3A_89] : memref<128x128xi32, #tpu.memory_space<hbm>> -> memref<4x128xi32, #tpu.memory_space<hbm>>
      tpu.wait_dma2 semaphore(%run_scoped3A : memref<!tpu.dma_semaphore, #tpu.memory_space<semaphore_mem>>) src(%dma_wait3A_90 : memref<4x128xi32, #tpu.memory_space<hbm>>) dst(%arg5 : memref<4x128xi32, #tpu.memory_space<vmem>>)
      tpu.yield
    }) : () -> ()
    %dma_start3A = arith.constant 0 : i32
    %dma_start3A_5 = arith.constant 0 : i32
    %dma_start3A_6 = arith.constant 0 : i32
    %dma_start3A_7 = tpu.memref_slice %arg6[%dma_start3A_5, %dma_start3A_6] : memref<512x128xf32, #tpu.memory_space<vmem>> -> memref<128x128xf32, #tpu.memory_space<vmem>>
    %dma_start3A_8 = arith.constant 0 : i32
    %dma_start3A_9 = tpu.memref_slice %arg5[%dma_start3A, %dma_start3A_8] : memref<4x128xi32, #tpu.memory_space<vmem>> -> memref<1x128xi32, #tpu.memory_space<vmem>>
    %dma_start3A_10 = tpu.memref_squeeze %dma_start3A_9 : memref<1x128xi32, #tpu.memory_space<vmem>> -> memref<128xi32, #tpu.memory_space<vmem>>
    %dma_start3A_11 = arith.constant 0 : i32
    %dma_start3A_12 = arith.constant 0 : i32
    %dma_start3A_13 = tpu.memref_slice %arg3[%dma_start3A_11, %dma_start3A_12] : memref<100000x128xf32, #tpu.memory_space<hbm>> -> memref<100000x128xf32, #tpu.memory_space<hbm>>
    tpu.enqueue_indirect_dma source(%dma_start3A_13 : memref<100000x128xf32, #tpu.memory_space<hbm>>) target(%dma_start3A_7 : memref<128x128xf32, #tpu.memory_space<vmem>>) offsets(%dma_start3A_10 : memref<128xi32, #tpu.memory_space<vmem>>) semaphore(%arg7 : memref<!tpu.dma_semaphore, #tpu.memory_space<semaphore_mem>>)
    %dma_start3A_14 = arith.constant 1 : i32
    %dma_start3A_15 = arith.constant 128 : i32
    %dma_start3A_16 = arith.constant 0 : i32
    %dma_start3A_17 = tpu.memref_slice %arg6[%dma_start3A_15, %dma_start3A_16] : memref<512x128xf32, #tpu.memory_space<vmem>> -> memref<128x128xf32, #tpu.memory_space<vmem>>
    %dma_start3A_18 = arith.constant 0 : i32
    %dma_start3A_19 = tpu.memref_slice %arg5[%dma_start3A_14, %dma_start3A_18] : memref<4x128xi32, #tpu.memory_space<vmem>> -> memref<1x128xi32, #tpu.memory_space<vmem>>
    %dma_start3A_20 = tpu.memref_squeeze %dma_start3A_19 : memref<1x128xi32, #tpu.memory_space<vmem>> -> memref<128xi32, #tpu.memory_space<vmem>>
    %dma_start3A_21 = arith.constant 0 : i32
    %dma_start3A_22 = arith.constant 0 : i32
    %dma_start3A_23 = tpu.memref_slice %arg3[%dma_start3A_21, %dma_start3A_22] : memref<100000x128xf32, #tpu.memory_space<hbm>> -> memref<100000x128xf32, #tpu.memory_space<hbm>>
    tpu.enqueue_indirect_dma source(%dma_start3A_23 : memref<100000x128xf32, #tpu.memory_space<hbm>>) target(%dma_start3A_17 : memref<128x128xf32, #tpu.memory_space<vmem>>) offsets(%dma_start3A_20 : memref<128xi32, #tpu.memory_space<vmem>>) semaphore(%arg7 : memref<!tpu.dma_semaphore, #tpu.memory_space<semaphore_mem>>)
    %dma_start3A_24 = arith.constant 2 : i32
    %dma_start3A_25 = arith.constant 256 : i32
    %dma_start3A_26 = arith.constant 0 : i32
    %dma_start3A_27 = tpu.memref_slice %arg6[%dma_start3A_25, %dma_start3A_26] : memref<512x128xf32, #tpu.memory_space<vmem>> -> memref<128x128xf32, #tpu.memory_space<vmem>>
    %dma_start3A_28 = arith.constant 0 : i32
    %dma_start3A_29 = tpu.memref_slice %arg5[%dma_start3A_24, %dma_start3A_28] : memref<4x128xi32, #tpu.memory_space<vmem>> -> memref<1x128xi32, #tpu.memory_space<vmem>>
    %dma_start3A_30 = tpu.memref_squeeze %dma_start3A_29 : memref<1x128xi32, #tpu.memory_space<vmem>> -> memref<128xi32, #tpu.memory_space<vmem>>
    %dma_start3A_31 = arith.constant 0 : i32
    %dma_start3A_32 = arith.constant 0 : i32
    %dma_start3A_33 = tpu.memref_slice %arg3[%dma_start3A_31, %dma_start3A_32] : memref<100000x128xf32, #tpu.memory_space<hbm>> -> memref<100000x128xf32, #tpu.memory_space<hbm>>
    tpu.enqueue_indirect_dma source(%dma_start3A_33 : memref<100000x128xf32, #tpu.memory_space<hbm>>) target(%dma_start3A_27 : memref<128x128xf32, #tpu.memory_space<vmem>>) offsets(%dma_start3A_30 : memref<128xi32, #tpu.memory_space<vmem>>) semaphore(%arg7 : memref<!tpu.dma_semaphore, #tpu.memory_space<semaphore_mem>>)
    %dma_start3A_34 = arith.constant 3 : i32
    %dma_start3A_35 = arith.constant 384 : i32
    %dma_start3A_36 = arith.constant 0 : i32
    %dma_start3A_37 = tpu.memref_slice %arg6[%dma_start3A_35, %dma_start3A_36] : memref<512x128xf32, #tpu.memory_space<vmem>> -> memref<128x128xf32, #tpu.memory_space<vmem>>
    %dma_start3A_38 = arith.constant 0 : i32
    %dma_start3A_39 = tpu.memref_slice %arg5[%dma_start3A_34, %dma_start3A_38] : memref<4x128xi32, #tpu.memory_space<vmem>> -> memref<1x128xi32, #tpu.memory_space<vmem>>
    %dma_start3A_40 = tpu.memref_squeeze %dma_start3A_39 : memref<1x128xi32, #tpu.memory_space<vmem>> -> memref<128xi32, #tpu.memory_space<vmem>>
    %dma_start3A_41 = arith.constant 0 : i32
    %dma_start3A_42 = arith.constant 0 : i32
    %dma_start3A_43 = tpu.memref_slice %arg3[%dma_start3A_41, %dma_start3A_42] : memref<100000x128xf32, #tpu.memory_space<hbm>> -> memref<100000x128xf32, #tpu.memory_space<hbm>>
    tpu.enqueue_indirect_dma source(%dma_start3A_43 : memref<100000x128xf32, #tpu.memory_space<hbm>>) target(%dma_start3A_37 : memref<128x128xf32, #tpu.memory_space<vmem>>) offsets(%dma_start3A_40 : memref<128xi32, #tpu.memory_space<vmem>>) semaphore(%arg7 : memref<!tpu.dma_semaphore, #tpu.memory_space<semaphore_mem>>)
    %dma_wait3A = arith.constant 0 : i32
    %dma_wait3A_44 = arith.constant 0 : i32
    %dma_wait3A_45 = arith.constant 0 : i32
    %dma_wait3A_46 = tpu.memref_slice %arg6[%dma_wait3A_44, %dma_wait3A_45] : memref<512x128xf32, #tpu.memory_space<vmem>> -> memref<128x128xf32, #tpu.memory_space<vmem>>
    %dma_wait3A_47 = arith.constant 0 : i32
    %dma_wait3A_48 = tpu.memref_slice %arg5[%dma_wait3A, %dma_wait3A_47] : memref<4x128xi32, #tpu.memory_space<vmem>> -> memref<1x128xi32, #tpu.memory_space<vmem>>
    %dma_wait3A_49 = tpu.memref_squeeze %dma_wait3A_48 : memref<1x128xi32, #tpu.memory_space<vmem>> -> memref<128xi32, #tpu.memory_space<vmem>>
    %dma_wait3A_50 = arith.constant 0 : i32
    %dma_wait3A_51 = arith.constant 0 : i32
    %dma_wait3A_52 = tpu.memref_slice %arg3[%dma_wait3A_50, %dma_wait3A_51] : memref<100000x128xf32, #tpu.memory_space<hbm>> -> memref<100000x128xf32, #tpu.memory_space<hbm>>
    tpu.wait_indirect_dma semaphore(%arg7 : memref<!tpu.dma_semaphore, #tpu.memory_space<semaphore_mem>>) src(%dma_wait3A_52 : memref<100000x128xf32, #tpu.memory_space<hbm>>) dst(%dma_wait3A_46 : memref<128x128xf32, #tpu.memory_space<vmem>>)
    %dma_wait3A_53 = arith.constant 1 : i32
    %dma_wait3A_54 = arith.constant 128 : i32
    %dma_wait3A_55 = arith.constant 0 : i32
    %dma_wait3A_56 = tpu.memref_slice %arg6[%dma_wait3A_54, %dma_wait3A_55] : memref<512x128xf32, #tpu.memory_space<vmem>> -> memref<128x128xf32, #tpu.memory_space<vmem>>
    %dma_wait3A_57 = arith.constant 0 : i32
    %dma_wait3A_58 = tpu.memref_slice %arg5[%dma_wait3A_53, %dma_wait3A_57] : memref<4x128xi32, #tpu.memory_space<vmem>> -> memref<1x128xi32, #tpu.memory_space<vmem>>
    %dma_wait3A_59 = tpu.memref_squeeze %dma_wait3A_58 : memref<1x128xi32, #tpu.memory_space<vmem>> -> memref<128xi32, #tpu.memory_space<vmem>>
    %dma_wait3A_60 = arith.constant 0 : i32
    %dma_wait3A_61 = arith.constant 0 : i32
    %dma_wait3A_62 = tpu.memref_slice %arg3[%dma_wait3A_60, %dma_wait3A_61] : memref<100000x128xf32, #tpu.memory_space<hbm>> -> memref<100000x128xf32, #tpu.memory_space<hbm>>
    tpu.wait_indirect_dma semaphore(%arg7 : memref<!tpu.dma_semaphore, #tpu.memory_space<semaphore_mem>>) src(%dma_wait3A_62 : memref<100000x128xf32, #tpu.memory_space<hbm>>) dst(%dma_wait3A_56 : memref<128x128xf32, #tpu.memory_space<vmem>>)
    %dma_wait3A_63 = arith.constant 2 : i32
    %dma_wait3A_64 = arith.constant 256 : i32
    %dma_wait3A_65 = arith.constant 0 : i32
    %dma_wait3A_66 = tpu.memref_slice %arg6[%dma_wait3A_64, %dma_wait3A_65] : memref<512x128xf32, #tpu.memory_space<vmem>> -> memref<128x128xf32, #tpu.memory_space<vmem>>
    %dma_wait3A_67 = arith.constant 0 : i32
    %dma_wait3A_68 = tpu.memref_slice %arg5[%dma_wait3A_63, %dma_wait3A_67] : memref<4x128xi32, #tpu.memory_space<vmem>> -> memref<1x128xi32, #tpu.memory_space<vmem>>
    %dma_wait3A_69 = tpu.memref_squeeze %dma_wait3A_68 : memref<1x128xi32, #tpu.memory_space<vmem>> -> memref<128xi32, #tpu.memory_space<vmem>>
    %dma_wait3A_70 = arith.constant 0 : i32
    %dma_wait3A_71 = arith.constant 0 : i32
    %dma_wait3A_72 = tpu.memref_slice %arg3[%dma_wait3A_70, %dma_wait3A_71] : memref<100000x128xf32, #tpu.memory_space<hbm>> -> memref<100000x128xf32, #tpu.memory_space<hbm>>
    tpu.wait_indirect_dma semaphore(%arg7 : memref<!tpu.dma_semaphore, #tpu.memory_space<semaphore_mem>>) src(%dma_wait3A_72 : memref<100000x128xf32, #tpu.memory_space<hbm>>) dst(%dma_wait3A_66 : memref<128x128xf32, #tpu.memory_space<vmem>>)
    %dma_wait3A_73 = arith.constant 3 : i32
    %dma_wait3A_74 = arith.constant 384 : i32
    %dma_wait3A_75 = arith.constant 0 : i32
    %dma_wait3A_76 = tpu.memref_slice %arg6[%dma_wait3A_74, %dma_wait3A_75] : memref<512x128xf32, #tpu.memory_space<vmem>> -> memref<128x128xf32, #tpu.memory_space<vmem>>
    %dma_wait3A_77 = arith.constant 0 : i32
    %dma_wait3A_78 = tpu.memref_slice %arg5[%dma_wait3A_73, %dma_wait3A_77] : memref<4x128xi32, #tpu.memory_space<vmem>> -> memref<1x128xi32, #tpu.memory_space<vmem>>
    %dma_wait3A_79 = tpu.memref_squeeze %dma_wait3A_78 : memref<1x128xi32, #tpu.memory_space<vmem>> -> memref<128xi32, #tpu.memory_space<vmem>>
    %dma_wait3A_80 = arith.constant 0 : i32
    %dma_wait3A_81 = arith.constant 0 : i32
    %dma_wait3A_82 = tpu.memref_slice %arg3[%dma_wait3A_80, %dma_wait3A_81] : memref<100000x128xf32, #tpu.memory_space<hbm>> -> memref<100000x128xf32, #tpu.memory_space<hbm>>
    tpu.wait_indirect_dma semaphore(%arg7 : memref<!tpu.dma_semaphore, #tpu.memory_space<semaphore_mem>>) src(%dma_wait3A_82 : memref<100000x128xf32, #tpu.memory_space<hbm>>) dst(%dma_wait3A_76 : memref<128x128xf32, #tpu.memory_space<vmem>>)
    "tpu.region"() ({
      %run_scoped3A = tpu.sem_alloc : memref<!tpu.dma_semaphore, #tpu.memory_space<semaphore_mem>>
      %dma_start3A_83 = arith.constant 0 : i32
      %dma_start3A_84 = tpu.memref_slice %arg4[%mul3A_2, %dma_start3A_83] : memref<16384x128xf32, #tpu.memory_space<hbm>> -> memref<512x128xf32, #tpu.memory_space<hbm>>
      %dma_start3A_85 = arith.constant 0 : i32
      %dma_start3A_86 = tpu.memref_slice %arg4[%mul3A_2, %dma_start3A_85] : memref<16384x128xf32, #tpu.memory_space<hbm>> -> memref<512x128xf32, #tpu.memory_space<hbm>>
      tpu.enqueue_dma source(%arg6 : memref<512x128xf32, #tpu.memory_space<vmem>>) target(%dma_start3A_86 : memref<512x128xf32, #tpu.memory_space<hbm>>) target_semaphore(%run_scoped3A : memref<!tpu.dma_semaphore, #tpu.memory_space<semaphore_mem>>)
      %dma_wait3A_87 = arith.constant 0 : i32
      %dma_wait3A_88 = tpu.memref_slice %arg4[%mul3A_2, %dma_wait3A_87] : memref<16384x128xf32, #tpu.memory_space<hbm>> -> memref<512x128xf32, #tpu.memory_space<hbm>>
      %dma_wait3A_89 = arith.constant 0 : i32
      %dma_wait3A_90 = tpu.memref_slice %arg4[%mul3A_2, %dma_wait3A_89] : memref<16384x128xf32, #tpu.memory_space<hbm>> -> memref<512x128xf32, #tpu.memory_space<hbm>>
      tpu.wait_dma2 semaphore(%run_scoped3A : memref<!tpu.dma_semaphore, #tpu.memory_space<semaphore_mem>>) src(%arg6 : memref<512x128xf32, #tpu.memory_space<vmem>>) dst(%dma_wait3A_90 : memref<512x128xf32, #tpu.memory_space<hbm>>)
      tpu.yield
    }) : () -> ()
    return
  }
}

#map = affine_map<(d0, d1) -> (0)>
#map1 = affine_map<(d0, d1) -> (0, 0)>
module attributes {stable_mosaic.version = 14 : i64} {
  func.func @k(%arg0: i32, %arg1: i32, %arg2: memref<16384xi32, #tpu.memory_space<hbm>>, %arg3: memref<64x1000000xf32, #tpu.memory_space<hbm>>, %arg4: memref<64x16384xf32, #tpu.memory_space<hbm>>, %arg5: memref<544xi32, #tpu.memory_space<vmem>>, %arg6: memref<512x128xf32, #tpu.memory_space<vmem>>, %arg7: memref<64x128xf32, #tpu.memory_space<vmem>>, %arg8: memref<!tpu.dma_semaphore, #tpu.memory_space<semaphore_mem>>) attributes {dimension_semantics = [#tpu.dimension_semantics<core_parallel>, #tpu.dimension_semantics<subcore_parallel>], iteration_bounds = array<i64: 2, 16>, scalar_prefetch = 0 : i64, scratch_operands = 4 : i64, tpu.core_type = #tpu.core_type<sc_vector_subcore>, window_params = [{transform_indices = #map}, {transform_indices = #map1}, {transform_indices = #map1}]} {
    %mul3A = arith.constant 2 : i32
    %mul3A_0 = arith.muli %arg1, %mul3A : i32
    %add3A = arith.addi %mul3A_0, %arg0 : i32
    %mul3A_1 = arith.constant 512 : i32
    %mul3A_2 = arith.muli %add3A, %mul3A_1 : i32
    "tpu.region"() ({
      %run_scoped3A = tpu.sem_alloc : memref<!tpu.dma_semaphore, #tpu.memory_space<semaphore_mem>>
      %dma_start3A_274 = arith.constant 0 : i32
      %dma_start3A_275 = tpu.memref_slice %arg5[%dma_start3A_274] : memref<544xi32, #tpu.memory_space<vmem>> -> memref<512xi32, #tpu.memory_space<vmem>>
      %dma_start3A_276 = tpu.memref_slice %arg2[%mul3A_2] : memref<16384xi32, #tpu.memory_space<hbm>> -> memref<512xi32, #tpu.memory_space<hbm>>
      %dma_start3A_277 = arith.constant 0 : i32
      %dma_start3A_278 = tpu.memref_slice %arg5[%dma_start3A_277] : memref<544xi32, #tpu.memory_space<vmem>> -> memref<512xi32, #tpu.memory_space<vmem>>
      %dma_start3A_279 = tpu.memref_slice %arg2[%mul3A_2] : memref<16384xi32, #tpu.memory_space<hbm>> -> memref<512xi32, #tpu.memory_space<hbm>>
      tpu.enqueue_dma source(%dma_start3A_279 : memref<512xi32, #tpu.memory_space<hbm>>) target(%dma_start3A_278 : memref<512xi32, #tpu.memory_space<vmem>>) target_semaphore(%run_scoped3A : memref<!tpu.dma_semaphore, #tpu.memory_space<semaphore_mem>>)
      %dma_wait3A = arith.constant 0 : i32
      %dma_wait3A_280 = tpu.memref_slice %arg5[%dma_wait3A] : memref<544xi32, #tpu.memory_space<vmem>> -> memref<512xi32, #tpu.memory_space<vmem>>
      %dma_wait3A_281 = tpu.memref_slice %arg2[%mul3A_2] : memref<16384xi32, #tpu.memory_space<hbm>> -> memref<512xi32, #tpu.memory_space<hbm>>
      %dma_wait3A_282 = arith.constant 0 : i32
      %dma_wait3A_283 = tpu.memref_slice %arg5[%dma_wait3A_282] : memref<544xi32, #tpu.memory_space<vmem>> -> memref<512xi32, #tpu.memory_space<vmem>>
      %dma_wait3A_284 = tpu.memref_slice %arg2[%mul3A_2] : memref<16384xi32, #tpu.memory_space<hbm>> -> memref<512xi32, #tpu.memory_space<hbm>>
      tpu.wait_dma2 semaphore(%run_scoped3A : memref<!tpu.dma_semaphore, #tpu.memory_space<semaphore_mem>>) src(%dma_wait3A_284 : memref<512xi32, #tpu.memory_space<hbm>>) dst(%dma_wait3A_283 : memref<512xi32, #tpu.memory_space<vmem>>)
      tpu.yield
    }) : () -> ()
    %iota3A = tpu.iota {dimensions = array<i32: 0>} : vector<16xi32>
    %add3A_3 = arith.constant 0 : i32
    %add3A_4 = vector.broadcast %add3A_3 : i32 to vector<16xi32>
    %add3A_5 = arith.addi %iota3A, %add3A_4 : vector<16xi32>
    %iota3A_6 = tpu.iota {dimensions = array<i32: 0>} : vector<16xi32>
    %add3A_7 = arith.constant 16 : i32
    %add3A_8 = vector.broadcast %add3A_7 : i32 to vector<16xi32>
    %add3A_9 = arith.addi %iota3A_6, %add3A_8 : vector<16xi32>
    %iota3A_10 = tpu.iota {dimensions = array<i32: 0>} : vector<16xi32>
    %add3A_11 = arith.constant 32 : i32
    %add3A_12 = vector.broadcast %add3A_11 : i32 to vector<16xi32>
    %add3A_13 = arith.addi %iota3A_10, %add3A_12 : vector<16xi32>
    %iota3A_14 = tpu.iota {dimensions = array<i32: 0>} : vector<16xi32>
    %add3A_15 = arith.constant 48 : i32
    %add3A_16 = vector.broadcast %add3A_15 : i32 to vector<16xi32>
    %add3A_17 = arith.addi %iota3A_14, %add3A_16 : vector<16xi32>
    %iota3A_18 = tpu.iota {dimensions = array<i32: 0>} : vector<16xi32>
    %add3A_19 = arith.constant 64 : i32
    %add3A_20 = vector.broadcast %add3A_19 : i32 to vector<16xi32>
    %add3A_21 = arith.addi %iota3A_18, %add3A_20 : vector<16xi32>
    %iota3A_22 = tpu.iota {dimensions = array<i32: 0>} : vector<16xi32>
    %add3A_23 = arith.constant 80 : i32
    %add3A_24 = vector.broadcast %add3A_23 : i32 to vector<16xi32>
    %add3A_25 = arith.addi %iota3A_22, %add3A_24 : vector<16xi32>
    %iota3A_26 = tpu.iota {dimensions = array<i32: 0>} : vector<16xi32>
    %add3A_27 = arith.constant 96 : i32
    %add3A_28 = vector.broadcast %add3A_27 : i32 to vector<16xi32>
    %add3A_29 = arith.addi %iota3A_26, %add3A_28 : vector<16xi32>
    %iota3A_30 = tpu.iota {dimensions = array<i32: 0>} : vector<16xi32>
    %add3A_31 = arith.constant 112 : i32
    %add3A_32 = vector.broadcast %add3A_31 : i32 to vector<16xi32>
    %add3A_33 = arith.addi %iota3A_30, %add3A_32 : vector<16xi32>
    %iota3A_34 = tpu.iota {dimensions = array<i32: 0>} : vector<16xi32>
    %add3A_35 = arith.constant 128 : i32
    %add3A_36 = vector.broadcast %add3A_35 : i32 to vector<16xi32>
    %add3A_37 = arith.addi %iota3A_34, %add3A_36 : vector<16xi32>
    %iota3A_38 = tpu.iota {dimensions = array<i32: 0>} : vector<16xi32>
    %add3A_39 = arith.constant 144 : i32
    %add3A_40 = vector.broadcast %add3A_39 : i32 to vector<16xi32>
    %add3A_41 = arith.addi %iota3A_38, %add3A_40 : vector<16xi32>
    %iota3A_42 = tpu.iota {dimensions = array<i32: 0>} : vector<16xi32>
    %add3A_43 = arith.constant 160 : i32
    %add3A_44 = vector.broadcast %add3A_43 : i32 to vector<16xi32>
    %add3A_45 = arith.addi %iota3A_42, %add3A_44 : vector<16xi32>
    %iota3A_46 = tpu.iota {dimensions = array<i32: 0>} : vector<16xi32>
    %add3A_47 = arith.constant 176 : i32
    %add3A_48 = vector.broadcast %add3A_47 : i32 to vector<16xi32>
    %add3A_49 = arith.addi %iota3A_46, %add3A_48 : vector<16xi32>
    %iota3A_50 = tpu.iota {dimensions = array<i32: 0>} : vector<16xi32>
    %add3A_51 = arith.constant 192 : i32
    %add3A_52 = vector.broadcast %add3A_51 : i32 to vector<16xi32>
    %add3A_53 = arith.addi %iota3A_50, %add3A_52 : vector<16xi32>
    %iota3A_54 = tpu.iota {dimensions = array<i32: 0>} : vector<16xi32>
    %add3A_55 = arith.constant 208 : i32
    %add3A_56 = vector.broadcast %add3A_55 : i32 to vector<16xi32>
    %add3A_57 = arith.addi %iota3A_54, %add3A_56 : vector<16xi32>
    %iota3A_58 = tpu.iota {dimensions = array<i32: 0>} : vector<16xi32>
    %add3A_59 = arith.constant 224 : i32
    %add3A_60 = vector.broadcast %add3A_59 : i32 to vector<16xi32>
    %add3A_61 = arith.addi %iota3A_58, %add3A_60 : vector<16xi32>
    %iota3A_62 = tpu.iota {dimensions = array<i32: 0>} : vector<16xi32>
    %add3A_63 = arith.constant 240 : i32
    %add3A_64 = vector.broadcast %add3A_63 : i32 to vector<16xi32>
    %add3A_65 = arith.addi %iota3A_62, %add3A_64 : vector<16xi32>
    %iota3A_66 = tpu.iota {dimensions = array<i32: 0>} : vector<16xi32>
    %add3A_67 = arith.constant 256 : i32
    %add3A_68 = vector.broadcast %add3A_67 : i32 to vector<16xi32>
    %add3A_69 = arith.addi %iota3A_66, %add3A_68 : vector<16xi32>
    %iota3A_70 = tpu.iota {dimensions = array<i32: 0>} : vector<16xi32>
    %add3A_71 = arith.constant 272 : i32
    %add3A_72 = vector.broadcast %add3A_71 : i32 to vector<16xi32>
    %add3A_73 = arith.addi %iota3A_70, %add3A_72 : vector<16xi32>
    %iota3A_74 = tpu.iota {dimensions = array<i32: 0>} : vector<16xi32>
    %add3A_75 = arith.constant 288 : i32
    %add3A_76 = vector.broadcast %add3A_75 : i32 to vector<16xi32>
    %add3A_77 = arith.addi %iota3A_74, %add3A_76 : vector<16xi32>
    %iota3A_78 = tpu.iota {dimensions = array<i32: 0>} : vector<16xi32>
    %add3A_79 = arith.constant 304 : i32
    %add3A_80 = vector.broadcast %add3A_79 : i32 to vector<16xi32>
    %add3A_81 = arith.addi %iota3A_78, %add3A_80 : vector<16xi32>
    %iota3A_82 = tpu.iota {dimensions = array<i32: 0>} : vector<16xi32>
    %add3A_83 = arith.constant 320 : i32
    %add3A_84 = vector.broadcast %add3A_83 : i32 to vector<16xi32>
    %add3A_85 = arith.addi %iota3A_82, %add3A_84 : vector<16xi32>
    %iota3A_86 = tpu.iota {dimensions = array<i32: 0>} : vector<16xi32>
    %add3A_87 = arith.constant 336 : i32
    %add3A_88 = vector.broadcast %add3A_87 : i32 to vector<16xi32>
    %add3A_89 = arith.addi %iota3A_86, %add3A_88 : vector<16xi32>
    %iota3A_90 = tpu.iota {dimensions = array<i32: 0>} : vector<16xi32>
    %add3A_91 = arith.constant 352 : i32
    %add3A_92 = vector.broadcast %add3A_91 : i32 to vector<16xi32>
    %add3A_93 = arith.addi %iota3A_90, %add3A_92 : vector<16xi32>
    %iota3A_94 = tpu.iota {dimensions = array<i32: 0>} : vector<16xi32>
    %add3A_95 = arith.constant 368 : i32
    %add3A_96 = vector.broadcast %add3A_95 : i32 to vector<16xi32>
    %add3A_97 = arith.addi %iota3A_94, %add3A_96 : vector<16xi32>
    %iota3A_98 = tpu.iota {dimensions = array<i32: 0>} : vector<16xi32>
    %add3A_99 = arith.constant 384 : i32
    %add3A_100 = vector.broadcast %add3A_99 : i32 to vector<16xi32>
    %add3A_101 = arith.addi %iota3A_98, %add3A_100 : vector<16xi32>
    %iota3A_102 = tpu.iota {dimensions = array<i32: 0>} : vector<16xi32>
    %add3A_103 = arith.constant 400 : i32
    %add3A_104 = vector.broadcast %add3A_103 : i32 to vector<16xi32>
    %add3A_105 = arith.addi %iota3A_102, %add3A_104 : vector<16xi32>
    %iota3A_106 = tpu.iota {dimensions = array<i32: 0>} : vector<16xi32>
    %add3A_107 = arith.constant 416 : i32
    %add3A_108 = vector.broadcast %add3A_107 : i32 to vector<16xi32>
    %add3A_109 = arith.addi %iota3A_106, %add3A_108 : vector<16xi32>
    %iota3A_110 = tpu.iota {dimensions = array<i32: 0>} : vector<16xi32>
    %add3A_111 = arith.constant 432 : i32
    %add3A_112 = vector.broadcast %add3A_111 : i32 to vector<16xi32>
    %add3A_113 = arith.addi %iota3A_110, %add3A_112 : vector<16xi32>
    %iota3A_114 = tpu.iota {dimensions = array<i32: 0>} : vector<16xi32>
    %add3A_115 = arith.constant 448 : i32
    %add3A_116 = vector.broadcast %add3A_115 : i32 to vector<16xi32>
    %add3A_117 = arith.addi %iota3A_114, %add3A_116 : vector<16xi32>
    %iota3A_118 = tpu.iota {dimensions = array<i32: 0>} : vector<16xi32>
    %add3A_119 = arith.constant 464 : i32
    %add3A_120 = vector.broadcast %add3A_119 : i32 to vector<16xi32>
    %add3A_121 = arith.addi %iota3A_118, %add3A_120 : vector<16xi32>
    %iota3A_122 = tpu.iota {dimensions = array<i32: 0>} : vector<16xi32>
    %add3A_123 = arith.constant 480 : i32
    %add3A_124 = vector.broadcast %add3A_123 : i32 to vector<16xi32>
    %add3A_125 = arith.addi %iota3A_122, %add3A_124 : vector<16xi32>
    %iota3A_126 = tpu.iota {dimensions = array<i32: 0>} : vector<16xi32>
    %add3A_127 = arith.constant 496 : i32
    %add3A_128 = vector.broadcast %add3A_127 : i32 to vector<16xi32>
    %add3A_129 = arith.addi %iota3A_126, %add3A_128 : vector<16xi32>
    %iota3A_130 = tpu.iota {dimensions = array<i32: 0>} : vector<16xi32>
    %add3A_131 = arith.constant 0 : i32
    %add3A_132 = vector.broadcast %add3A_131 : i32 to vector<16xi32>
    %add3A_133 = arith.addi %iota3A_130, %add3A_132 : vector<16xi32>
    %iota3A_134 = tpu.iota {dimensions = array<i32: 0>} : vector<16xi32>
    %add3A_135 = arith.constant 16 : i32
    %add3A_136 = vector.broadcast %add3A_135 : i32 to vector<16xi32>
    %add3A_137 = arith.addi %iota3A_134, %add3A_136 : vector<16xi32>
    %iota3A_138 = tpu.iota {dimensions = array<i32: 0>} : vector<16xi32>
    %add3A_139 = arith.constant 32 : i32
    %add3A_140 = vector.broadcast %add3A_139 : i32 to vector<16xi32>
    %add3A_141 = arith.addi %iota3A_138, %add3A_140 : vector<16xi32>
    %iota3A_142 = tpu.iota {dimensions = array<i32: 0>} : vector<16xi32>
    %add3A_143 = arith.constant 48 : i32
    %add3A_144 = vector.broadcast %add3A_143 : i32 to vector<16xi32>
    %add3A_145 = arith.addi %iota3A_142, %add3A_144 : vector<16xi32>
    %get3A = arith.constant 0 : index
    %get3A_146 = tpu.vector_load %arg5[%get3A] {strides = array<i32>} : memref<544xi32, #tpu.memory_space<vmem>>, vector<16xi32>,
    %slice3A = vector.extract_strided_slice %get3A_146 {offsets = [0], sizes = [1], strides = [1]} : vector<16xi32> to vector<1xi32>
    %squeeze3A = vector.extract %slice3A[0] : i32 from vector<1xi32>
    %rem3A = arith.constant 128 : i32
    %rem3A_147 = arith.remsi %squeeze3A, %rem3A : i32
    %sub3A = arith.subi %squeeze3A, %rem3A_147 : i32
    %multiple_of3A = tpu.assume_multiple %sub3A, 128 : i32
    %dma_start3A = arith.constant 0 : i32
    %dma_start3A_148 = arith.constant 0 : i32
    %dma_start3A_149 = tpu.memref_slice %arg6[%dma_start3A, %dma_start3A_148] : memref<512x128xf32, #tpu.memory_space<vmem>> -> memref<64x128xf32, #tpu.memory_space<vmem>>
    %dma_start3A_150 = arith.constant 0 : i32
    %dma_start3A_151 = tpu.memref_slice %arg3[%dma_start3A_150, %multiple_of3A] : memref<64x1000000xf32, #tpu.memory_space<hbm>> -> memref<64x128xf32, #tpu.memory_space<hbm>>
    %dma_start3A_152 = arith.constant 0 : i32
    %dma_start3A_153 = arith.constant 0 : i32
    %dma_start3A_154 = tpu.memref_slice %arg6[%dma_start3A_152, %dma_start3A_153] : memref<512x128xf32, #tpu.memory_space<vmem>> -> memref<64x128xf32, #tpu.memory_space<vmem>>
    %dma_start3A_155 = arith.constant 0 : i32
    %dma_start3A_156 = tpu.memref_slice %arg3[%dma_start3A_155, %multiple_of3A] : memref<64x1000000xf32, #tpu.memory_space<hbm>> -> memref<64x128xf32, #tpu.memory_space<hbm>>
    tpu.enqueue_dma source(%dma_start3A_156 : memref<64x128xf32, #tpu.memory_space<hbm>>) target(%dma_start3A_154 : memref<64x128xf32, #tpu.memory_space<vmem>>) target_semaphore(%arg8 : memref<!tpu.dma_semaphore, #tpu.memory_space<semaphore_mem>>)
    %slice3A_157 = vector.extract_strided_slice %get3A_146 {offsets = [1], sizes = [1], strides = [1]} : vector<16xi32> to vector<1xi32>
    %squeeze3A_158 = vector.extract %slice3A_157[0] : i32 from vector<1xi32>
    %rem3A_159 = arith.constant 128 : i32
    %rem3A_160 = arith.remsi %squeeze3A_158, %rem3A_159 : i32
    %sub3A_161 = arith.subi %squeeze3A_158, %rem3A_160 : i32
    %multiple_of3A_162 = tpu.assume_multiple %sub3A_161, 128 : i32
    %dma_start3A_163 = arith.constant 64 : i32
    %dma_start3A_164 = arith.constant 0 : i32
    %dma_start3A_165 = tpu.memref_slice %arg6[%dma_start3A_163, %dma_start3A_164] : memref<512x128xf32, #tpu.memory_space<vmem>> -> memref<64x128xf32, #tpu.memory_space<vmem>>
    %dma_start3A_166 = arith.constant 0 : i32
    %dma_start3A_167 = tpu.memref_slice %arg3[%dma_start3A_166, %multiple_of3A_162] : memref<64x1000000xf32, #tpu.memory_space<hbm>> -> memref<64x128xf32, #tpu.memory_space<hbm>>
    %dma_start3A_168 = arith.constant 64 : i32
    %dma_start3A_169 = arith.constant 0 : i32
    %dma_start3A_170 = tpu.memref_slice %arg6[%dma_start3A_168, %dma_start3A_169] : memref<512x128xf32, #tpu.memory_space<vmem>> -> memref<64x128xf32, #tpu.memory_space<vmem>>
    %dma_start3A_171 = arith.constant 0 : i32
    %dma_start3A_172 = tpu.memref_slice %arg3[%dma_start3A_171, %multiple_of3A_162] : memref<64x1000000xf32, #tpu.memory_space<hbm>> -> memref<64x128xf32, #tpu.memory_space<hbm>>
    tpu.enqueue_dma source(%dma_start3A_172 : memref<64x128xf32, #tpu.memory_space<hbm>>) target(%dma_start3A_170 : memref<64x128xf32, #tpu.memory_space<vmem>>) target_semaphore(%arg8 : memref<!tpu.dma_semaphore, #tpu.memory_space<semaphore_mem>>)
    %slice3A_173 = vector.extract_strided_slice %get3A_146 {offsets = [2], sizes = [1], strides = [1]} : vector<16xi32> to vector<1xi32>
    %squeeze3A_174 = vector.extract %slice3A_173[0] : i32 from vector<1xi32>
    %rem3A_175 = arith.constant 128 : i32
    %rem3A_176 = arith.remsi %squeeze3A_174, %rem3A_175 : i32
    %sub3A_177 = arith.subi %squeeze3A_174, %rem3A_176 : i32
    %multiple_of3A_178 = tpu.assume_multiple %sub3A_177, 128 : i32
    %dma_start3A_179 = arith.constant 128 : i32
    %dma_start3A_180 = arith.constant 0 : i32
    %dma_start3A_181 = tpu.memref_slice %arg6[%dma_start3A_179, %dma_start3A_180] : memref<512x128xf32, #tpu.memory_space<vmem>> -> memref<64x128xf32, #tpu.memory_space<vmem>>
    %dma_start3A_182 = arith.constant 0 : i32
    %dma_start3A_183 = tpu.memref_slice %arg3[%dma_start3A_182, %multiple_of3A_178] : memref<64x1000000xf32, #tpu.memory_space<hbm>> -> memref<64x128xf32, #tpu.memory_space<hbm>>
    %dma_start3A_184 = arith.constant 128 : i32
    %dma_start3A_185 = arith.constant 0 : i32
    %dma_start3A_186 = tpu.memref_slice %arg6[%dma_start3A_184, %dma_start3A_185] : memref<512x128xf32, #tpu.memory_space<vmem>> -> memref<64x128xf32, #tpu.memory_space<vmem>>
    %dma_start3A_187 = arith.constant 0 : i32
    %dma_start3A_188 = tpu.memref_slice %arg3[%dma_start3A_187, %multiple_of3A_178] : memref<64x1000000xf32, #tpu.memory_space<hbm>> -> memref<64x128xf32, #tpu.memory_space<hbm>>
    tpu.enqueue_dma source(%dma_start3A_188 : memref<64x128xf32, #tpu.memory_space<hbm>>) target(%dma_start3A_186 : memref<64x128xf32, #tpu.memory_space<vmem>>) target_semaphore(%arg8 : memref<!tpu.dma_semaphore, #tpu.memory_space<semaphore_mem>>)
    %slice3A_189 = vector.extract_strided_slice %get3A_146 {offsets = [3], sizes = [1], strides = [1]} : vector<16xi32> to vector<1xi32>
    %squeeze3A_190 = vector.extract %slice3A_189[0] : i32 from vector<1xi32>
    %rem3A_191 = arith.constant 128 : i32
    %rem3A_192 = arith.remsi %squeeze3A_190, %rem3A_191 : i32
    %sub3A_193 = arith.subi %squeeze3A_190, %rem3A_192 : i32
    %multiple_of3A_194 = tpu.assume_multiple %sub3A_193, 128 : i32
    %dma_start3A_195 = arith.constant 192 : i32
    %dma_start3A_196 = arith.constant 0 : i32
    %dma_start3A_197 = tpu.memref_slice %arg6[%dma_start3A_195, %dma_start3A_196] : memref<512x128xf32, #tpu.memory_space<vmem>> -> memref<64x128xf32, #tpu.memory_space<vmem>>
    %dma_start3A_198 = arith.constant 0 : i32
    %dma_start3A_199 = tpu.memref_slice %arg3[%dma_start3A_198, %multiple_of3A_194] : memref<64x1000000xf32, #tpu.memory_space<hbm>> -> memref<64x128xf32, #tpu.memory_space<hbm>>
    %dma_start3A_200 = arith.constant 192 : i32
    %dma_start3A_201 = arith.constant 0 : i32
    %dma_start3A_202 = tpu.memref_slice %arg6[%dma_start3A_200, %dma_start3A_201] : memref<512x128xf32, #tpu.memory_space<vmem>> -> memref<64x128xf32, #tpu.memory_space<vmem>>
    %dma_start3A_203 = arith.constant 0 : i32
    %dma_start3A_204 = tpu.memref_slice %arg3[%dma_start3A_203, %multiple_of3A_194] : memref<64x1000000xf32, #tpu.memory_space<hbm>> -> memref<64x128xf32, #tpu.memory_space<hbm>>
    tpu.enqueue_dma source(%dma_start3A_204 : memref<64x128xf32, #tpu.memory_space<hbm>>) target(%dma_start3A_202 : memref<64x128xf32, #tpu.memory_space<vmem>>) target_semaphore(%arg8 : memref<!tpu.dma_semaphore, #tpu.memory_space<semaphore_mem>>)
    %slice3A_205 = vector.extract_strided_slice %get3A_146 {offsets = [4], sizes = [1], strides = [1]} : vector<16xi32> to vector<1xi32>
    %squeeze3A_206 = vector.extract %slice3A_205[0] : i32 from vector<1xi32>
    %rem3A_207 = arith.constant 128 : i32
    %rem3A_208 = arith.remsi %squeeze3A_206, %rem3A_207 : i32
    %sub3A_209 = arith.subi %squeeze3A_206, %rem3A_208 : i32
    %multiple_of3A_210 = tpu.assume_multiple %sub3A_209, 128 : i32
    %dma_start3A_211 = arith.constant 256 : i32
    %dma_start3A_212 = arith.constant 0 : i32
    %dma_start3A_213 = tpu.memref_slice %arg6[%dma_start3A_211, %dma_start3A_212] : memref<512x128xf32, #tpu.memory_space<vmem>> -> memref<64x128xf32, #tpu.memory_space<vmem>>
    %dma_start3A_214 = arith.constant 0 : i32
    %dma_start3A_215 = tpu.memref_slice %arg3[%dma_start3A_214, %multiple_of3A_210] : memref<64x1000000xf32, #tpu.memory_space<hbm>> -> memref<64x128xf32, #tpu.memory_space<hbm>>
    %dma_start3A_216 = arith.constant 256 : i32
    %dma_start3A_217 = arith.constant 0 : i32
    %dma_start3A_218 = tpu.memref_slice %arg6[%dma_start3A_216, %dma_start3A_217] : memref<512x128xf32, #tpu.memory_space<vmem>> -> memref<64x128xf32, #tpu.memory_space<vmem>>
    %dma_start3A_219 = arith.constant 0 : i32
    %dma_start3A_220 = tpu.memref_slice %arg3[%dma_start3A_219, %multiple_of3A_210] : memref<64x1000000xf32, #tpu.memory_space<hbm>> -> memref<64x128xf32, #tpu.memory_space<hbm>>
    tpu.enqueue_dma source(%dma_start3A_220 : memref<64x128xf32, #tpu.memory_space<hbm>>) target(%dma_start3A_218 : memref<64x128xf32, #tpu.memory_space<vmem>>) target_semaphore(%arg8 : memref<!tpu.dma_semaphore, #tpu.memory_space<semaphore_mem>>)
    %slice3A_221 = vector.extract_strided_slice %get3A_146 {offsets = [5], sizes = [1], strides = [1]} : vector<16xi32> to vector<1xi32>
    %squeeze3A_222 = vector.extract %slice3A_221[0] : i32 from vector<1xi32>
    %rem3A_223 = arith.constant 128 : i32
    %rem3A_224 = arith.remsi %squeeze3A_222, %rem3A_223 : i32
    %sub3A_225 = arith.subi %squeeze3A_222, %rem3A_224 : i32
    %multiple_of3A_226 = tpu.assume_multiple %sub3A_225, 128 : i32
    %dma_start3A_227 = arith.constant 320 : i32
    %dma_start3A_228 = arith.constant 0 : i32
    %dma_start3A_229 = tpu.memref_slice %arg6[%dma_start3A_227, %dma_start3A_228] : memref<512x128xf32, #tpu.memory_space<vmem>> -> memref<64x128xf32, #tpu.memory_space<vmem>>
    %dma_start3A_230 = arith.constant 0 : i32
    %dma_start3A_231 = tpu.memref_slice %arg3[%dma_start3A_230, %multiple_of3A_226] : memref<64x1000000xf32, #tpu.memory_space<hbm>> -> memref<64x128xf32, #tpu.memory_space<hbm>>
    %dma_start3A_232 = arith.constant 320 : i32
    %dma_start3A_233 = arith.constant 0 : i32
    %dma_start3A_234 = tpu.memref_slice %arg6[%dma_start3A_232, %dma_start3A_233] : memref<512x128xf32, #tpu.memory_space<vmem>> -> memref<64x128xf32, #tpu.memory_space<vmem>>
    %dma_start3A_235 = arith.constant 0 : i32
    %dma_start3A_236 = tpu.memref_slice %arg3[%dma_start3A_235, %multiple_of3A_226] : memref<64x1000000xf32, #tpu.memory_space<hbm>> -> memref<64x128xf32, #tpu.memory_space<hbm>>
    tpu.enqueue_dma source(%dma_start3A_236 : memref<64x128xf32, #tpu.memory_space<hbm>>) target(%dma_start3A_234 : memref<64x128xf32, #tpu.memory_space<vmem>>) target_semaphore(%arg8 : memref<!tpu.dma_semaphore, #tpu.memory_space<semaphore_mem>>)
    %slice3A_237 = vector.extract_strided_slice %get3A_146 {offsets = [6], sizes = [1], strides = [1]} : vector<16xi32> to vector<1xi32>
    %squeeze3A_238 = vector.extract %slice3A_237[0] : i32 from vector<1xi32>
    %rem3A_239 = arith.constant 128 : i32
    %rem3A_240 = arith.remsi %squeeze3A_238, %rem3A_239 : i32
    %sub3A_241 = arith.subi %squeeze3A_238, %rem3A_240 : i32
    %multiple_of3A_242 = tpu.assume_multiple %sub3A_241, 128 : i32
    %dma_start3A_243 = arith.constant 384 : i32
    %dma_start3A_244 = arith.constant 0 : i32
    %dma_start3A_245 = tpu.memref_slice %arg6[%dma_start3A_243, %dma_start3A_244] : memref<512x128xf32, #tpu.memory_space<vmem>> -> memref<64x128xf32, #tpu.memory_space<vmem>>
    %dma_start3A_246 = arith.constant 0 : i32
    %dma_start3A_247 = tpu.memref_slice %arg3[%dma_start3A_246, %multiple_of3A_242] : memref<64x1000000xf32, #tpu.memory_space<hbm>> -> memref<64x128xf32, #tpu.memory_space<hbm>>
    %dma_start3A_248 = arith.constant 384 : i32
    %dma_start3A_249 = arith.constant 0 : i32
    %dma_start3A_250 = tpu.memref_slice %arg6[%dma_start3A_248, %dma_start3A_249] : memref<512x128xf32, #tpu.memory_space<vmem>> -> memref<64x128xf32, #tpu.memory_space<vmem>>
    %dma_start3A_251 = arith.constant 0 : i32
    %dma_start3A_252 = tpu.memref_slice %arg3[%dma_start3A_251, %multiple_of3A_242] : memref<64x1000000xf32, #tpu.memory_space<hbm>> -> memref<64x128xf32, #tpu.memory_space<hbm>>
    tpu.enqueue_dma source(%dma_start3A_252 : memref<64x128xf32, #tpu.memory_space<hbm>>) target(%dma_start3A_250 : memref<64x128xf32, #tpu.memory_space<vmem>>) target_semaphore(%arg8 : memref<!tpu.dma_semaphore, #tpu.memory_space<semaphore_mem>>)
    %slice3A_253 = vector.extract_strided_slice %get3A_146 {offsets = [7], sizes = [1], strides = [1]} : vector<16xi32> to vector<1xi32>
    %squeeze3A_254 = vector.extract %slice3A_253[0] : i32 from vector<1xi32>
    %rem3A_255 = arith.constant 128 : i32
    %rem3A_256 = arith.remsi %squeeze3A_254, %rem3A_255 : i32
    %sub3A_257 = arith.subi %squeeze3A_254, %rem3A_256 : i32
    %multiple_of3A_258 = tpu.assume_multiple %sub3A_257, 128 : i32
    %dma_start3A_259 = arith.constant 448 : i32
    %dma_start3A_260 = arith.constant 0 : i32
    %dma_start3A_261 = tpu.memref_slice %arg6[%dma_start3A_259, %dma_start3A_260] : memref<512x128xf32, #tpu.memory_space<vmem>> -> memref<64x128xf32, #tpu.memory_space<vmem>>
    %dma_start3A_262 = arith.constant 0 : i32
    %dma_start3A_263 = tpu.memref_slice %arg3[%dma_start3A_262, %multiple_of3A_258] : memref<64x1000000xf32, #tpu.memory_space<hbm>> -> memref<64x128xf32, #tpu.memory_space<hbm>>
    %dma_start3A_264 = arith.constant 448 : i32
    %dma_start3A_265 = arith.constant 0 : i32
    %dma_start3A_266 = tpu.memref_slice %arg6[%dma_start3A_264, %dma_start3A_265] : memref<512x128xf32, #tpu.memory_space<vmem>> -> memref<64x128xf32, #tpu.memory_space<vmem>>
    %dma_start3A_267 = arith.constant 0 : i32
    %dma_start3A_268 = tpu.memref_slice %arg3[%dma_start3A_267, %multiple_of3A_258] : memref<64x1000000xf32, #tpu.memory_space<hbm>> -> memref<64x128xf32, #tpu.memory_space<hbm>>
    tpu.enqueue_dma source(%dma_start3A_268 : memref<64x128xf32, #tpu.memory_space<hbm>>) target(%dma_start3A_266 : memref<64x128xf32, #tpu.memory_space<vmem>>) target_semaphore(%arg8 : memref<!tpu.dma_semaphore, #tpu.memory_space<semaphore_mem>>)
    %scan3A = arith.constant 0 : i32
    %scan3A_269 = arith.constant 0 : i32
    %scan3A_270 = arith.constant 32 : i32
    %scan3A_271 = arith.addi %scan3A_269, %scan3A_270 : i32
    %scan3A_272 = arith.constant 1 : i32
    scf.for %scan3A_274 = %scan3A_269 to %scan3A_271 step %scan3A_272  : i32 {
      %mul3A_275 = arith.constant 16 : i32
      %mul3A_276 = arith.muli %mul3A_275, %scan3A_274 : i32
      %get3A_277 = arith.index_cast %mul3A_276 : i32 to index
      %get3A_278 = tpu.vector_load %arg5[%get3A_277] {strides = array<i32>} : memref<544xi32, #tpu.memory_space<vmem>>, vector<16xi32>,
      %mul3A_279 = arith.constant 16 : i32
      %mul3A_280 = arith.muli %mul3A_279, %scan3A_274 : i32
      %add3A_281 = arith.constant 16 : i32
      %add3A_282 = arith.addi %mul3A_280, %add3A_281 : i32
      %get3A_283 = arith.index_cast %add3A_282 : i32 to index
      %get3A_284 = tpu.vector_load %arg5[%get3A_283] {strides = array<i32>} : memref<544xi32, #tpu.memory_space<vmem>>, vector<16xi32>,
      %and3A = arith.constant 7 : i32
      %and3A_285 = arith.andi %scan3A_274, %and3A : i32
      %mul3A_286 = arith.constant 16 : i32
      %mul3A_287 = arith.muli %and3A_285, %mul3A_286 : i32
      %dma_wait3A = arith.constant 0 : i32
      %dma_wait3A_288 = arith.constant 0 : i32
      %dma_wait3A_289 = tpu.memref_slice %arg6[%dma_wait3A, %dma_wait3A_288] : memref<512x128xf32, #tpu.memory_space<vmem>> -> memref<64x128xf32, #tpu.memory_space<vmem>>
      %dma_wait3A_290 = arith.constant 0 : i32
      %dma_wait3A_291 = arith.constant 0 : i32
      %dma_wait3A_292 = tpu.memref_slice %arg3[%dma_wait3A_290, %dma_wait3A_291] : memref<64x1000000xf32, #tpu.memory_space<hbm>> -> memref<64x128xf32, #tpu.memory_space<hbm>>
      %dma_wait3A_293 = arith.constant 0 : i32
      %dma_wait3A_294 = arith.constant 0 : i32
      %dma_wait3A_295 = tpu.memref_slice %arg6[%dma_wait3A_293, %dma_wait3A_294] : memref<512x128xf32, #tpu.memory_space<vmem>> -> memref<64x128xf32, #tpu.memory_space<vmem>>
      %dma_wait3A_296 = arith.constant 0 : i32
      %dma_wait3A_297 = arith.constant 0 : i32
      %dma_wait3A_298 = tpu.memref_slice %arg3[%dma_wait3A_296, %dma_wait3A_297] : memref<64x1000000xf32, #tpu.memory_space<hbm>> -> memref<64x128xf32, #tpu.memory_space<hbm>>
      tpu.wait_dma2 semaphore(%arg8 : memref<!tpu.dma_semaphore, #tpu.memory_space<semaphore_mem>>) src(%dma_wait3A_298 : memref<64x128xf32, #tpu.memory_space<hbm>>) dst(%dma_wait3A_295 : memref<64x128xf32, #tpu.memory_space<vmem>>)
      %slice3A_299 = vector.extract_strided_slice %get3A_278 {offsets = [0], sizes = [1], strides = [1]} : vector<16xi32> to vector<1xi32>
      %squeeze3A_300 = vector.extract %slice3A_299[0] : i32 from vector<1xi32>
      %add3A_301 = arith.constant 0 : i32
      %add3A_302 = arith.addi %mul3A_287, %add3A_301 : i32
      %rem3A_303 = arith.constant 128 : i32
      %rem3A_304 = arith.remsi %squeeze3A_300, %rem3A_303 : i32
      %add3A_305 = arith.constant 0 : i32
      %add3A_306 = arith.addi %rem3A_304, %add3A_305 : i32
      %broadcast_in_dim3A = vector.broadcast %add3A_306 : i32 to vector<16xi32>
      %add3A_307 = arith.constant 0 : i32
      %add3A_308 = arith.addi %add3A_302, %add3A_307 : i32
      %broadcast_in_dim3A_309 = vector.broadcast %add3A_308 : i32 to vector<16xi32>
      %gather3A = tpu.vector_load_idx %arg6[%add3A_5, %broadcast_in_dim3A] : memref<512x128xf32, #tpu.memory_space<vmem>>[vector<16xi32>, vector<16xi32>], vector<16xf32>,
      tpu.vector_store_idx %arg7[%add3A_133, %broadcast_in_dim3A_309], %gather3A : memref<64x128xf32, #tpu.memory_space<vmem>>[vector<16xi32>, vector<16xi32>], vector<16xf32>,
      %gather3A_310 = tpu.vector_load_idx %arg6[%add3A_9, %broadcast_in_dim3A] : memref<512x128xf32, #tpu.memory_space<vmem>>[vector<16xi32>, vector<16xi32>], vector<16xf32>,
      tpu.vector_store_idx %arg7[%add3A_137, %broadcast_in_dim3A_309], %gather3A_310 : memref<64x128xf32, #tpu.memory_space<vmem>>[vector<16xi32>, vector<16xi32>], vector<16xf32>,
      %gather3A_311 = tpu.vector_load_idx %arg6[%add3A_13, %broadcast_in_dim3A] : memref<512x128xf32, #tpu.memory_space<vmem>>[vector<16xi32>, vector<16xi32>], vector<16xf32>,
      tpu.vector_store_idx %arg7[%add3A_141, %broadcast_in_dim3A_309], %gather3A_311 : memref<64x128xf32, #tpu.memory_space<vmem>>[vector<16xi32>, vector<16xi32>], vector<16xf32>,
      %gather3A_312 = tpu.vector_load_idx %arg6[%add3A_17, %broadcast_in_dim3A] : memref<512x128xf32, #tpu.memory_space<vmem>>[vector<16xi32>, vector<16xi32>], vector<16xf32>,
      tpu.vector_store_idx %arg7[%add3A_145, %broadcast_in_dim3A_309], %gather3A_312 : memref<64x128xf32, #tpu.memory_space<vmem>>[vector<16xi32>, vector<16xi32>], vector<16xf32>,
      %slice3A_313 = vector.extract_strided_slice %get3A_278 {offsets = [8], sizes = [1], strides = [1]} : vector<16xi32> to vector<1xi32>
      %squeeze3A_314 = vector.extract %slice3A_313[0] : i32 from vector<1xi32>
      %mul3A_315 = arith.constant 16 : i32
      %mul3A_316 = arith.muli %mul3A_315, %scan3A_274 : i32
      %add3A_317 = arith.constant 0 : i32
      %add3A_318 = arith.addi %mul3A_316, %add3A_317 : i32
      %add3A_319 = arith.constant 8 : i32
      %add3A_320 = arith.addi %add3A_318, %add3A_319 : i32
      %lt3A = arith.constant 512 : i32
      %lt3A_321 = arith.cmpi slt, %add3A_320, %lt3A : i32
      %convert_element_type3A = arith.extui %lt3A_321 : i1 to i32
      %cond3A = arith.constant 0 : i32
      %cond3A_322 = arith.cmpi ne, %convert_element_type3A, %cond3A : i32
      scf.if %cond3A_322 {
        %rem3A_944 = arith.constant 128 : i32
        %rem3A_945 = arith.remsi %squeeze3A_314, %rem3A_944 : i32
        %sub3A_946 = arith.subi %squeeze3A_314, %rem3A_945 : i32
        %multiple_of3A_947 = tpu.assume_multiple %sub3A_946, 128 : i32
        %dma_start3A_948 = arith.constant 0 : i32
        %dma_start3A_949 = arith.constant 0 : i32
        %dma_start3A_950 = tpu.memref_slice %arg6[%dma_start3A_948, %dma_start3A_949] : memref<512x128xf32, #tpu.memory_space<vmem>> -> memref<64x128xf32, #tpu.memory_space<vmem>>
        %dma_start3A_951 = arith.constant 0 : i32
        %dma_start3A_952 = tpu.memref_slice %arg3[%dma_start3A_951, %multiple_of3A_947] : memref<64x1000000xf32, #tpu.memory_space<hbm>> -> memref<64x128xf32, #tpu.memory_space<hbm>>
        %dma_start3A_953 = arith.constant 0 : i32
        %dma_start3A_954 = arith.constant 0 : i32
        %dma_start3A_955 = tpu.memref_slice %arg6[%dma_start3A_953, %dma_start3A_954] : memref<512x128xf32, #tpu.memory_space<vmem>> -> memref<64x128xf32, #tpu.memory_space<vmem>>
        %dma_start3A_956 = arith.constant 0 : i32
        %dma_start3A_957 = tpu.memref_slice %arg3[%dma_start3A_956, %multiple_of3A_947] : memref<64x1000000xf32, #tpu.memory_space<hbm>> -> memref<64x128xf32, #tpu.memory_space<hbm>>
        tpu.enqueue_dma source(%dma_start3A_957 : memref<64x128xf32, #tpu.memory_space<hbm>>) target(%dma_start3A_955 : memref<64x128xf32, #tpu.memory_space<vmem>>) target_semaphore(%arg8 : memref<!tpu.dma_semaphore, #tpu.memory_space<semaphore_mem>>)
      } else {
      }
      %dma_wait3A_323 = arith.constant 64 : i32
      %dma_wait3A_324 = arith.constant 0 : i32
      %dma_wait3A_325 = tpu.memref_slice %arg6[%dma_wait3A_323, %dma_wait3A_324] : memref<512x128xf32, #tpu.memory_space<vmem>> -> memref<64x128xf32, #tpu.memory_space<vmem>>
      %dma_wait3A_326 = arith.constant 0 : i32
      %dma_wait3A_327 = arith.constant 0 : i32
      %dma_wait3A_328 = tpu.memref_slice %arg3[%dma_wait3A_326, %dma_wait3A_327] : memref<64x1000000xf32, #tpu.memory_space<hbm>> -> memref<64x128xf32, #tpu.memory_space<hbm>>
      %dma_wait3A_329 = arith.constant 64 : i32
      %dma_wait3A_330 = arith.constant 0 : i32
      %dma_wait3A_331 = tpu.memref_slice %arg6[%dma_wait3A_329, %dma_wait3A_330] : memref<512x128xf32, #tpu.memory_space<vmem>> -> memref<64x128xf32, #tpu.memory_space<vmem>>
      %dma_wait3A_332 = arith.constant 0 : i32
      %dma_wait3A_333 = arith.constant 0 : i32
      %dma_wait3A_334 = tpu.memref_slice %arg3[%dma_wait3A_332, %dma_wait3A_333] : memref<64x1000000xf32, #tpu.memory_space<hbm>> -> memref<64x128xf32, #tpu.memory_space<hbm>>
      tpu.wait_dma2 semaphore(%arg8 : memref<!tpu.dma_semaphore, #tpu.memory_space<semaphore_mem>>) src(%dma_wait3A_334 : memref<64x128xf32, #tpu.memory_space<hbm>>) dst(%dma_wait3A_331 : memref<64x128xf32, #tpu.memory_space<vmem>>)
      %slice3A_335 = vector.extract_strided_slice %get3A_278 {offsets = [1], sizes = [1], strides = [1]} : vector<16xi32> to vector<1xi32>
      %squeeze3A_336 = vector.extract %slice3A_335[0] : i32 from vector<1xi32>
      %add3A_337 = arith.constant 1 : i32
      %add3A_338 = arith.addi %mul3A_287, %add3A_337 : i32
      %rem3A_339 = arith.constant 128 : i32
      %rem3A_340 = arith.remsi %squeeze3A_336, %rem3A_339 : i32
      %add3A_341 = arith.constant 0 : i32
      %add3A_342 = arith.addi %rem3A_340, %add3A_341 : i32
      %broadcast_in_dim3A_343 = vector.broadcast %add3A_342 : i32 to vector<16xi32>
      %add3A_344 = arith.constant 0 : i32
      %add3A_345 = arith.addi %add3A_338, %add3A_344 : i32
      %broadcast_in_dim3A_346 = vector.broadcast %add3A_345 : i32 to vector<16xi32>
      %gather3A_347 = tpu.vector_load_idx %arg6[%add3A_21, %broadcast_in_dim3A_343] : memref<512x128xf32, #tpu.memory_space<vmem>>[vector<16xi32>, vector<16xi32>], vector<16xf32>,
      tpu.vector_store_idx %arg7[%add3A_133, %broadcast_in_dim3A_346], %gather3A_347 : memref<64x128xf32, #tpu.memory_space<vmem>>[vector<16xi32>, vector<16xi32>], vector<16xf32>,
      %gather3A_348 = tpu.vector_load_idx %arg6[%add3A_25, %broadcast_in_dim3A_343] : memref<512x128xf32, #tpu.memory_space<vmem>>[vector<16xi32>, vector<16xi32>], vector<16xf32>,
      tpu.vector_store_idx %arg7[%add3A_137, %broadcast_in_dim3A_346], %gather3A_348 : memref<64x128xf32, #tpu.memory_space<vmem>>[vector<16xi32>, vector<16xi32>], vector<16xf32>,
      %gather3A_349 = tpu.vector_load_idx %arg6[%add3A_29, %broadcast_in_dim3A_343] : memref<512x128xf32, #tpu.memory_space<vmem>>[vector<16xi32>, vector<16xi32>], vector<16xf32>,
      tpu.vector_store_idx %arg7[%add3A_141, %broadcast_in_dim3A_346], %gather3A_349 : memref<64x128xf32, #tpu.memory_space<vmem>>[vector<16xi32>, vector<16xi32>], vector<16xf32>,
      %gather3A_350 = tpu.vector_load_idx %arg6[%add3A_33, %broadcast_in_dim3A_343] : memref<512x128xf32, #tpu.memory_space<vmem>>[vector<16xi32>, vector<16xi32>], vector<16xf32>,
      tpu.vector_store_idx %arg7[%add3A_145, %broadcast_in_dim3A_346], %gather3A_350 : memref<64x128xf32, #tpu.memory_space<vmem>>[vector<16xi32>, vector<16xi32>], vector<16xf32>,
      %slice3A_351 = vector.extract_strided_slice %get3A_278 {offsets = [9], sizes = [1], strides = [1]} : vector<16xi32> to vector<1xi32>
      %squeeze3A_352 = vector.extract %slice3A_351[0] : i32 from vector<1xi32>
      %mul3A_353 = arith.constant 16 : i32
      %mul3A_354 = arith.muli %mul3A_353, %scan3A_274 : i32
      %add3A_355 = arith.constant 1 : i32
      %add3A_356 = arith.addi %mul3A_354, %add3A_355 : i32
      %add3A_357 = arith.constant 8 : i32
      %add3A_358 = arith.addi %add3A_356, %add3A_357 : i32
      %lt3A_359 = arith.constant 512 : i32
      %lt3A_360 = arith.cmpi slt, %add3A_358, %lt3A_359 : i32
      %convert_element_type3A_361 = arith.extui %lt3A_360 : i1 to i32
      %cond3A_362 = arith.constant 0 : i32
      %cond3A_363 = arith.cmpi ne, %convert_element_type3A_361, %cond3A_362 : i32
      scf.if %cond3A_363 {
        %rem3A_944 = arith.constant 128 : i32
        %rem3A_945 = arith.remsi %squeeze3A_352, %rem3A_944 : i32
        %sub3A_946 = arith.subi %squeeze3A_352, %rem3A_945 : i32
        %multiple_of3A_947 = tpu.assume_multiple %sub3A_946, 128 : i32
        %dma_start3A_948 = arith.constant 64 : i32
        %dma_start3A_949 = arith.constant 0 : i32
        %dma_start3A_950 = tpu.memref_slice %arg6[%dma_start3A_948, %dma_start3A_949] : memref<512x128xf32, #tpu.memory_space<vmem>> -> memref<64x128xf32, #tpu.memory_space<vmem>>
        %dma_start3A_951 = arith.constant 0 : i32
        %dma_start3A_952 = tpu.memref_slice %arg3[%dma_start3A_951, %multiple_of3A_947] : memref<64x1000000xf32, #tpu.memory_space<hbm>> -> memref<64x128xf32, #tpu.memory_space<hbm>>
        %dma_start3A_953 = arith.constant 64 : i32
        %dma_start3A_954 = arith.constant 0 : i32
        %dma_start3A_955 = tpu.memref_slice %arg6[%dma_start3A_953, %dma_start3A_954] : memref<512x128xf32, #tpu.memory_space<vmem>> -> memref<64x128xf32, #tpu.memory_space<vmem>>
        %dma_start3A_956 = arith.constant 0 : i32
        %dma_start3A_957 = tpu.memref_slice %arg3[%dma_start3A_956, %multiple_of3A_947] : memref<64x1000000xf32, #tpu.memory_space<hbm>> -> memref<64x128xf32, #tpu.memory_space<hbm>>
        tpu.enqueue_dma source(%dma_start3A_957 : memref<64x128xf32, #tpu.memory_space<hbm>>) target(%dma_start3A_955 : memref<64x128xf32, #tpu.memory_space<vmem>>) target_semaphore(%arg8 : memref<!tpu.dma_semaphore, #tpu.memory_space<semaphore_mem>>)
      } else {
      }
      %dma_wait3A_364 = arith.constant 128 : i32
      %dma_wait3A_365 = arith.constant 0 : i32
      %dma_wait3A_366 = tpu.memref_slice %arg6[%dma_wait3A_364, %dma_wait3A_365] : memref<512x128xf32, #tpu.memory_space<vmem>> -> memref<64x128xf32, #tpu.memory_space<vmem>>
      %dma_wait3A_367 = arith.constant 0 : i32
      %dma_wait3A_368 = arith.constant 0 : i32
      %dma_wait3A_369 = tpu.memref_slice %arg3[%dma_wait3A_367, %dma_wait3A_368] : memref<64x1000000xf32, #tpu.memory_space<hbm>> -> memref<64x128xf32, #tpu.memory_space<hbm>>
      %dma_wait3A_370 = arith.constant 128 : i32
      %dma_wait3A_371 = arith.constant 0 : i32
      %dma_wait3A_372 = tpu.memref_slice %arg6[%dma_wait3A_370, %dma_wait3A_371] : memref<512x128xf32, #tpu.memory_space<vmem>> -> memref<64x128xf32, #tpu.memory_space<vmem>>
      %dma_wait3A_373 = arith.constant 0 : i32
      %dma_wait3A_374 = arith.constant 0 : i32
      %dma_wait3A_375 = tpu.memref_slice %arg3[%dma_wait3A_373, %dma_wait3A_374] : memref<64x1000000xf32, #tpu.memory_space<hbm>> -> memref<64x128xf32, #tpu.memory_space<hbm>>
      tpu.wait_dma2 semaphore(%arg8 : memref<!tpu.dma_semaphore, #tpu.memory_space<semaphore_mem>>) src(%dma_wait3A_375 : memref<64x128xf32, #tpu.memory_space<hbm>>) dst(%dma_wait3A_372 : memref<64x128xf32, #tpu.memory_space<vmem>>)
      %slice3A_376 = vector.extract_strided_slice %get3A_278 {offsets = [2], sizes = [1], strides = [1]} : vector<16xi32> to vector<1xi32>
      %squeeze3A_377 = vector.extract %slice3A_376[0] : i32 from vector<1xi32>
      %add3A_378 = arith.constant 2 : i32
      %add3A_379 = arith.addi %mul3A_287, %add3A_378 : i32
      %rem3A_380 = arith.constant 128 : i32
      %rem3A_381 = arith.remsi %squeeze3A_377, %rem3A_380 : i32
      %add3A_382 = arith.constant 0 : i32
      %add3A_383 = arith.addi %rem3A_381, %add3A_382 : i32
      %broadcast_in_dim3A_384 = vector.broadcast %add3A_383 : i32 to vector<16xi32>
      %add3A_385 = arith.constant 0 : i32
      %add3A_386 = arith.addi %add3A_379, %add3A_385 : i32
      %broadcast_in_dim3A_387 = vector.broadcast %add3A_386 : i32 to vector<16xi32>
      %gather3A_388 = tpu.vector_load_idx %arg6[%add3A_37, %broadcast_in_dim3A_384] : memref<512x128xf32, #tpu.memory_space<vmem>>[vector<16xi32>, vector<16xi32>], vector<16xf32>,
      tpu.vector_store_idx %arg7[%add3A_133, %broadcast_in_dim3A_387], %gather3A_388 : memref<64x128xf32, #tpu.memory_space<vmem>>[vector<16xi32>, vector<16xi32>], vector<16xf32>,
      %gather3A_389 = tpu.vector_load_idx %arg6[%add3A_41, %broadcast_in_dim3A_384] : memref<512x128xf32, #tpu.memory_space<vmem>>[vector<16xi32>, vector<16xi32>], vector<16xf32>,
      tpu.vector_store_idx %arg7[%add3A_137, %broadcast_in_dim3A_387], %gather3A_389 : memref<64x128xf32, #tpu.memory_space<vmem>>[vector<16xi32>, vector<16xi32>], vector<16xf32>,
      %gather3A_390 = tpu.vector_load_idx %arg6[%add3A_45, %broadcast_in_dim3A_384] : memref<512x128xf32, #tpu.memory_space<vmem>>[vector<16xi32>, vector<16xi32>], vector<16xf32>,
      tpu.vector_store_idx %arg7[%add3A_141, %broadcast_in_dim3A_387], %gather3A_390 : memref<64x128xf32, #tpu.memory_space<vmem>>[vector<16xi32>, vector<16xi32>], vector<16xf32>,
      %gather3A_391 = tpu.vector_load_idx %arg6[%add3A_49, %broadcast_in_dim3A_384] : memref<512x128xf32, #tpu.memory_space<vmem>>[vector<16xi32>, vector<16xi32>], vector<16xf32>,
      tpu.vector_store_idx %arg7[%add3A_145, %broadcast_in_dim3A_387], %gather3A_391 : memref<64x128xf32, #tpu.memory_space<vmem>>[vector<16xi32>, vector<16xi32>], vector<16xf32>,
      %slice3A_392 = vector.extract_strided_slice %get3A_278 {offsets = [10], sizes = [1], strides = [1]} : vector<16xi32> to vector<1xi32>
      %squeeze3A_393 = vector.extract %slice3A_392[0] : i32 from vector<1xi32>
      %mul3A_394 = arith.constant 16 : i32
      %mul3A_395 = arith.muli %mul3A_394, %scan3A_274 : i32
      %add3A_396 = arith.constant 2 : i32
      %add3A_397 = arith.addi %mul3A_395, %add3A_396 : i32
      %add3A_398 = arith.constant 8 : i32
      %add3A_399 = arith.addi %add3A_397, %add3A_398 : i32
      %lt3A_400 = arith.constant 512 : i32
      %lt3A_401 = arith.cmpi slt, %add3A_399, %lt3A_400 : i32
      %convert_element_type3A_402 = arith.extui %lt3A_401 : i1 to i32
      %cond3A_403 = arith.constant 0 : i32
      %cond3A_404 = arith.cmpi ne, %convert_element_type3A_402, %cond3A_403 : i32
      scf.if %cond3A_404 {
        %rem3A_944 = arith.constant 128 : i32
        %rem3A_945 = arith.remsi %squeeze3A_393, %rem3A_944 : i32
        %sub3A_946 = arith.subi %squeeze3A_393, %rem3A_945 : i32
        %multiple_of3A_947 = tpu.assume_multiple %sub3A_946, 128 : i32
        %dma_start3A_948 = arith.constant 128 : i32
        %dma_start3A_949 = arith.constant 0 : i32
        %dma_start3A_950 = tpu.memref_slice %arg6[%dma_start3A_948, %dma_start3A_949] : memref<512x128xf32, #tpu.memory_space<vmem>> -> memref<64x128xf32, #tpu.memory_space<vmem>>
        %dma_start3A_951 = arith.constant 0 : i32
        %dma_start3A_952 = tpu.memref_slice %arg3[%dma_start3A_951, %multiple_of3A_947] : memref<64x1000000xf32, #tpu.memory_space<hbm>> -> memref<64x128xf32, #tpu.memory_space<hbm>>
        %dma_start3A_953 = arith.constant 128 : i32
        %dma_start3A_954 = arith.constant 0 : i32
        %dma_start3A_955 = tpu.memref_slice %arg6[%dma_start3A_953, %dma_start3A_954] : memref<512x128xf32, #tpu.memory_space<vmem>> -> memref<64x128xf32, #tpu.memory_space<vmem>>
        %dma_start3A_956 = arith.constant 0 : i32
        %dma_start3A_957 = tpu.memref_slice %arg3[%dma_start3A_956, %multiple_of3A_947] : memref<64x1000000xf32, #tpu.memory_space<hbm>> -> memref<64x128xf32, #tpu.memory_space<hbm>>
        tpu.enqueue_dma source(%dma_start3A_957 : memref<64x128xf32, #tpu.memory_space<hbm>>) target(%dma_start3A_955 : memref<64x128xf32, #tpu.memory_space<vmem>>) target_semaphore(%arg8 : memref<!tpu.dma_semaphore, #tpu.memory_space<semaphore_mem>>)
      } else {
      }
      %dma_wait3A_405 = arith.constant 192 : i32
      %dma_wait3A_406 = arith.constant 0 : i32
      %dma_wait3A_407 = tpu.memref_slice %arg6[%dma_wait3A_405, %dma_wait3A_406] : memref<512x128xf32, #tpu.memory_space<vmem>> -> memref<64x128xf32, #tpu.memory_space<vmem>>
      %dma_wait3A_408 = arith.constant 0 : i32
      %dma_wait3A_409 = arith.constant 0 : i32
      %dma_wait3A_410 = tpu.memref_slice %arg3[%dma_wait3A_408, %dma_wait3A_409] : memref<64x1000000xf32, #tpu.memory_space<hbm>> -> memref<64x128xf32, #tpu.memory_space<hbm>>
      %dma_wait3A_411 = arith.constant 192 : i32
      %dma_wait3A_412 = arith.constant 0 : i32
      %dma_wait3A_413 = tpu.memref_slice %arg6[%dma_wait3A_411, %dma_wait3A_412] : memref<512x128xf32, #tpu.memory_space<vmem>> -> memref<64x128xf32, #tpu.memory_space<vmem>>
      %dma_wait3A_414 = arith.constant 0 : i32
      %dma_wait3A_415 = arith.constant 0 : i32
      %dma_wait3A_416 = tpu.memref_slice %arg3[%dma_wait3A_414, %dma_wait3A_415] : memref<64x1000000xf32, #tpu.memory_space<hbm>> -> memref<64x128xf32, #tpu.memory_space<hbm>>
      tpu.wait_dma2 semaphore(%arg8 : memref<!tpu.dma_semaphore, #tpu.memory_space<semaphore_mem>>) src(%dma_wait3A_416 : memref<64x128xf32, #tpu.memory_space<hbm>>) dst(%dma_wait3A_413 : memref<64x128xf32, #tpu.memory_space<vmem>>)
      %slice3A_417 = vector.extract_strided_slice %get3A_278 {offsets = [3], sizes = [1], strides = [1]} : vector<16xi32> to vector<1xi32>
      %squeeze3A_418 = vector.extract %slice3A_417[0] : i32 from vector<1xi32>
      %add3A_419 = arith.constant 3 : i32
      %add3A_420 = arith.addi %mul3A_287, %add3A_419 : i32
      %rem3A_421 = arith.constant 128 : i32
      %rem3A_422 = arith.remsi %squeeze3A_418, %rem3A_421 : i32
      %add3A_423 = arith.constant 0 : i32
      %add3A_424 = arith.addi %rem3A_422, %add3A_423 : i32
      %broadcast_in_dim3A_425 = vector.broadcast %add3A_424 : i32 to vector<16xi32>
      %add3A_426 = arith.constant 0 : i32
      %add3A_427 = arith.addi %add3A_420, %add3A_426 : i32
      %broadcast_in_dim3A_428 = vector.broadcast %add3A_427 : i32 to vector<16xi32>
      %gather3A_429 = tpu.vector_load_idx %arg6[%add3A_53, %broadcast_in_dim3A_425] : memref<512x128xf32, #tpu.memory_space<vmem>>[vector<16xi32>, vector<16xi32>], vector<16xf32>,
      tpu.vector_store_idx %arg7[%add3A_133, %broadcast_in_dim3A_428], %gather3A_429 : memref<64x128xf32, #tpu.memory_space<vmem>>[vector<16xi32>, vector<16xi32>], vector<16xf32>,
      %gather3A_430 = tpu.vector_load_idx %arg6[%add3A_57, %broadcast_in_dim3A_425] : memref<512x128xf32, #tpu.memory_space<vmem>>[vector<16xi32>, vector<16xi32>], vector<16xf32>,
      tpu.vector_store_idx %arg7[%add3A_137, %broadcast_in_dim3A_428], %gather3A_430 : memref<64x128xf32, #tpu.memory_space<vmem>>[vector<16xi32>, vector<16xi32>], vector<16xf32>,
      %gather3A_431 = tpu.vector_load_idx %arg6[%add3A_61, %broadcast_in_dim3A_425] : memref<512x128xf32, #tpu.memory_space<vmem>>[vector<16xi32>, vector<16xi32>], vector<16xf32>,
      tpu.vector_store_idx %arg7[%add3A_141, %broadcast_in_dim3A_428], %gather3A_431 : memref<64x128xf32, #tpu.memory_space<vmem>>[vector<16xi32>, vector<16xi32>], vector<16xf32>,
      %gather3A_432 = tpu.vector_load_idx %arg6[%add3A_65, %broadcast_in_dim3A_425] : memref<512x128xf32, #tpu.memory_space<vmem>>[vector<16xi32>, vector<16xi32>], vector<16xf32>,
      tpu.vector_store_idx %arg7[%add3A_145, %broadcast_in_dim3A_428], %gather3A_432 : memref<64x128xf32, #tpu.memory_space<vmem>>[vector<16xi32>, vector<16xi32>], vector<16xf32>,
      %slice3A_433 = vector.extract_strided_slice %get3A_278 {offsets = [11], sizes = [1], strides = [1]} : vector<16xi32> to vector<1xi32>
      %squeeze3A_434 = vector.extract %slice3A_433[0] : i32 from vector<1xi32>
      %mul3A_435 = arith.constant 16 : i32
      %mul3A_436 = arith.muli %mul3A_435, %scan3A_274 : i32
      %add3A_437 = arith.constant 3 : i32
      %add3A_438 = arith.addi %mul3A_436, %add3A_437 : i32
      %add3A_439 = arith.constant 8 : i32
      %add3A_440 = arith.addi %add3A_438, %add3A_439 : i32
      %lt3A_441 = arith.constant 512 : i32
      %lt3A_442 = arith.cmpi slt, %add3A_440, %lt3A_441 : i32
      %convert_element_type3A_443 = arith.extui %lt3A_442 : i1 to i32
      %cond3A_444 = arith.constant 0 : i32
      %cond3A_445 = arith.cmpi ne, %convert_element_type3A_443, %cond3A_444 : i32
      scf.if %cond3A_445 {
        %rem3A_944 = arith.constant 128 : i32
        %rem3A_945 = arith.remsi %squeeze3A_434, %rem3A_944 : i32
        %sub3A_946 = arith.subi %squeeze3A_434, %rem3A_945 : i32
        %multiple_of3A_947 = tpu.assume_multiple %sub3A_946, 128 : i32
        %dma_start3A_948 = arith.constant 192 : i32
        %dma_start3A_949 = arith.constant 0 : i32
        %dma_start3A_950 = tpu.memref_slice %arg6[%dma_start3A_948, %dma_start3A_949] : memref<512x128xf32, #tpu.memory_space<vmem>> -> memref<64x128xf32, #tpu.memory_space<vmem>>
        %dma_start3A_951 = arith.constant 0 : i32
        %dma_start3A_952 = tpu.memref_slice %arg3[%dma_start3A_951, %multiple_of3A_947] : memref<64x1000000xf32, #tpu.memory_space<hbm>> -> memref<64x128xf32, #tpu.memory_space<hbm>>
        %dma_start3A_953 = arith.constant 192 : i32
        %dma_start3A_954 = arith.constant 0 : i32
        %dma_start3A_955 = tpu.memref_slice %arg6[%dma_start3A_953, %dma_start3A_954] : memref<512x128xf32, #tpu.memory_space<vmem>> -> memref<64x128xf32, #tpu.memory_space<vmem>>
        %dma_start3A_956 = arith.constant 0 : i32
        %dma_start3A_957 = tpu.memref_slice %arg3[%dma_start3A_956, %multiple_of3A_947] : memref<64x1000000xf32, #tpu.memory_space<hbm>> -> memref<64x128xf32, #tpu.memory_space<hbm>>
        tpu.enqueue_dma source(%dma_start3A_957 : memref<64x128xf32, #tpu.memory_space<hbm>>) target(%dma_start3A_955 : memref<64x128xf32, #tpu.memory_space<vmem>>) target_semaphore(%arg8 : memref<!tpu.dma_semaphore, #tpu.memory_space<semaphore_mem>>)
      } else {
      }
      %dma_wait3A_446 = arith.constant 256 : i32
      %dma_wait3A_447 = arith.constant 0 : i32
      %dma_wait3A_448 = tpu.memref_slice %arg6[%dma_wait3A_446, %dma_wait3A_447] : memref<512x128xf32, #tpu.memory_space<vmem>> -> memref<64x128xf32, #tpu.memory_space<vmem>>
      %dma_wait3A_449 = arith.constant 0 : i32
      %dma_wait3A_450 = arith.constant 0 : i32
      %dma_wait3A_451 = tpu.memref_slice %arg3[%dma_wait3A_449, %dma_wait3A_450] : memref<64x1000000xf32, #tpu.memory_space<hbm>> -> memref<64x128xf32, #tpu.memory_space<hbm>>
      %dma_wait3A_452 = arith.constant 256 : i32
      %dma_wait3A_453 = arith.constant 0 : i32
      %dma_wait3A_454 = tpu.memref_slice %arg6[%dma_wait3A_452, %dma_wait3A_453] : memref<512x128xf32, #tpu.memory_space<vmem>> -> memref<64x128xf32, #tpu.memory_space<vmem>>
      %dma_wait3A_455 = arith.constant 0 : i32
      %dma_wait3A_456 = arith.constant 0 : i32
      %dma_wait3A_457 = tpu.memref_slice %arg3[%dma_wait3A_455, %dma_wait3A_456] : memref<64x1000000xf32, #tpu.memory_space<hbm>> -> memref<64x128xf32, #tpu.memory_space<hbm>>
      tpu.wait_dma2 semaphore(%arg8 : memref<!tpu.dma_semaphore, #tpu.memory_space<semaphore_mem>>) src(%dma_wait3A_457 : memref<64x128xf32, #tpu.memory_space<hbm>>) dst(%dma_wait3A_454 : memref<64x128xf32, #tpu.memory_space<vmem>>)
      %slice3A_458 = vector.extract_strided_slice %get3A_278 {offsets = [4], sizes = [1], strides = [1]} : vector<16xi32> to vector<1xi32>
      %squeeze3A_459 = vector.extract %slice3A_458[0] : i32 from vector<1xi32>
      %add3A_460 = arith.constant 4 : i32
      %add3A_461 = arith.addi %mul3A_287, %add3A_460 : i32
      %rem3A_462 = arith.constant 128 : i32
      %rem3A_463 = arith.remsi %squeeze3A_459, %rem3A_462 : i32
      %add3A_464 = arith.constant 0 : i32
      %add3A_465 = arith.addi %rem3A_463, %add3A_464 : i32
      %broadcast_in_dim3A_466 = vector.broadcast %add3A_465 : i32 to vector<16xi32>
      %add3A_467 = arith.constant 0 : i32
      %add3A_468 = arith.addi %add3A_461, %add3A_467 : i32
      %broadcast_in_dim3A_469 = vector.broadcast %add3A_468 : i32 to vector<16xi32>
      %gather3A_470 = tpu.vector_load_idx %arg6[%add3A_69, %broadcast_in_dim3A_466] : memref<512x128xf32, #tpu.memory_space<vmem>>[vector<16xi32>, vector<16xi32>], vector<16xf32>,
      tpu.vector_store_idx %arg7[%add3A_133, %broadcast_in_dim3A_469], %gather3A_470 : memref<64x128xf32, #tpu.memory_space<vmem>>[vector<16xi32>, vector<16xi32>], vector<16xf32>,
      %gather3A_471 = tpu.vector_load_idx %arg6[%add3A_73, %broadcast_in_dim3A_466] : memref<512x128xf32, #tpu.memory_space<vmem>>[vector<16xi32>, vector<16xi32>], vector<16xf32>,
      tpu.vector_store_idx %arg7[%add3A_137, %broadcast_in_dim3A_469], %gather3A_471 : memref<64x128xf32, #tpu.memory_space<vmem>>[vector<16xi32>, vector<16xi32>], vector<16xf32>,
      %gather3A_472 = tpu.vector_load_idx %arg6[%add3A_77, %broadcast_in_dim3A_466] : memref<512x128xf32, #tpu.memory_space<vmem>>[vector<16xi32>, vector<16xi32>], vector<16xf32>,
      tpu.vector_store_idx %arg7[%add3A_141, %broadcast_in_dim3A_469], %gather3A_472 : memref<64x128xf32, #tpu.memory_space<vmem>>[vector<16xi32>, vector<16xi32>], vector<16xf32>,
      %gather3A_473 = tpu.vector_load_idx %arg6[%add3A_81, %broadcast_in_dim3A_466] : memref<512x128xf32, #tpu.memory_space<vmem>>[vector<16xi32>, vector<16xi32>], vector<16xf32>,
      tpu.vector_store_idx %arg7[%add3A_145, %broadcast_in_dim3A_469], %gather3A_473 : memref<64x128xf32, #tpu.memory_space<vmem>>[vector<16xi32>, vector<16xi32>], vector<16xf32>,
      %slice3A_474 = vector.extract_strided_slice %get3A_278 {offsets = [12], sizes = [1], strides = [1]} : vector<16xi32> to vector<1xi32>
      %squeeze3A_475 = vector.extract %slice3A_474[0] : i32 from vector<1xi32>
      %mul3A_476 = arith.constant 16 : i32
      %mul3A_477 = arith.muli %mul3A_476, %scan3A_274 : i32
      %add3A_478 = arith.constant 4 : i32
      %add3A_479 = arith.addi %mul3A_477, %add3A_478 : i32
      %add3A_480 = arith.constant 8 : i32
      %add3A_481 = arith.addi %add3A_479, %add3A_480 : i32
      %lt3A_482 = arith.constant 512 : i32
      %lt3A_483 = arith.cmpi slt, %add3A_481, %lt3A_482 : i32
      %convert_element_type3A_484 = arith.extui %lt3A_483 : i1 to i32
      %cond3A_485 = arith.constant 0 : i32
      %cond3A_486 = arith.cmpi ne, %convert_element_type3A_484, %cond3A_485 : i32
      scf.if %cond3A_486 {
        %rem3A_944 = arith.constant 128 : i32
        %rem3A_945 = arith.remsi %squeeze3A_475, %rem3A_944 : i32
        %sub3A_946 = arith.subi %squeeze3A_475, %rem3A_945 : i32
        %multiple_of3A_947 = tpu.assume_multiple %sub3A_946, 128 : i32
        %dma_start3A_948 = arith.constant 256 : i32
        %dma_start3A_949 = arith.constant 0 : i32
        %dma_start3A_950 = tpu.memref_slice %arg6[%dma_start3A_948, %dma_start3A_949] : memref<512x128xf32, #tpu.memory_space<vmem>> -> memref<64x128xf32, #tpu.memory_space<vmem>>
        %dma_start3A_951 = arith.constant 0 : i32
        %dma_start3A_952 = tpu.memref_slice %arg3[%dma_start3A_951, %multiple_of3A_947] : memref<64x1000000xf32, #tpu.memory_space<hbm>> -> memref<64x128xf32, #tpu.memory_space<hbm>>
        %dma_start3A_953 = arith.constant 256 : i32
        %dma_start3A_954 = arith.constant 0 : i32
        %dma_start3A_955 = tpu.memref_slice %arg6[%dma_start3A_953, %dma_start3A_954] : memref<512x128xf32, #tpu.memory_space<vmem>> -> memref<64x128xf32, #tpu.memory_space<vmem>>
        %dma_start3A_956 = arith.constant 0 : i32
        %dma_start3A_957 = tpu.memref_slice %arg3[%dma_start3A_956, %multiple_of3A_947] : memref<64x1000000xf32, #tpu.memory_space<hbm>> -> memref<64x128xf32, #tpu.memory_space<hbm>>
        tpu.enqueue_dma source(%dma_start3A_957 : memref<64x128xf32, #tpu.memory_space<hbm>>) target(%dma_start3A_955 : memref<64x128xf32, #tpu.memory_space<vmem>>) target_semaphore(%arg8 : memref<!tpu.dma_semaphore, #tpu.memory_space<semaphore_mem>>)
      } else {
      }
      %dma_wait3A_487 = arith.constant 320 : i32
      %dma_wait3A_488 = arith.constant 0 : i32
      %dma_wait3A_489 = tpu.memref_slice %arg6[%dma_wait3A_487, %dma_wait3A_488] : memref<512x128xf32, #tpu.memory_space<vmem>> -> memref<64x128xf32, #tpu.memory_space<vmem>>
      %dma_wait3A_490 = arith.constant 0 : i32
      %dma_wait3A_491 = arith.constant 0 : i32
      %dma_wait3A_492 = tpu.memref_slice %arg3[%dma_wait3A_490, %dma_wait3A_491] : memref<64x1000000xf32, #tpu.memory_space<hbm>> -> memref<64x128xf32, #tpu.memory_space<hbm>>
      %dma_wait3A_493 = arith.constant 320 : i32
      %dma_wait3A_494 = arith.constant 0 : i32
      %dma_wait3A_495 = tpu.memref_slice %arg6[%dma_wait3A_493, %dma_wait3A_494] : memref<512x128xf32, #tpu.memory_space<vmem>> -> memref<64x128xf32, #tpu.memory_space<vmem>>
      %dma_wait3A_496 = arith.constant 0 : i32
      %dma_wait3A_497 = arith.constant 0 : i32
      %dma_wait3A_498 = tpu.memref_slice %arg3[%dma_wait3A_496, %dma_wait3A_497] : memref<64x1000000xf32, #tpu.memory_space<hbm>> -> memref<64x128xf32, #tpu.memory_space<hbm>>
      tpu.wait_dma2 semaphore(%arg8 : memref<!tpu.dma_semaphore, #tpu.memory_space<semaphore_mem>>) src(%dma_wait3A_498 : memref<64x128xf32, #tpu.memory_space<hbm>>) dst(%dma_wait3A_495 : memref<64x128xf32, #tpu.memory_space<vmem>>)
      %slice3A_499 = vector.extract_strided_slice %get3A_278 {offsets = [5], sizes = [1], strides = [1]} : vector<16xi32> to vector<1xi32>
      %squeeze3A_500 = vector.extract %slice3A_499[0] : i32 from vector<1xi32>
      %add3A_501 = arith.constant 5 : i32
      %add3A_502 = arith.addi %mul3A_287, %add3A_501 : i32
      %rem3A_503 = arith.constant 128 : i32
      %rem3A_504 = arith.remsi %squeeze3A_500, %rem3A_503 : i32
      %add3A_505 = arith.constant 0 : i32
      %add3A_506 = arith.addi %rem3A_504, %add3A_505 : i32
      %broadcast_in_dim3A_507 = vector.broadcast %add3A_506 : i32 to vector<16xi32>
      %add3A_508 = arith.constant 0 : i32
      %add3A_509 = arith.addi %add3A_502, %add3A_508 : i32
      %broadcast_in_dim3A_510 = vector.broadcast %add3A_509 : i32 to vector<16xi32>
      %gather3A_511 = tpu.vector_load_idx %arg6[%add3A_85, %broadcast_in_dim3A_507] : memref<512x128xf32, #tpu.memory_space<vmem>>[vector<16xi32>, vector<16xi32>], vector<16xf32>,
      tpu.vector_store_idx %arg7[%add3A_133, %broadcast_in_dim3A_510], %gather3A_511 : memref<64x128xf32, #tpu.memory_space<vmem>>[vector<16xi32>, vector<16xi32>], vector<16xf32>,
      %gather3A_512 = tpu.vector_load_idx %arg6[%add3A_89, %broadcast_in_dim3A_507] : memref<512x128xf32, #tpu.memory_space<vmem>>[vector<16xi32>, vector<16xi32>], vector<16xf32>,
      tpu.vector_store_idx %arg7[%add3A_137, %broadcast_in_dim3A_510], %gather3A_512 : memref<64x128xf32, #tpu.memory_space<vmem>>[vector<16xi32>, vector<16xi32>], vector<16xf32>,
      %gather3A_513 = tpu.vector_load_idx %arg6[%add3A_93, %broadcast_in_dim3A_507] : memref<512x128xf32, #tpu.memory_space<vmem>>[vector<16xi32>, vector<16xi32>], vector<16xf32>,
      tpu.vector_store_idx %arg7[%add3A_141, %broadcast_in_dim3A_510], %gather3A_513 : memref<64x128xf32, #tpu.memory_space<vmem>>[vector<16xi32>, vector<16xi32>], vector<16xf32>,
      %gather3A_514 = tpu.vector_load_idx %arg6[%add3A_97, %broadcast_in_dim3A_507] : memref<512x128xf32, #tpu.memory_space<vmem>>[vector<16xi32>, vector<16xi32>], vector<16xf32>,
      tpu.vector_store_idx %arg7[%add3A_145, %broadcast_in_dim3A_510], %gather3A_514 : memref<64x128xf32, #tpu.memory_space<vmem>>[vector<16xi32>, vector<16xi32>], vector<16xf32>,
      %slice3A_515 = vector.extract_strided_slice %get3A_278 {offsets = [13], sizes = [1], strides = [1]} : vector<16xi32> to vector<1xi32>
      %squeeze3A_516 = vector.extract %slice3A_515[0] : i32 from vector<1xi32>
      %mul3A_517 = arith.constant 16 : i32
      %mul3A_518 = arith.muli %mul3A_517, %scan3A_274 : i32
      %add3A_519 = arith.constant 5 : i32
      %add3A_520 = arith.addi %mul3A_518, %add3A_519 : i32
      %add3A_521 = arith.constant 8 : i32
      %add3A_522 = arith.addi %add3A_520, %add3A_521 : i32
      %lt3A_523 = arith.constant 512 : i32
      %lt3A_524 = arith.cmpi slt, %add3A_522, %lt3A_523 : i32
      %convert_element_type3A_525 = arith.extui %lt3A_524 : i1 to i32
      %cond3A_526 = arith.constant 0 : i32
      %cond3A_527 = arith.cmpi ne, %convert_element_type3A_525, %cond3A_526 : i32
      scf.if %cond3A_527 {
        %rem3A_944 = arith.constant 128 : i32
        %rem3A_945 = arith.remsi %squeeze3A_516, %rem3A_944 : i32
        %sub3A_946 = arith.subi %squeeze3A_516, %rem3A_945 : i32
        %multiple_of3A_947 = tpu.assume_multiple %sub3A_946, 128 : i32
        %dma_start3A_948 = arith.constant 320 : i32
        %dma_start3A_949 = arith.constant 0 : i32
        %dma_start3A_950 = tpu.memref_slice %arg6[%dma_start3A_948, %dma_start3A_949] : memref<512x128xf32, #tpu.memory_space<vmem>> -> memref<64x128xf32, #tpu.memory_space<vmem>>
        %dma_start3A_951 = arith.constant 0 : i32
        %dma_start3A_952 = tpu.memref_slice %arg3[%dma_start3A_951, %multiple_of3A_947] : memref<64x1000000xf32, #tpu.memory_space<hbm>> -> memref<64x128xf32, #tpu.memory_space<hbm>>
        %dma_start3A_953 = arith.constant 320 : i32
        %dma_start3A_954 = arith.constant 0 : i32
        %dma_start3A_955 = tpu.memref_slice %arg6[%dma_start3A_953, %dma_start3A_954] : memref<512x128xf32, #tpu.memory_space<vmem>> -> memref<64x128xf32, #tpu.memory_space<vmem>>
        %dma_start3A_956 = arith.constant 0 : i32
        %dma_start3A_957 = tpu.memref_slice %arg3[%dma_start3A_956, %multiple_of3A_947] : memref<64x1000000xf32, #tpu.memory_space<hbm>> -> memref<64x128xf32, #tpu.memory_space<hbm>>
        tpu.enqueue_dma source(%dma_start3A_957 : memref<64x128xf32, #tpu.memory_space<hbm>>) target(%dma_start3A_955 : memref<64x128xf32, #tpu.memory_space<vmem>>) target_semaphore(%arg8 : memref<!tpu.dma_semaphore, #tpu.memory_space<semaphore_mem>>)
      } else {
      }
      %dma_wait3A_528 = arith.constant 384 : i32
      %dma_wait3A_529 = arith.constant 0 : i32
      %dma_wait3A_530 = tpu.memref_slice %arg6[%dma_wait3A_528, %dma_wait3A_529] : memref<512x128xf32, #tpu.memory_space<vmem>> -> memref<64x128xf32, #tpu.memory_space<vmem>>
      %dma_wait3A_531 = arith.constant 0 : i32
      %dma_wait3A_532 = arith.constant 0 : i32
      %dma_wait3A_533 = tpu.memref_slice %arg3[%dma_wait3A_531, %dma_wait3A_532] : memref<64x1000000xf32, #tpu.memory_space<hbm>> -> memref<64x128xf32, #tpu.memory_space<hbm>>
      %dma_wait3A_534 = arith.constant 384 : i32
      %dma_wait3A_535 = arith.constant 0 : i32
      %dma_wait3A_536 = tpu.memref_slice %arg6[%dma_wait3A_534, %dma_wait3A_535] : memref<512x128xf32, #tpu.memory_space<vmem>> -> memref<64x128xf32, #tpu.memory_space<vmem>>
      %dma_wait3A_537 = arith.constant 0 : i32
      %dma_wait3A_538 = arith.constant 0 : i32
      %dma_wait3A_539 = tpu.memref_slice %arg3[%dma_wait3A_537, %dma_wait3A_538] : memref<64x1000000xf32, #tpu.memory_space<hbm>> -> memref<64x128xf32, #tpu.memory_space<hbm>>
      tpu.wait_dma2 semaphore(%arg8 : memref<!tpu.dma_semaphore, #tpu.memory_space<semaphore_mem>>) src(%dma_wait3A_539 : memref<64x128xf32, #tpu.memory_space<hbm>>) dst(%dma_wait3A_536 : memref<64x128xf32, #tpu.memory_space<vmem>>)
      %slice3A_540 = vector.extract_strided_slice %get3A_278 {offsets = [6], sizes = [1], strides = [1]} : vector<16xi32> to vector<1xi32>
      %squeeze3A_541 = vector.extract %slice3A_540[0] : i32 from vector<1xi32>
      %add3A_542 = arith.constant 6 : i32
      %add3A_543 = arith.addi %mul3A_287, %add3A_542 : i32
      %rem3A_544 = arith.constant 128 : i32
      %rem3A_545 = arith.remsi %squeeze3A_541, %rem3A_544 : i32
      %add3A_546 = arith.constant 0 : i32
      %add3A_547 = arith.addi %rem3A_545, %add3A_546 : i32
      %broadcast_in_dim3A_548 = vector.broadcast %add3A_547 : i32 to vector<16xi32>
      %add3A_549 = arith.constant 0 : i32
      %add3A_550 = arith.addi %add3A_543, %add3A_549 : i32
      %broadcast_in_dim3A_551 = vector.broadcast %add3A_550 : i32 to vector<16xi32>
      %gather3A_552 = tpu.vector_load_idx %arg6[%add3A_101, %broadcast_in_dim3A_548] : memref<512x128xf32, #tpu.memory_space<vmem>>[vector<16xi32>, vector<16xi32>], vector<16xf32>,
      tpu.vector_store_idx %arg7[%add3A_133, %broadcast_in_dim3A_551], %gather3A_552 : memref<64x128xf32, #tpu.memory_space<vmem>>[vector<16xi32>, vector<16xi32>], vector<16xf32>,
      %gather3A_553 = tpu.vector_load_idx %arg6[%add3A_105, %broadcast_in_dim3A_548] : memref<512x128xf32, #tpu.memory_space<vmem>>[vector<16xi32>, vector<16xi32>], vector<16xf32>,
      tpu.vector_store_idx %arg7[%add3A_137, %broadcast_in_dim3A_551], %gather3A_553 : memref<64x128xf32, #tpu.memory_space<vmem>>[vector<16xi32>, vector<16xi32>], vector<16xf32>,
      %gather3A_554 = tpu.vector_load_idx %arg6[%add3A_109, %broadcast_in_dim3A_548] : memref<512x128xf32, #tpu.memory_space<vmem>>[vector<16xi32>, vector<16xi32>], vector<16xf32>,
      tpu.vector_store_idx %arg7[%add3A_141, %broadcast_in_dim3A_551], %gather3A_554 : memref<64x128xf32, #tpu.memory_space<vmem>>[vector<16xi32>, vector<16xi32>], vector<16xf32>,
      %gather3A_555 = tpu.vector_load_idx %arg6[%add3A_113, %broadcast_in_dim3A_548] : memref<512x128xf32, #tpu.memory_space<vmem>>[vector<16xi32>, vector<16xi32>], vector<16xf32>,
      tpu.vector_store_idx %arg7[%add3A_145, %broadcast_in_dim3A_551], %gather3A_555 : memref<64x128xf32, #tpu.memory_space<vmem>>[vector<16xi32>, vector<16xi32>], vector<16xf32>,
      %slice3A_556 = vector.extract_strided_slice %get3A_278 {offsets = [14], sizes = [1], strides = [1]} : vector<16xi32> to vector<1xi32>
      %squeeze3A_557 = vector.extract %slice3A_556[0] : i32 from vector<1xi32>
      %mul3A_558 = arith.constant 16 : i32
      %mul3A_559 = arith.muli %mul3A_558, %scan3A_274 : i32
      %add3A_560 = arith.constant 6 : i32
      %add3A_561 = arith.addi %mul3A_559, %add3A_560 : i32
      %add3A_562 = arith.constant 8 : i32
      %add3A_563 = arith.addi %add3A_561, %add3A_562 : i32
      %lt3A_564 = arith.constant 512 : i32
      %lt3A_565 = arith.cmpi slt, %add3A_563, %lt3A_564 : i32
      %convert_element_type3A_566 = arith.extui %lt3A_565 : i1 to i32
      %cond3A_567 = arith.constant 0 : i32
      %cond3A_568 = arith.cmpi ne, %convert_element_type3A_566, %cond3A_567 : i32
      scf.if %cond3A_568 {
        %rem3A_944 = arith.constant 128 : i32
        %rem3A_945 = arith.remsi %squeeze3A_557, %rem3A_944 : i32
        %sub3A_946 = arith.subi %squeeze3A_557, %rem3A_945 : i32
        %multiple_of3A_947 = tpu.assume_multiple %sub3A_946, 128 : i32
        %dma_start3A_948 = arith.constant 384 : i32
        %dma_start3A_949 = arith.constant 0 : i32
        %dma_start3A_950 = tpu.memref_slice %arg6[%dma_start3A_948, %dma_start3A_949] : memref<512x128xf32, #tpu.memory_space<vmem>> -> memref<64x128xf32, #tpu.memory_space<vmem>>
        %dma_start3A_951 = arith.constant 0 : i32
        %dma_start3A_952 = tpu.memref_slice %arg3[%dma_start3A_951, %multiple_of3A_947] : memref<64x1000000xf32, #tpu.memory_space<hbm>> -> memref<64x128xf32, #tpu.memory_space<hbm>>
        %dma_start3A_953 = arith.constant 384 : i32
        %dma_start3A_954 = arith.constant 0 : i32
        %dma_start3A_955 = tpu.memref_slice %arg6[%dma_start3A_953, %dma_start3A_954] : memref<512x128xf32, #tpu.memory_space<vmem>> -> memref<64x128xf32, #tpu.memory_space<vmem>>
        %dma_start3A_956 = arith.constant 0 : i32
        %dma_start3A_957 = tpu.memref_slice %arg3[%dma_start3A_956, %multiple_of3A_947] : memref<64x1000000xf32, #tpu.memory_space<hbm>> -> memref<64x128xf32, #tpu.memory_space<hbm>>
        tpu.enqueue_dma source(%dma_start3A_957 : memref<64x128xf32, #tpu.memory_space<hbm>>) target(%dma_start3A_955 : memref<64x128xf32, #tpu.memory_space<vmem>>) target_semaphore(%arg8 : memref<!tpu.dma_semaphore, #tpu.memory_space<semaphore_mem>>)
      } else {
      }
      %dma_wait3A_569 = arith.constant 448 : i32
      %dma_wait3A_570 = arith.constant 0 : i32
      %dma_wait3A_571 = tpu.memref_slice %arg6[%dma_wait3A_569, %dma_wait3A_570] : memref<512x128xf32, #tpu.memory_space<vmem>> -> memref<64x128xf32, #tpu.memory_space<vmem>>
      %dma_wait3A_572 = arith.constant 0 : i32
      %dma_wait3A_573 = arith.constant 0 : i32
      %dma_wait3A_574 = tpu.memref_slice %arg3[%dma_wait3A_572, %dma_wait3A_573] : memref<64x1000000xf32, #tpu.memory_space<hbm>> -> memref<64x128xf32, #tpu.memory_space<hbm>>
      %dma_wait3A_575 = arith.constant 448 : i32
      %dma_wait3A_576 = arith.constant 0 : i32
      %dma_wait3A_577 = tpu.memref_slice %arg6[%dma_wait3A_575, %dma_wait3A_576] : memref<512x128xf32, #tpu.memory_space<vmem>> -> memref<64x128xf32, #tpu.memory_space<vmem>>
      %dma_wait3A_578 = arith.constant 0 : i32
      %dma_wait3A_579 = arith.constant 0 : i32
      %dma_wait3A_580 = tpu.memref_slice %arg3[%dma_wait3A_578, %dma_wait3A_579] : memref<64x1000000xf32, #tpu.memory_space<hbm>> -> memref<64x128xf32, #tpu.memory_space<hbm>>
      tpu.wait_dma2 semaphore(%arg8 : memref<!tpu.dma_semaphore, #tpu.memory_space<semaphore_mem>>) src(%dma_wait3A_580 : memref<64x128xf32, #tpu.memory_space<hbm>>) dst(%dma_wait3A_577 : memref<64x128xf32, #tpu.memory_space<vmem>>)
      %slice3A_581 = vector.extract_strided_slice %get3A_278 {offsets = [7], sizes = [1], strides = [1]} : vector<16xi32> to vector<1xi32>
      %squeeze3A_582 = vector.extract %slice3A_581[0] : i32 from vector<1xi32>
      %add3A_583 = arith.constant 7 : i32
      %add3A_584 = arith.addi %mul3A_287, %add3A_583 : i32
      %rem3A_585 = arith.constant 128 : i32
      %rem3A_586 = arith.remsi %squeeze3A_582, %rem3A_585 : i32
      %add3A_587 = arith.constant 0 : i32
      %add3A_588 = arith.addi %rem3A_586, %add3A_587 : i32
      %broadcast_in_dim3A_589 = vector.broadcast %add3A_588 : i32 to vector<16xi32>
      %add3A_590 = arith.constant 0 : i32
      %add3A_591 = arith.addi %add3A_584, %add3A_590 : i32
      %broadcast_in_dim3A_592 = vector.broadcast %add3A_591 : i32 to vector<16xi32>
      %gather3A_593 = tpu.vector_load_idx %arg6[%add3A_117, %broadcast_in_dim3A_589] : memref<512x128xf32, #tpu.memory_space<vmem>>[vector<16xi32>, vector<16xi32>], vector<16xf32>,
      tpu.vector_store_idx %arg7[%add3A_133, %broadcast_in_dim3A_592], %gather3A_593 : memref<64x128xf32, #tpu.memory_space<vmem>>[vector<16xi32>, vector<16xi32>], vector<16xf32>,
      %gather3A_594 = tpu.vector_load_idx %arg6[%add3A_121, %broadcast_in_dim3A_589] : memref<512x128xf32, #tpu.memory_space<vmem>>[vector<16xi32>, vector<16xi32>], vector<16xf32>,
      tpu.vector_store_idx %arg7[%add3A_137, %broadcast_in_dim3A_592], %gather3A_594 : memref<64x128xf32, #tpu.memory_space<vmem>>[vector<16xi32>, vector<16xi32>], vector<16xf32>,
      %gather3A_595 = tpu.vector_load_idx %arg6[%add3A_125, %broadcast_in_dim3A_589] : memref<512x128xf32, #tpu.memory_space<vmem>>[vector<16xi32>, vector<16xi32>], vector<16xf32>,
      tpu.vector_store_idx %arg7[%add3A_141, %broadcast_in_dim3A_592], %gather3A_595 : memref<64x128xf32, #tpu.memory_space<vmem>>[vector<16xi32>, vector<16xi32>], vector<16xf32>,
      %gather3A_596 = tpu.vector_load_idx %arg6[%add3A_129, %broadcast_in_dim3A_589] : memref<512x128xf32, #tpu.memory_space<vmem>>[vector<16xi32>, vector<16xi32>], vector<16xf32>,
      tpu.vector_store_idx %arg7[%add3A_145, %broadcast_in_dim3A_592], %gather3A_596 : memref<64x128xf32, #tpu.memory_space<vmem>>[vector<16xi32>, vector<16xi32>], vector<16xf32>,
      %slice3A_597 = vector.extract_strided_slice %get3A_278 {offsets = [15], sizes = [1], strides = [1]} : vector<16xi32> to vector<1xi32>
      %squeeze3A_598 = vector.extract %slice3A_597[0] : i32 from vector<1xi32>
      %mul3A_599 = arith.constant 16 : i32
      %mul3A_600 = arith.muli %mul3A_599, %scan3A_274 : i32
      %add3A_601 = arith.constant 7 : i32
      %add3A_602 = arith.addi %mul3A_600, %add3A_601 : i32
      %add3A_603 = arith.constant 8 : i32
      %add3A_604 = arith.addi %add3A_602, %add3A_603 : i32
      %lt3A_605 = arith.constant 512 : i32
      %lt3A_606 = arith.cmpi slt, %add3A_604, %lt3A_605 : i32
      %convert_element_type3A_607 = arith.extui %lt3A_606 : i1 to i32
      %cond3A_608 = arith.constant 0 : i32
      %cond3A_609 = arith.cmpi ne, %convert_element_type3A_607, %cond3A_608 : i32
      scf.if %cond3A_609 {
        %rem3A_944 = arith.constant 128 : i32
        %rem3A_945 = arith.remsi %squeeze3A_598, %rem3A_944 : i32
        %sub3A_946 = arith.subi %squeeze3A_598, %rem3A_945 : i32
        %multiple_of3A_947 = tpu.assume_multiple %sub3A_946, 128 : i32
        %dma_start3A_948 = arith.constant 448 : i32
        %dma_start3A_949 = arith.constant 0 : i32
        %dma_start3A_950 = tpu.memref_slice %arg6[%dma_start3A_948, %dma_start3A_949] : memref<512x128xf32, #tpu.memory_space<vmem>> -> memref<64x128xf32, #tpu.memory_space<vmem>>
        %dma_start3A_951 = arith.constant 0 : i32
        %dma_start3A_952 = tpu.memref_slice %arg3[%dma_start3A_951, %multiple_of3A_947] : memref<64x1000000xf32, #tpu.memory_space<hbm>> -> memref<64x128xf32, #tpu.memory_space<hbm>>
        %dma_start3A_953 = arith.constant 448 : i32
        %dma_start3A_954 = arith.constant 0 : i32
        %dma_start3A_955 = tpu.memref_slice %arg6[%dma_start3A_953, %dma_start3A_954] : memref<512x128xf32, #tpu.memory_space<vmem>> -> memref<64x128xf32, #tpu.memory_space<vmem>>
        %dma_start3A_956 = arith.constant 0 : i32
        %dma_start3A_957 = tpu.memref_slice %arg3[%dma_start3A_956, %multiple_of3A_947] : memref<64x1000000xf32, #tpu.memory_space<hbm>> -> memref<64x128xf32, #tpu.memory_space<hbm>>
        tpu.enqueue_dma source(%dma_start3A_957 : memref<64x128xf32, #tpu.memory_space<hbm>>) target(%dma_start3A_955 : memref<64x128xf32, #tpu.memory_space<vmem>>) target_semaphore(%arg8 : memref<!tpu.dma_semaphore, #tpu.memory_space<semaphore_mem>>)
      } else {
      }
      %dma_wait3A_610 = arith.constant 0 : i32
      %dma_wait3A_611 = arith.constant 0 : i32
      %dma_wait3A_612 = tpu.memref_slice %arg6[%dma_wait3A_610, %dma_wait3A_611] : memref<512x128xf32, #tpu.memory_space<vmem>> -> memref<64x128xf32, #tpu.memory_space<vmem>>
      %dma_wait3A_613 = arith.constant 0 : i32
      %dma_wait3A_614 = arith.constant 0 : i32
      %dma_wait3A_615 = tpu.memref_slice %arg3[%dma_wait3A_613, %dma_wait3A_614] : memref<64x1000000xf32, #tpu.memory_space<hbm>> -> memref<64x128xf32, #tpu.memory_space<hbm>>
      %dma_wait3A_616 = arith.constant 0 : i32
      %dma_wait3A_617 = arith.constant 0 : i32
      %dma_wait3A_618 = tpu.memref_slice %arg6[%dma_wait3A_616, %dma_wait3A_617] : memref<512x128xf32, #tpu.memory_space<vmem>> -> memref<64x128xf32, #tpu.memory_space<vmem>>
      %dma_wait3A_619 = arith.constant 0 : i32
      %dma_wait3A_620 = arith.constant 0 : i32
      %dma_wait3A_621 = tpu.memref_slice %arg3[%dma_wait3A_619, %dma_wait3A_620] : memref<64x1000000xf32, #tpu.memory_space<hbm>> -> memref<64x128xf32, #tpu.memory_space<hbm>>
      tpu.wait_dma2 semaphore(%arg8 : memref<!tpu.dma_semaphore, #tpu.memory_space<semaphore_mem>>) src(%dma_wait3A_621 : memref<64x128xf32, #tpu.memory_space<hbm>>) dst(%dma_wait3A_618 : memref<64x128xf32, #tpu.memory_space<vmem>>)
      %slice3A_622 = vector.extract_strided_slice %get3A_278 {offsets = [8], sizes = [1], strides = [1]} : vector<16xi32> to vector<1xi32>
      %squeeze3A_623 = vector.extract %slice3A_622[0] : i32 from vector<1xi32>
      %add3A_624 = arith.constant 8 : i32
      %add3A_625 = arith.addi %mul3A_287, %add3A_624 : i32
      %rem3A_626 = arith.constant 128 : i32
      %rem3A_627 = arith.remsi %squeeze3A_623, %rem3A_626 : i32
      %add3A_628 = arith.constant 0 : i32
      %add3A_629 = arith.addi %rem3A_627, %add3A_628 : i32
      %broadcast_in_dim3A_630 = vector.broadcast %add3A_629 : i32 to vector<16xi32>
      %add3A_631 = arith.constant 0 : i32
      %add3A_632 = arith.addi %add3A_625, %add3A_631 : i32
      %broadcast_in_dim3A_633 = vector.broadcast %add3A_632 : i32 to vector<16xi32>
      %gather3A_634 = tpu.vector_load_idx %arg6[%add3A_5, %broadcast_in_dim3A_630] : memref<512x128xf32, #tpu.memory_space<vmem>>[vector<16xi32>, vector<16xi32>], vector<16xf32>,
      tpu.vector_store_idx %arg7[%add3A_133, %broadcast_in_dim3A_633], %gather3A_634 : memref<64x128xf32, #tpu.memory_space<vmem>>[vector<16xi32>, vector<16xi32>], vector<16xf32>,
      %gather3A_635 = tpu.vector_load_idx %arg6[%add3A_9, %broadcast_in_dim3A_630] : memref<512x128xf32, #tpu.memory_space<vmem>>[vector<16xi32>, vector<16xi32>], vector<16xf32>,
      tpu.vector_store_idx %arg7[%add3A_137, %broadcast_in_dim3A_633], %gather3A_635 : memref<64x128xf32, #tpu.memory_space<vmem>>[vector<16xi32>, vector<16xi32>], vector<16xf32>,
      %gather3A_636 = tpu.vector_load_idx %arg6[%add3A_13, %broadcast_in_dim3A_630] : memref<512x128xf32, #tpu.memory_space<vmem>>[vector<16xi32>, vector<16xi32>], vector<16xf32>,
      tpu.vector_store_idx %arg7[%add3A_141, %broadcast_in_dim3A_633], %gather3A_636 : memref<64x128xf32, #tpu.memory_space<vmem>>[vector<16xi32>, vector<16xi32>], vector<16xf32>,
      %gather3A_637 = tpu.vector_load_idx %arg6[%add3A_17, %broadcast_in_dim3A_630] : memref<512x128xf32, #tpu.memory_space<vmem>>[vector<16xi32>, vector<16xi32>], vector<16xf32>,
      tpu.vector_store_idx %arg7[%add3A_145, %broadcast_in_dim3A_633], %gather3A_637 : memref<64x128xf32, #tpu.memory_space<vmem>>[vector<16xi32>, vector<16xi32>], vector<16xf32>,
      %slice3A_638 = vector.extract_strided_slice %get3A_284 {offsets = [0], sizes = [1], strides = [1]} : vector<16xi32> to vector<1xi32>
      %squeeze3A_639 = vector.extract %slice3A_638[0] : i32 from vector<1xi32>
      %mul3A_640 = arith.constant 16 : i32
      %mul3A_641 = arith.muli %mul3A_640, %scan3A_274 : i32
      %add3A_642 = arith.constant 8 : i32
      %add3A_643 = arith.addi %mul3A_641, %add3A_642 : i32
      %add3A_644 = arith.constant 8 : i32
      %add3A_645 = arith.addi %add3A_643, %add3A_644 : i32
      %lt3A_646 = arith.constant 512 : i32
      %lt3A_647 = arith.cmpi slt, %add3A_645, %lt3A_646 : i32
      %convert_element_type3A_648 = arith.extui %lt3A_647 : i1 to i32
      %cond3A_649 = arith.constant 0 : i32
      %cond3A_650 = arith.cmpi ne, %convert_element_type3A_648, %cond3A_649 : i32
      scf.if %cond3A_650 {
        %rem3A_944 = arith.constant 128 : i32
        %rem3A_945 = arith.remsi %squeeze3A_639, %rem3A_944 : i32
        %sub3A_946 = arith.subi %squeeze3A_639, %rem3A_945 : i32
        %multiple_of3A_947 = tpu.assume_multiple %sub3A_946, 128 : i32
        %dma_start3A_948 = arith.constant 0 : i32
        %dma_start3A_949 = arith.constant 0 : i32
        %dma_start3A_950 = tpu.memref_slice %arg6[%dma_start3A_948, %dma_start3A_949] : memref<512x128xf32, #tpu.memory_space<vmem>> -> memref<64x128xf32, #tpu.memory_space<vmem>>
        %dma_start3A_951 = arith.constant 0 : i32
        %dma_start3A_952 = tpu.memref_slice %arg3[%dma_start3A_951, %multiple_of3A_947] : memref<64x1000000xf32, #tpu.memory_space<hbm>> -> memref<64x128xf32, #tpu.memory_space<hbm>>
        %dma_start3A_953 = arith.constant 0 : i32
        %dma_start3A_954 = arith.constant 0 : i32
        %dma_start3A_955 = tpu.memref_slice %arg6[%dma_start3A_953, %dma_start3A_954] : memref<512x128xf32, #tpu.memory_space<vmem>> -> memref<64x128xf32, #tpu.memory_space<vmem>>
        %dma_start3A_956 = arith.constant 0 : i32
        %dma_start3A_957 = tpu.memref_slice %arg3[%dma_start3A_956, %multiple_of3A_947] : memref<64x1000000xf32, #tpu.memory_space<hbm>> -> memref<64x128xf32, #tpu.memory_space<hbm>>
        tpu.enqueue_dma source(%dma_start3A_957 : memref<64x128xf32, #tpu.memory_space<hbm>>) target(%dma_start3A_955 : memref<64x128xf32, #tpu.memory_space<vmem>>) target_semaphore(%arg8 : memref<!tpu.dma_semaphore, #tpu.memory_space<semaphore_mem>>)
      } else {
      }
      %dma_wait3A_651 = arith.constant 64 : i32
      %dma_wait3A_652 = arith.constant 0 : i32
      %dma_wait3A_653 = tpu.memref_slice %arg6[%dma_wait3A_651, %dma_wait3A_652] : memref<512x128xf32, #tpu.memory_space<vmem>> -> memref<64x128xf32, #tpu.memory_space<vmem>>
      %dma_wait3A_654 = arith.constant 0 : i32
      %dma_wait3A_655 = arith.constant 0 : i32
      %dma_wait3A_656 = tpu.memref_slice %arg3[%dma_wait3A_654, %dma_wait3A_655] : memref<64x1000000xf32, #tpu.memory_space<hbm>> -> memref<64x128xf32, #tpu.memory_space<hbm>>
      %dma_wait3A_657 = arith.constant 64 : i32
      %dma_wait3A_658 = arith.constant 0 : i32
      %dma_wait3A_659 = tpu.memref_slice %arg6[%dma_wait3A_657, %dma_wait3A_658] : memref<512x128xf32, #tpu.memory_space<vmem>> -> memref<64x128xf32, #tpu.memory_space<vmem>>
      %dma_wait3A_660 = arith.constant 0 : i32
      %dma_wait3A_661 = arith.constant 0 : i32
      %dma_wait3A_662 = tpu.memref_slice %arg3[%dma_wait3A_660, %dma_wait3A_661] : memref<64x1000000xf32, #tpu.memory_space<hbm>> -> memref<64x128xf32, #tpu.memory_space<hbm>>
      tpu.wait_dma2 semaphore(%arg8 : memref<!tpu.dma_semaphore, #tpu.memory_space<semaphore_mem>>) src(%dma_wait3A_662 : memref<64x128xf32, #tpu.memory_space<hbm>>) dst(%dma_wait3A_659 : memref<64x128xf32, #tpu.memory_space<vmem>>)
      %slice3A_663 = vector.extract_strided_slice %get3A_278 {offsets = [9], sizes = [1], strides = [1]} : vector<16xi32> to vector<1xi32>
      %squeeze3A_664 = vector.extract %slice3A_663[0] : i32 from vector<1xi32>
      %add3A_665 = arith.constant 9 : i32
      %add3A_666 = arith.addi %mul3A_287, %add3A_665 : i32
      %rem3A_667 = arith.constant 128 : i32
      %rem3A_668 = arith.remsi %squeeze3A_664, %rem3A_667 : i32
      %add3A_669 = arith.constant 0 : i32
      %add3A_670 = arith.addi %rem3A_668, %add3A_669 : i32
      %broadcast_in_dim3A_671 = vector.broadcast %add3A_670 : i32 to vector<16xi32>
      %add3A_672 = arith.constant 0 : i32
      %add3A_673 = arith.addi %add3A_666, %add3A_672 : i32
      %broadcast_in_dim3A_674 = vector.broadcast %add3A_673 : i32 to vector<16xi32>
      %gather3A_675 = tpu.vector_load_idx %arg6[%add3A_21, %broadcast_in_dim3A_671] : memref<512x128xf32, #tpu.memory_space<vmem>>[vector<16xi32>, vector<16xi32>], vector<16xf32>,
      tpu.vector_store_idx %arg7[%add3A_133, %broadcast_in_dim3A_674], %gather3A_675 : memref<64x128xf32, #tpu.memory_space<vmem>>[vector<16xi32>, vector<16xi32>], vector<16xf32>,
      %gather3A_676 = tpu.vector_load_idx %arg6[%add3A_25, %broadcast_in_dim3A_671] : memref<512x128xf32, #tpu.memory_space<vmem>>[vector<16xi32>, vector<16xi32>], vector<16xf32>,
      tpu.vector_store_idx %arg7[%add3A_137, %broadcast_in_dim3A_674], %gather3A_676 : memref<64x128xf32, #tpu.memory_space<vmem>>[vector<16xi32>, vector<16xi32>], vector<16xf32>,
      %gather3A_677 = tpu.vector_load_idx %arg6[%add3A_29, %broadcast_in_dim3A_671] : memref<512x128xf32, #tpu.memory_space<vmem>>[vector<16xi32>, vector<16xi32>], vector<16xf32>,
      tpu.vector_store_idx %arg7[%add3A_141, %broadcast_in_dim3A_674], %gather3A_677 : memref<64x128xf32, #tpu.memory_space<vmem>>[vector<16xi32>, vector<16xi32>], vector<16xf32>,
      %gather3A_678 = tpu.vector_load_idx %arg6[%add3A_33, %broadcast_in_dim3A_671] : memref<512x128xf32, #tpu.memory_space<vmem>>[vector<16xi32>, vector<16xi32>], vector<16xf32>,
      tpu.vector_store_idx %arg7[%add3A_145, %broadcast_in_dim3A_674], %gather3A_678 : memref<64x128xf32, #tpu.memory_space<vmem>>[vector<16xi32>, vector<16xi32>], vector<16xf32>,
      %slice3A_679 = vector.extract_strided_slice %get3A_284 {offsets = [1], sizes = [1], strides = [1]} : vector<16xi32> to vector<1xi32>
      %squeeze3A_680 = vector.extract %slice3A_679[0] : i32 from vector<1xi32>
      %mul3A_681 = arith.constant 16 : i32
      %mul3A_682 = arith.muli %mul3A_681, %scan3A_274 : i32
      %add3A_683 = arith.constant 9 : i32
      %add3A_684 = arith.addi %mul3A_682, %add3A_683 : i32
      %add3A_685 = arith.constant 8 : i32
      %add3A_686 = arith.addi %add3A_684, %add3A_685 : i32
      %lt3A_687 = arith.constant 512 : i32
      %lt3A_688 = arith.cmpi slt, %add3A_686, %lt3A_687 : i32
      %convert_element_type3A_689 = arith.extui %lt3A_688 : i1 to i32
      %cond3A_690 = arith.constant 0 : i32
      %cond3A_691 = arith.cmpi ne, %convert_element_type3A_689, %cond3A_690 : i32
      scf.if %cond3A_691 {
        %rem3A_944 = arith.constant 128 : i32
        %rem3A_945 = arith.remsi %squeeze3A_680, %rem3A_944 : i32
        %sub3A_946 = arith.subi %squeeze3A_680, %rem3A_945 : i32
        %multiple_of3A_947 = tpu.assume_multiple %sub3A_946, 128 : i32
        %dma_start3A_948 = arith.constant 64 : i32
        %dma_start3A_949 = arith.constant 0 : i32
        %dma_start3A_950 = tpu.memref_slice %arg6[%dma_start3A_948, %dma_start3A_949] : memref<512x128xf32, #tpu.memory_space<vmem>> -> memref<64x128xf32, #tpu.memory_space<vmem>>
        %dma_start3A_951 = arith.constant 0 : i32
        %dma_start3A_952 = tpu.memref_slice %arg3[%dma_start3A_951, %multiple_of3A_947] : memref<64x1000000xf32, #tpu.memory_space<hbm>> -> memref<64x128xf32, #tpu.memory_space<hbm>>
        %dma_start3A_953 = arith.constant 64 : i32
        %dma_start3A_954 = arith.constant 0 : i32
        %dma_start3A_955 = tpu.memref_slice %arg6[%dma_start3A_953, %dma_start3A_954] : memref<512x128xf32, #tpu.memory_space<vmem>> -> memref<64x128xf32, #tpu.memory_space<vmem>>
        %dma_start3A_956 = arith.constant 0 : i32
        %dma_start3A_957 = tpu.memref_slice %arg3[%dma_start3A_956, %multiple_of3A_947] : memref<64x1000000xf32, #tpu.memory_space<hbm>> -> memref<64x128xf32, #tpu.memory_space<hbm>>
        tpu.enqueue_dma source(%dma_start3A_957 : memref<64x128xf32, #tpu.memory_space<hbm>>) target(%dma_start3A_955 : memref<64x128xf32, #tpu.memory_space<vmem>>) target_semaphore(%arg8 : memref<!tpu.dma_semaphore, #tpu.memory_space<semaphore_mem>>)
      } else {
      }
      %dma_wait3A_692 = arith.constant 128 : i32
      %dma_wait3A_693 = arith.constant 0 : i32
      %dma_wait3A_694 = tpu.memref_slice %arg6[%dma_wait3A_692, %dma_wait3A_693] : memref<512x128xf32, #tpu.memory_space<vmem>> -> memref<64x128xf32, #tpu.memory_space<vmem>>
      %dma_wait3A_695 = arith.constant 0 : i32
      %dma_wait3A_696 = arith.constant 0 : i32
      %dma_wait3A_697 = tpu.memref_slice %arg3[%dma_wait3A_695, %dma_wait3A_696] : memref<64x1000000xf32, #tpu.memory_space<hbm>> -> memref<64x128xf32, #tpu.memory_space<hbm>>
      %dma_wait3A_698 = arith.constant 128 : i32
      %dma_wait3A_699 = arith.constant 0 : i32
      %dma_wait3A_700 = tpu.memref_slice %arg6[%dma_wait3A_698, %dma_wait3A_699] : memref<512x128xf32, #tpu.memory_space<vmem>> -> memref<64x128xf32, #tpu.memory_space<vmem>>
      %dma_wait3A_701 = arith.constant 0 : i32
      %dma_wait3A_702 = arith.constant 0 : i32
      %dma_wait3A_703 = tpu.memref_slice %arg3[%dma_wait3A_701, %dma_wait3A_702] : memref<64x1000000xf32, #tpu.memory_space<hbm>> -> memref<64x128xf32, #tpu.memory_space<hbm>>
      tpu.wait_dma2 semaphore(%arg8 : memref<!tpu.dma_semaphore, #tpu.memory_space<semaphore_mem>>) src(%dma_wait3A_703 : memref<64x128xf32, #tpu.memory_space<hbm>>) dst(%dma_wait3A_700 : memref<64x128xf32, #tpu.memory_space<vmem>>)
      %slice3A_704 = vector.extract_strided_slice %get3A_278 {offsets = [10], sizes = [1], strides = [1]} : vector<16xi32> to vector<1xi32>
      %squeeze3A_705 = vector.extract %slice3A_704[0] : i32 from vector<1xi32>
      %add3A_706 = arith.constant 10 : i32
      %add3A_707 = arith.addi %mul3A_287, %add3A_706 : i32
      %rem3A_708 = arith.constant 128 : i32
      %rem3A_709 = arith.remsi %squeeze3A_705, %rem3A_708 : i32
      %add3A_710 = arith.constant 0 : i32
      %add3A_711 = arith.addi %rem3A_709, %add3A_710 : i32
      %broadcast_in_dim3A_712 = vector.broadcast %add3A_711 : i32 to vector<16xi32>
      %add3A_713 = arith.constant 0 : i32
      %add3A_714 = arith.addi %add3A_707, %add3A_713 : i32
      %broadcast_in_dim3A_715 = vector.broadcast %add3A_714 : i32 to vector<16xi32>
      %gather3A_716 = tpu.vector_load_idx %arg6[%add3A_37, %broadcast_in_dim3A_712] : memref<512x128xf32, #tpu.memory_space<vmem>>[vector<16xi32>, vector<16xi32>], vector<16xf32>,
      tpu.vector_store_idx %arg7[%add3A_133, %broadcast_in_dim3A_715], %gather3A_716 : memref<64x128xf32, #tpu.memory_space<vmem>>[vector<16xi32>, vector<16xi32>], vector<16xf32>,
      %gather3A_717 = tpu.vector_load_idx %arg6[%add3A_41, %broadcast_in_dim3A_712] : memref<512x128xf32, #tpu.memory_space<vmem>>[vector<16xi32>, vector<16xi32>], vector<16xf32>,
      tpu.vector_store_idx %arg7[%add3A_137, %broadcast_in_dim3A_715], %gather3A_717 : memref<64x128xf32, #tpu.memory_space<vmem>>[vector<16xi32>, vector<16xi32>], vector<16xf32>,
      %gather3A_718 = tpu.vector_load_idx %arg6[%add3A_45, %broadcast_in_dim3A_712] : memref<512x128xf32, #tpu.memory_space<vmem>>[vector<16xi32>, vector<16xi32>], vector<16xf32>,
      tpu.vector_store_idx %arg7[%add3A_141, %broadcast_in_dim3A_715], %gather3A_718 : memref<64x128xf32, #tpu.memory_space<vmem>>[vector<16xi32>, vector<16xi32>], vector<16xf32>,
      %gather3A_719 = tpu.vector_load_idx %arg6[%add3A_49, %broadcast_in_dim3A_712] : memref<512x128xf32, #tpu.memory_space<vmem>>[vector<16xi32>, vector<16xi32>], vector<16xf32>,
      tpu.vector_store_idx %arg7[%add3A_145, %broadcast_in_dim3A_715], %gather3A_719 : memref<64x128xf32, #tpu.memory_space<vmem>>[vector<16xi32>, vector<16xi32>], vector<16xf32>,
      %slice3A_720 = vector.extract_strided_slice %get3A_284 {offsets = [2], sizes = [1], strides = [1]} : vector<16xi32> to vector<1xi32>
      %squeeze3A_721 = vector.extract %slice3A_720[0] : i32 from vector<1xi32>
      %mul3A_722 = arith.constant 16 : i32
      %mul3A_723 = arith.muli %mul3A_722, %scan3A_274 : i32
      %add3A_724 = arith.constant 10 : i32
      %add3A_725 = arith.addi %mul3A_723, %add3A_724 : i32
      %add3A_726 = arith.constant 8 : i32
      %add3A_727 = arith.addi %add3A_725, %add3A_726 : i32
      %lt3A_728 = arith.constant 512 : i32
      %lt3A_729 = arith.cmpi slt, %add3A_727, %lt3A_728 : i32
      %convert_element_type3A_730 = arith.extui %lt3A_729 : i1 to i32
      %cond3A_731 = arith.constant 0 : i32
      %cond3A_732 = arith.cmpi ne, %convert_element_type3A_730, %cond3A_731 : i32
      scf.if %cond3A_732 {
        %rem3A_944 = arith.constant 128 : i32
        %rem3A_945 = arith.remsi %squeeze3A_721, %rem3A_944 : i32
        %sub3A_946 = arith.subi %squeeze3A_721, %rem3A_945 : i32
        %multiple_of3A_947 = tpu.assume_multiple %sub3A_946, 128 : i32
        %dma_start3A_948 = arith.constant 128 : i32
        %dma_start3A_949 = arith.constant 0 : i32
        %dma_start3A_950 = tpu.memref_slice %arg6[%dma_start3A_948, %dma_start3A_949] : memref<512x128xf32, #tpu.memory_space<vmem>> -> memref<64x128xf32, #tpu.memory_space<vmem>>
        %dma_start3A_951 = arith.constant 0 : i32
        %dma_start3A_952 = tpu.memref_slice %arg3[%dma_start3A_951, %multiple_of3A_947] : memref<64x1000000xf32, #tpu.memory_space<hbm>> -> memref<64x128xf32, #tpu.memory_space<hbm>>
        %dma_start3A_953 = arith.constant 128 : i32
        %dma_start3A_954 = arith.constant 0 : i32
        %dma_start3A_955 = tpu.memref_slice %arg6[%dma_start3A_953, %dma_start3A_954] : memref<512x128xf32, #tpu.memory_space<vmem>> -> memref<64x128xf32, #tpu.memory_space<vmem>>
        %dma_start3A_956 = arith.constant 0 : i32
        %dma_start3A_957 = tpu.memref_slice %arg3[%dma_start3A_956, %multiple_of3A_947] : memref<64x1000000xf32, #tpu.memory_space<hbm>> -> memref<64x128xf32, #tpu.memory_space<hbm>>
        tpu.enqueue_dma source(%dma_start3A_957 : memref<64x128xf32, #tpu.memory_space<hbm>>) target(%dma_start3A_955 : memref<64x128xf32, #tpu.memory_space<vmem>>) target_semaphore(%arg8 : memref<!tpu.dma_semaphore, #tpu.memory_space<semaphore_mem>>)
      } else {
      }
      %dma_wait3A_733 = arith.constant 192 : i32
      %dma_wait3A_734 = arith.constant 0 : i32
      %dma_wait3A_735 = tpu.memref_slice %arg6[%dma_wait3A_733, %dma_wait3A_734] : memref<512x128xf32, #tpu.memory_space<vmem>> -> memref<64x128xf32, #tpu.memory_space<vmem>>
      %dma_wait3A_736 = arith.constant 0 : i32
      %dma_wait3A_737 = arith.constant 0 : i32
      %dma_wait3A_738 = tpu.memref_slice %arg3[%dma_wait3A_736, %dma_wait3A_737] : memref<64x1000000xf32, #tpu.memory_space<hbm>> -> memref<64x128xf32, #tpu.memory_space<hbm>>
      %dma_wait3A_739 = arith.constant 192 : i32
      %dma_wait3A_740 = arith.constant 0 : i32
      %dma_wait3A_741 = tpu.memref_slice %arg6[%dma_wait3A_739, %dma_wait3A_740] : memref<512x128xf32, #tpu.memory_space<vmem>> -> memref<64x128xf32, #tpu.memory_space<vmem>>
      %dma_wait3A_742 = arith.constant 0 : i32
      %dma_wait3A_743 = arith.constant 0 : i32
      %dma_wait3A_744 = tpu.memref_slice %arg3[%dma_wait3A_742, %dma_wait3A_743] : memref<64x1000000xf32, #tpu.memory_space<hbm>> -> memref<64x128xf32, #tpu.memory_space<hbm>>
      tpu.wait_dma2 semaphore(%arg8 : memref<!tpu.dma_semaphore, #tpu.memory_space<semaphore_mem>>) src(%dma_wait3A_744 : memref<64x128xf32, #tpu.memory_space<hbm>>) dst(%dma_wait3A_741 : memref<64x128xf32, #tpu.memory_space<vmem>>)
      %slice3A_745 = vector.extract_strided_slice %get3A_278 {offsets = [11], sizes = [1], strides = [1]} : vector<16xi32> to vector<1xi32>
      %squeeze3A_746 = vector.extract %slice3A_745[0] : i32 from vector<1xi32>
      %add3A_747 = arith.constant 11 : i32
      %add3A_748 = arith.addi %mul3A_287, %add3A_747 : i32
      %rem3A_749 = arith.constant 128 : i32
      %rem3A_750 = arith.remsi %squeeze3A_746, %rem3A_749 : i32
      %add3A_751 = arith.constant 0 : i32
      %add3A_752 = arith.addi %rem3A_750, %add3A_751 : i32
      %broadcast_in_dim3A_753 = vector.broadcast %add3A_752 : i32 to vector<16xi32>
      %add3A_754 = arith.constant 0 : i32
      %add3A_755 = arith.addi %add3A_748, %add3A_754 : i32
      %broadcast_in_dim3A_756 = vector.broadcast %add3A_755 : i32 to vector<16xi32>
      %gather3A_757 = tpu.vector_load_idx %arg6[%add3A_53, %broadcast_in_dim3A_753] : memref<512x128xf32, #tpu.memory_space<vmem>>[vector<16xi32>, vector<16xi32>], vector<16xf32>,
      tpu.vector_store_idx %arg7[%add3A_133, %broadcast_in_dim3A_756], %gather3A_757 : memref<64x128xf32, #tpu.memory_space<vmem>>[vector<16xi32>, vector<16xi32>], vector<16xf32>,
      %gather3A_758 = tpu.vector_load_idx %arg6[%add3A_57, %broadcast_in_dim3A_753] : memref<512x128xf32, #tpu.memory_space<vmem>>[vector<16xi32>, vector<16xi32>], vector<16xf32>,
      tpu.vector_store_idx %arg7[%add3A_137, %broadcast_in_dim3A_756], %gather3A_758 : memref<64x128xf32, #tpu.memory_space<vmem>>[vector<16xi32>, vector<16xi32>], vector<16xf32>,
      %gather3A_759 = tpu.vector_load_idx %arg6[%add3A_61, %broadcast_in_dim3A_753] : memref<512x128xf32, #tpu.memory_space<vmem>>[vector<16xi32>, vector<16xi32>], vector<16xf32>,
      tpu.vector_store_idx %arg7[%add3A_141, %broadcast_in_dim3A_756], %gather3A_759 : memref<64x128xf32, #tpu.memory_space<vmem>>[vector<16xi32>, vector<16xi32>], vector<16xf32>,
      %gather3A_760 = tpu.vector_load_idx %arg6[%add3A_65, %broadcast_in_dim3A_753] : memref<512x128xf32, #tpu.memory_space<vmem>>[vector<16xi32>, vector<16xi32>], vector<16xf32>,
      tpu.vector_store_idx %arg7[%add3A_145, %broadcast_in_dim3A_756], %gather3A_760 : memref<64x128xf32, #tpu.memory_space<vmem>>[vector<16xi32>, vector<16xi32>], vector<16xf32>,
      %slice3A_761 = vector.extract_strided_slice %get3A_284 {offsets = [3], sizes = [1], strides = [1]} : vector<16xi32> to vector<1xi32>
      %squeeze3A_762 = vector.extract %slice3A_761[0] : i32 from vector<1xi32>
      %mul3A_763 = arith.constant 16 : i32
      %mul3A_764 = arith.muli %mul3A_763, %scan3A_274 : i32
      %add3A_765 = arith.constant 11 : i32
      %add3A_766 = arith.addi %mul3A_764, %add3A_765 : i32
      %add3A_767 = arith.constant 8 : i32
      %add3A_768 = arith.addi %add3A_766, %add3A_767 : i32
      %lt3A_769 = arith.constant 512 : i32
      %lt3A_770 = arith.cmpi slt, %add3A_768, %lt3A_769 : i32
      %convert_element_type3A_771 = arith.extui %lt3A_770 : i1 to i32
      %cond3A_772 = arith.constant 0 : i32
      %cond3A_773 = arith.cmpi ne, %convert_element_type3A_771, %cond3A_772 : i32
      scf.if %cond3A_773 {
        %rem3A_944 = arith.constant 128 : i32
        %rem3A_945 = arith.remsi %squeeze3A_762, %rem3A_944 : i32
        %sub3A_946 = arith.subi %squeeze3A_762, %rem3A_945 : i32
        %multiple_of3A_947 = tpu.assume_multiple %sub3A_946, 128 : i32
        %dma_start3A_948 = arith.constant 192 : i32
        %dma_start3A_949 = arith.constant 0 : i32
        %dma_start3A_950 = tpu.memref_slice %arg6[%dma_start3A_948, %dma_start3A_949] : memref<512x128xf32, #tpu.memory_space<vmem>> -> memref<64x128xf32, #tpu.memory_space<vmem>>
        %dma_start3A_951 = arith.constant 0 : i32
        %dma_start3A_952 = tpu.memref_slice %arg3[%dma_start3A_951, %multiple_of3A_947] : memref<64x1000000xf32, #tpu.memory_space<hbm>> -> memref<64x128xf32, #tpu.memory_space<hbm>>
        %dma_start3A_953 = arith.constant 192 : i32
        %dma_start3A_954 = arith.constant 0 : i32
        %dma_start3A_955 = tpu.memref_slice %arg6[%dma_start3A_953, %dma_start3A_954] : memref<512x128xf32, #tpu.memory_space<vmem>> -> memref<64x128xf32, #tpu.memory_space<vmem>>
        %dma_start3A_956 = arith.constant 0 : i32
        %dma_start3A_957 = tpu.memref_slice %arg3[%dma_start3A_956, %multiple_of3A_947] : memref<64x1000000xf32, #tpu.memory_space<hbm>> -> memref<64x128xf32, #tpu.memory_space<hbm>>
        tpu.enqueue_dma source(%dma_start3A_957 : memref<64x128xf32, #tpu.memory_space<hbm>>) target(%dma_start3A_955 : memref<64x128xf32, #tpu.memory_space<vmem>>) target_semaphore(%arg8 : memref<!tpu.dma_semaphore, #tpu.memory_space<semaphore_mem>>)
      } else {
      }
      %dma_wait3A_774 = arith.constant 256 : i32
      %dma_wait3A_775 = arith.constant 0 : i32
      %dma_wait3A_776 = tpu.memref_slice %arg6[%dma_wait3A_774, %dma_wait3A_775] : memref<512x128xf32, #tpu.memory_space<vmem>> -> memref<64x128xf32, #tpu.memory_space<vmem>>
      %dma_wait3A_777 = arith.constant 0 : i32
      %dma_wait3A_778 = arith.constant 0 : i32
      %dma_wait3A_779 = tpu.memref_slice %arg3[%dma_wait3A_777, %dma_wait3A_778] : memref<64x1000000xf32, #tpu.memory_space<hbm>> -> memref<64x128xf32, #tpu.memory_space<hbm>>
      %dma_wait3A_780 = arith.constant 256 : i32
      %dma_wait3A_781 = arith.constant 0 : i32
      %dma_wait3A_782 = tpu.memref_slice %arg6[%dma_wait3A_780, %dma_wait3A_781] : memref<512x128xf32, #tpu.memory_space<vmem>> -> memref<64x128xf32, #tpu.memory_space<vmem>>
      %dma_wait3A_783 = arith.constant 0 : i32
      %dma_wait3A_784 = arith.constant 0 : i32
      %dma_wait3A_785 = tpu.memref_slice %arg3[%dma_wait3A_783, %dma_wait3A_784] : memref<64x1000000xf32, #tpu.memory_space<hbm>> -> memref<64x128xf32, #tpu.memory_space<hbm>>
      tpu.wait_dma2 semaphore(%arg8 : memref<!tpu.dma_semaphore, #tpu.memory_space<semaphore_mem>>) src(%dma_wait3A_785 : memref<64x128xf32, #tpu.memory_space<hbm>>) dst(%dma_wait3A_782 : memref<64x128xf32, #tpu.memory_space<vmem>>)
      %slice3A_786 = vector.extract_strided_slice %get3A_278 {offsets = [12], sizes = [1], strides = [1]} : vector<16xi32> to vector<1xi32>
      %squeeze3A_787 = vector.extract %slice3A_786[0] : i32 from vector<1xi32>
      %add3A_788 = arith.constant 12 : i32
      %add3A_789 = arith.addi %mul3A_287, %add3A_788 : i32
      %rem3A_790 = arith.constant 128 : i32
      %rem3A_791 = arith.remsi %squeeze3A_787, %rem3A_790 : i32
      %add3A_792 = arith.constant 0 : i32
      %add3A_793 = arith.addi %rem3A_791, %add3A_792 : i32
      %broadcast_in_dim3A_794 = vector.broadcast %add3A_793 : i32 to vector<16xi32>
      %add3A_795 = arith.constant 0 : i32
      %add3A_796 = arith.addi %add3A_789, %add3A_795 : i32
      %broadcast_in_dim3A_797 = vector.broadcast %add3A_796 : i32 to vector<16xi32>
      %gather3A_798 = tpu.vector_load_idx %arg6[%add3A_69, %broadcast_in_dim3A_794] : memref<512x128xf32, #tpu.memory_space<vmem>>[vector<16xi32>, vector<16xi32>], vector<16xf32>,
      tpu.vector_store_idx %arg7[%add3A_133, %broadcast_in_dim3A_797], %gather3A_798 : memref<64x128xf32, #tpu.memory_space<vmem>>[vector<16xi32>, vector<16xi32>], vector<16xf32>,
      %gather3A_799 = tpu.vector_load_idx %arg6[%add3A_73, %broadcast_in_dim3A_794] : memref<512x128xf32, #tpu.memory_space<vmem>>[vector<16xi32>, vector<16xi32>], vector<16xf32>,
      tpu.vector_store_idx %arg7[%add3A_137, %broadcast_in_dim3A_797], %gather3A_799 : memref<64x128xf32, #tpu.memory_space<vmem>>[vector<16xi32>, vector<16xi32>], vector<16xf32>,
      %gather3A_800 = tpu.vector_load_idx %arg6[%add3A_77, %broadcast_in_dim3A_794] : memref<512x128xf32, #tpu.memory_space<vmem>>[vector<16xi32>, vector<16xi32>], vector<16xf32>,
      tpu.vector_store_idx %arg7[%add3A_141, %broadcast_in_dim3A_797], %gather3A_800 : memref<64x128xf32, #tpu.memory_space<vmem>>[vector<16xi32>, vector<16xi32>], vector<16xf32>,
      %gather3A_801 = tpu.vector_load_idx %arg6[%add3A_81, %broadcast_in_dim3A_794] : memref<512x128xf32, #tpu.memory_space<vmem>>[vector<16xi32>, vector<16xi32>], vector<16xf32>,
      tpu.vector_store_idx %arg7[%add3A_145, %broadcast_in_dim3A_797], %gather3A_801 : memref<64x128xf32, #tpu.memory_space<vmem>>[vector<16xi32>, vector<16xi32>], vector<16xf32>,
      %slice3A_802 = vector.extract_strided_slice %get3A_284 {offsets = [4], sizes = [1], strides = [1]} : vector<16xi32> to vector<1xi32>
      %squeeze3A_803 = vector.extract %slice3A_802[0] : i32 from vector<1xi32>
      %mul3A_804 = arith.constant 16 : i32
      %mul3A_805 = arith.muli %mul3A_804, %scan3A_274 : i32
      %add3A_806 = arith.constant 12 : i32
      %add3A_807 = arith.addi %mul3A_805, %add3A_806 : i32
      %add3A_808 = arith.constant 8 : i32
      %add3A_809 = arith.addi %add3A_807, %add3A_808 : i32
      %lt3A_810 = arith.constant 512 : i32
      %lt3A_811 = arith.cmpi slt, %add3A_809, %lt3A_810 : i32
      %convert_element_type3A_812 = arith.extui %lt3A_811 : i1 to i32
      %cond3A_813 = arith.constant 0 : i32
      %cond3A_814 = arith.cmpi ne, %convert_element_type3A_812, %cond3A_813 : i32
      scf.if %cond3A_814 {
        %rem3A_944 = arith.constant 128 : i32
        %rem3A_945 = arith.remsi %squeeze3A_803, %rem3A_944 : i32
        %sub3A_946 = arith.subi %squeeze3A_803, %rem3A_945 : i32
        %multiple_of3A_947 = tpu.assume_multiple %sub3A_946, 128 : i32
        %dma_start3A_948 = arith.constant 256 : i32
        %dma_start3A_949 = arith.constant 0 : i32
        %dma_start3A_950 = tpu.memref_slice %arg6[%dma_start3A_948, %dma_start3A_949] : memref<512x128xf32, #tpu.memory_space<vmem>> -> memref<64x128xf32, #tpu.memory_space<vmem>>
        %dma_start3A_951 = arith.constant 0 : i32
        %dma_start3A_952 = tpu.memref_slice %arg3[%dma_start3A_951, %multiple_of3A_947] : memref<64x1000000xf32, #tpu.memory_space<hbm>> -> memref<64x128xf32, #tpu.memory_space<hbm>>
        %dma_start3A_953 = arith.constant 256 : i32
        %dma_start3A_954 = arith.constant 0 : i32
        %dma_start3A_955 = tpu.memref_slice %arg6[%dma_start3A_953, %dma_start3A_954] : memref<512x128xf32, #tpu.memory_space<vmem>> -> memref<64x128xf32, #tpu.memory_space<vmem>>
        %dma_start3A_956 = arith.constant 0 : i32
        %dma_start3A_957 = tpu.memref_slice %arg3[%dma_start3A_956, %multiple_of3A_947] : memref<64x1000000xf32, #tpu.memory_space<hbm>> -> memref<64x128xf32, #tpu.memory_space<hbm>>
        tpu.enqueue_dma source(%dma_start3A_957 : memref<64x128xf32, #tpu.memory_space<hbm>>) target(%dma_start3A_955 : memref<64x128xf32, #tpu.memory_space<vmem>>) target_semaphore(%arg8 : memref<!tpu.dma_semaphore, #tpu.memory_space<semaphore_mem>>)
      } else {
      }
      %dma_wait3A_815 = arith.constant 320 : i32
      %dma_wait3A_816 = arith.constant 0 : i32
      %dma_wait3A_817 = tpu.memref_slice %arg6[%dma_wait3A_815, %dma_wait3A_816] : memref<512x128xf32, #tpu.memory_space<vmem>> -> memref<64x128xf32, #tpu.memory_space<vmem>>
      %dma_wait3A_818 = arith.constant 0 : i32
      %dma_wait3A_819 = arith.constant 0 : i32
      %dma_wait3A_820 = tpu.memref_slice %arg3[%dma_wait3A_818, %dma_wait3A_819] : memref<64x1000000xf32, #tpu.memory_space<hbm>> -> memref<64x128xf32, #tpu.memory_space<hbm>>
      %dma_wait3A_821 = arith.constant 320 : i32
      %dma_wait3A_822 = arith.constant 0 : i32
      %dma_wait3A_823 = tpu.memref_slice %arg6[%dma_wait3A_821, %dma_wait3A_822] : memref<512x128xf32, #tpu.memory_space<vmem>> -> memref<64x128xf32, #tpu.memory_space<vmem>>
      %dma_wait3A_824 = arith.constant 0 : i32
      %dma_wait3A_825 = arith.constant 0 : i32
      %dma_wait3A_826 = tpu.memref_slice %arg3[%dma_wait3A_824, %dma_wait3A_825] : memref<64x1000000xf32, #tpu.memory_space<hbm>> -> memref<64x128xf32, #tpu.memory_space<hbm>>
      tpu.wait_dma2 semaphore(%arg8 : memref<!tpu.dma_semaphore, #tpu.memory_space<semaphore_mem>>) src(%dma_wait3A_826 : memref<64x128xf32, #tpu.memory_space<hbm>>) dst(%dma_wait3A_823 : memref<64x128xf32, #tpu.memory_space<vmem>>)
      %slice3A_827 = vector.extract_strided_slice %get3A_278 {offsets = [13], sizes = [1], strides = [1]} : vector<16xi32> to vector<1xi32>
      %squeeze3A_828 = vector.extract %slice3A_827[0] : i32 from vector<1xi32>
      %add3A_829 = arith.constant 13 : i32
      %add3A_830 = arith.addi %mul3A_287, %add3A_829 : i32
      %rem3A_831 = arith.constant 128 : i32
      %rem3A_832 = arith.remsi %squeeze3A_828, %rem3A_831 : i32
      %add3A_833 = arith.constant 0 : i32
      %add3A_834 = arith.addi %rem3A_832, %add3A_833 : i32
      %broadcast_in_dim3A_835 = vector.broadcast %add3A_834 : i32 to vector<16xi32>
      %add3A_836 = arith.constant 0 : i32
      %add3A_837 = arith.addi %add3A_830, %add3A_836 : i32
      %broadcast_in_dim3A_838 = vector.broadcast %add3A_837 : i32 to vector<16xi32>
      %gather3A_839 = tpu.vector_load_idx %arg6[%add3A_85, %broadcast_in_dim3A_835] : memref<512x128xf32, #tpu.memory_space<vmem>>[vector<16xi32>, vector<16xi32>], vector<16xf32>,
      tpu.vector_store_idx %arg7[%add3A_133, %broadcast_in_dim3A_838], %gather3A_839 : memref<64x128xf32, #tpu.memory_space<vmem>>[vector<16xi32>, vector<16xi32>], vector<16xf32>,
      %gather3A_840 = tpu.vector_load_idx %arg6[%add3A_89, %broadcast_in_dim3A_835] : memref<512x128xf32, #tpu.memory_space<vmem>>[vector<16xi32>, vector<16xi32>], vector<16xf32>,
      tpu.vector_store_idx %arg7[%add3A_137, %broadcast_in_dim3A_838], %gather3A_840 : memref<64x128xf32, #tpu.memory_space<vmem>>[vector<16xi32>, vector<16xi32>], vector<16xf32>,
      %gather3A_841 = tpu.vector_load_idx %arg6[%add3A_93, %broadcast_in_dim3A_835] : memref<512x128xf32, #tpu.memory_space<vmem>>[vector<16xi32>, vector<16xi32>], vector<16xf32>,
      tpu.vector_store_idx %arg7[%add3A_141, %broadcast_in_dim3A_838], %gather3A_841 : memref<64x128xf32, #tpu.memory_space<vmem>>[vector<16xi32>, vector<16xi32>], vector<16xf32>,
      %gather3A_842 = tpu.vector_load_idx %arg6[%add3A_97, %broadcast_in_dim3A_835] : memref<512x128xf32, #tpu.memory_space<vmem>>[vector<16xi32>, vector<16xi32>], vector<16xf32>,
      tpu.vector_store_idx %arg7[%add3A_145, %broadcast_in_dim3A_838], %gather3A_842 : memref<64x128xf32, #tpu.memory_space<vmem>>[vector<16xi32>, vector<16xi32>], vector<16xf32>,
      %slice3A_843 = vector.extract_strided_slice %get3A_284 {offsets = [5], sizes = [1], strides = [1]} : vector<16xi32> to vector<1xi32>
      %squeeze3A_844 = vector.extract %slice3A_843[0] : i32 from vector<1xi32>
      %mul3A_845 = arith.constant 16 : i32
      %mul3A_846 = arith.muli %mul3A_845, %scan3A_274 : i32
      %add3A_847 = arith.constant 13 : i32
      %add3A_848 = arith.addi %mul3A_846, %add3A_847 : i32
      %add3A_849 = arith.constant 8 : i32
      %add3A_850 = arith.addi %add3A_848, %add3A_849 : i32
      %lt3A_851 = arith.constant 512 : i32
      %lt3A_852 = arith.cmpi slt, %add3A_850, %lt3A_851 : i32
      %convert_element_type3A_853 = arith.extui %lt3A_852 : i1 to i32
      %cond3A_854 = arith.constant 0 : i32
      %cond3A_855 = arith.cmpi ne, %convert_element_type3A_853, %cond3A_854 : i32
      scf.if %cond3A_855 {
        %rem3A_944 = arith.constant 128 : i32
        %rem3A_945 = arith.remsi %squeeze3A_844, %rem3A_944 : i32
        %sub3A_946 = arith.subi %squeeze3A_844, %rem3A_945 : i32
        %multiple_of3A_947 = tpu.assume_multiple %sub3A_946, 128 : i32
        %dma_start3A_948 = arith.constant 320 : i32
        %dma_start3A_949 = arith.constant 0 : i32
        %dma_start3A_950 = tpu.memref_slice %arg6[%dma_start3A_948, %dma_start3A_949] : memref<512x128xf32, #tpu.memory_space<vmem>> -> memref<64x128xf32, #tpu.memory_space<vmem>>
        %dma_start3A_951 = arith.constant 0 : i32
        %dma_start3A_952 = tpu.memref_slice %arg3[%dma_start3A_951, %multiple_of3A_947] : memref<64x1000000xf32, #tpu.memory_space<hbm>> -> memref<64x128xf32, #tpu.memory_space<hbm>>
        %dma_start3A_953 = arith.constant 320 : i32
        %dma_start3A_954 = arith.constant 0 : i32
        %dma_start3A_955 = tpu.memref_slice %arg6[%dma_start3A_953, %dma_start3A_954] : memref<512x128xf32, #tpu.memory_space<vmem>> -> memref<64x128xf32, #tpu.memory_space<vmem>>
        %dma_start3A_956 = arith.constant 0 : i32
        %dma_start3A_957 = tpu.memref_slice %arg3[%dma_start3A_956, %multiple_of3A_947] : memref<64x1000000xf32, #tpu.memory_space<hbm>> -> memref<64x128xf32, #tpu.memory_space<hbm>>
        tpu.enqueue_dma source(%dma_start3A_957 : memref<64x128xf32, #tpu.memory_space<hbm>>) target(%dma_start3A_955 : memref<64x128xf32, #tpu.memory_space<vmem>>) target_semaphore(%arg8 : memref<!tpu.dma_semaphore, #tpu.memory_space<semaphore_mem>>)
      } else {
      }
      %dma_wait3A_856 = arith.constant 384 : i32
      %dma_wait3A_857 = arith.constant 0 : i32
      %dma_wait3A_858 = tpu.memref_slice %arg6[%dma_wait3A_856, %dma_wait3A_857] : memref<512x128xf32, #tpu.memory_space<vmem>> -> memref<64x128xf32, #tpu.memory_space<vmem>>
      %dma_wait3A_859 = arith.constant 0 : i32
      %dma_wait3A_860 = arith.constant 0 : i32
      %dma_wait3A_861 = tpu.memref_slice %arg3[%dma_wait3A_859, %dma_wait3A_860] : memref<64x1000000xf32, #tpu.memory_space<hbm>> -> memref<64x128xf32, #tpu.memory_space<hbm>>
      %dma_wait3A_862 = arith.constant 384 : i32
      %dma_wait3A_863 = arith.constant 0 : i32
      %dma_wait3A_864 = tpu.memref_slice %arg6[%dma_wait3A_862, %dma_wait3A_863] : memref<512x128xf32, #tpu.memory_space<vmem>> -> memref<64x128xf32, #tpu.memory_space<vmem>>
      %dma_wait3A_865 = arith.constant 0 : i32
      %dma_wait3A_866 = arith.constant 0 : i32
      %dma_wait3A_867 = tpu.memref_slice %arg3[%dma_wait3A_865, %dma_wait3A_866] : memref<64x1000000xf32, #tpu.memory_space<hbm>> -> memref<64x128xf32, #tpu.memory_space<hbm>>
      tpu.wait_dma2 semaphore(%arg8 : memref<!tpu.dma_semaphore, #tpu.memory_space<semaphore_mem>>) src(%dma_wait3A_867 : memref<64x128xf32, #tpu.memory_space<hbm>>) dst(%dma_wait3A_864 : memref<64x128xf32, #tpu.memory_space<vmem>>)
      %slice3A_868 = vector.extract_strided_slice %get3A_278 {offsets = [14], sizes = [1], strides = [1]} : vector<16xi32> to vector<1xi32>
      %squeeze3A_869 = vector.extract %slice3A_868[0] : i32 from vector<1xi32>
      %add3A_870 = arith.constant 14 : i32
      %add3A_871 = arith.addi %mul3A_287, %add3A_870 : i32
      %rem3A_872 = arith.constant 128 : i32
      %rem3A_873 = arith.remsi %squeeze3A_869, %rem3A_872 : i32
      %add3A_874 = arith.constant 0 : i32
      %add3A_875 = arith.addi %rem3A_873, %add3A_874 : i32
      %broadcast_in_dim3A_876 = vector.broadcast %add3A_875 : i32 to vector<16xi32>
      %add3A_877 = arith.constant 0 : i32
      %add3A_878 = arith.addi %add3A_871, %add3A_877 : i32
      %broadcast_in_dim3A_879 = vector.broadcast %add3A_878 : i32 to vector<16xi32>
      %gather3A_880 = tpu.vector_load_idx %arg6[%add3A_101, %broadcast_in_dim3A_876] : memref<512x128xf32, #tpu.memory_space<vmem>>[vector<16xi32>, vector<16xi32>], vector<16xf32>,
      tpu.vector_store_idx %arg7[%add3A_133, %broadcast_in_dim3A_879], %gather3A_880 : memref<64x128xf32, #tpu.memory_space<vmem>>[vector<16xi32>, vector<16xi32>], vector<16xf32>,
      %gather3A_881 = tpu.vector_load_idx %arg6[%add3A_105, %broadcast_in_dim3A_876] : memref<512x128xf32, #tpu.memory_space<vmem>>[vector<16xi32>, vector<16xi32>], vector<16xf32>,
      tpu.vector_store_idx %arg7[%add3A_137, %broadcast_in_dim3A_879], %gather3A_881 : memref<64x128xf32, #tpu.memory_space<vmem>>[vector<16xi32>, vector<16xi32>], vector<16xf32>,
      %gather3A_882 = tpu.vector_load_idx %arg6[%add3A_109, %broadcast_in_dim3A_876] : memref<512x128xf32, #tpu.memory_space<vmem>>[vector<16xi32>, vector<16xi32>], vector<16xf32>,
      tpu.vector_store_idx %arg7[%add3A_141, %broadcast_in_dim3A_879], %gather3A_882 : memref<64x128xf32, #tpu.memory_space<vmem>>[vector<16xi32>, vector<16xi32>], vector<16xf32>,
      %gather3A_883 = tpu.vector_load_idx %arg6[%add3A_113, %broadcast_in_dim3A_876] : memref<512x128xf32, #tpu.memory_space<vmem>>[vector<16xi32>, vector<16xi32>], vector<16xf32>,
      tpu.vector_store_idx %arg7[%add3A_145, %broadcast_in_dim3A_879], %gather3A_883 : memref<64x128xf32, #tpu.memory_space<vmem>>[vector<16xi32>, vector<16xi32>], vector<16xf32>,
      %slice3A_884 = vector.extract_strided_slice %get3A_284 {offsets = [6], sizes = [1], strides = [1]} : vector<16xi32> to vector<1xi32>
      %squeeze3A_885 = vector.extract %slice3A_884[0] : i32 from vector<1xi32>
      %mul3A_886 = arith.constant 16 : i32
      %mul3A_887 = arith.muli %mul3A_886, %scan3A_274 : i32
      %add3A_888 = arith.constant 14 : i32
      %add3A_889 = arith.addi %mul3A_887, %add3A_888 : i32
      %add3A_890 = arith.constant 8 : i32
      %add3A_891 = arith.addi %add3A_889, %add3A_890 : i32
      %lt3A_892 = arith.constant 512 : i32
      %lt3A_893 = arith.cmpi slt, %add3A_891, %lt3A_892 : i32
      %convert_element_type3A_894 = arith.extui %lt3A_893 : i1 to i32
      %cond3A_895 = arith.constant 0 : i32
      %cond3A_896 = arith.cmpi ne, %convert_element_type3A_894, %cond3A_895 : i32
      scf.if %cond3A_896 {
        %rem3A_944 = arith.constant 128 : i32
        %rem3A_945 = arith.remsi %squeeze3A_885, %rem3A_944 : i32
        %sub3A_946 = arith.subi %squeeze3A_885, %rem3A_945 : i32
        %multiple_of3A_947 = tpu.assume_multiple %sub3A_946, 128 : i32
        %dma_start3A_948 = arith.constant 384 : i32
        %dma_start3A_949 = arith.constant 0 : i32
        %dma_start3A_950 = tpu.memref_slice %arg6[%dma_start3A_948, %dma_start3A_949] : memref<512x128xf32, #tpu.memory_space<vmem>> -> memref<64x128xf32, #tpu.memory_space<vmem>>
        %dma_start3A_951 = arith.constant 0 : i32
        %dma_start3A_952 = tpu.memref_slice %arg3[%dma_start3A_951, %multiple_of3A_947] : memref<64x1000000xf32, #tpu.memory_space<hbm>> -> memref<64x128xf32, #tpu.memory_space<hbm>>
        %dma_start3A_953 = arith.constant 384 : i32
        %dma_start3A_954 = arith.constant 0 : i32
        %dma_start3A_955 = tpu.memref_slice %arg6[%dma_start3A_953, %dma_start3A_954] : memref<512x128xf32, #tpu.memory_space<vmem>> -> memref<64x128xf32, #tpu.memory_space<vmem>>
        %dma_start3A_956 = arith.constant 0 : i32
        %dma_start3A_957 = tpu.memref_slice %arg3[%dma_start3A_956, %multiple_of3A_947] : memref<64x1000000xf32, #tpu.memory_space<hbm>> -> memref<64x128xf32, #tpu.memory_space<hbm>>
        tpu.enqueue_dma source(%dma_start3A_957 : memref<64x128xf32, #tpu.memory_space<hbm>>) target(%dma_start3A_955 : memref<64x128xf32, #tpu.memory_space<vmem>>) target_semaphore(%arg8 : memref<!tpu.dma_semaphore, #tpu.memory_space<semaphore_mem>>)
      } else {
      }
      %dma_wait3A_897 = arith.constant 448 : i32
      %dma_wait3A_898 = arith.constant 0 : i32
      %dma_wait3A_899 = tpu.memref_slice %arg6[%dma_wait3A_897, %dma_wait3A_898] : memref<512x128xf32, #tpu.memory_space<vmem>> -> memref<64x128xf32, #tpu.memory_space<vmem>>
      %dma_wait3A_900 = arith.constant 0 : i32
      %dma_wait3A_901 = arith.constant 0 : i32
      %dma_wait3A_902 = tpu.memref_slice %arg3[%dma_wait3A_900, %dma_wait3A_901] : memref<64x1000000xf32, #tpu.memory_space<hbm>> -> memref<64x128xf32, #tpu.memory_space<hbm>>
      %dma_wait3A_903 = arith.constant 448 : i32
      %dma_wait3A_904 = arith.constant 0 : i32
      %dma_wait3A_905 = tpu.memref_slice %arg6[%dma_wait3A_903, %dma_wait3A_904] : memref<512x128xf32, #tpu.memory_space<vmem>> -> memref<64x128xf32, #tpu.memory_space<vmem>>
      %dma_wait3A_906 = arith.constant 0 : i32
      %dma_wait3A_907 = arith.constant 0 : i32
      %dma_wait3A_908 = tpu.memref_slice %arg3[%dma_wait3A_906, %dma_wait3A_907] : memref<64x1000000xf32, #tpu.memory_space<hbm>> -> memref<64x128xf32, #tpu.memory_space<hbm>>
      tpu.wait_dma2 semaphore(%arg8 : memref<!tpu.dma_semaphore, #tpu.memory_space<semaphore_mem>>) src(%dma_wait3A_908 : memref<64x128xf32, #tpu.memory_space<hbm>>) dst(%dma_wait3A_905 : memref<64x128xf32, #tpu.memory_space<vmem>>)
      %slice3A_909 = vector.extract_strided_slice %get3A_278 {offsets = [15], sizes = [1], strides = [1]} : vector<16xi32> to vector<1xi32>
      %squeeze3A_910 = vector.extract %slice3A_909[0] : i32 from vector<1xi32>
      %add3A_911 = arith.constant 15 : i32
      %add3A_912 = arith.addi %mul3A_287, %add3A_911 : i32
      %rem3A_913 = arith.constant 128 : i32
      %rem3A_914 = arith.remsi %squeeze3A_910, %rem3A_913 : i32
      %add3A_915 = arith.constant 0 : i32
      %add3A_916 = arith.addi %rem3A_914, %add3A_915 : i32
      %broadcast_in_dim3A_917 = vector.broadcast %add3A_916 : i32 to vector<16xi32>
      %add3A_918 = arith.constant 0 : i32
      %add3A_919 = arith.addi %add3A_912, %add3A_918 : i32
      %broadcast_in_dim3A_920 = vector.broadcast %add3A_919 : i32 to vector<16xi32>
      %gather3A_921 = tpu.vector_load_idx %arg6[%add3A_117, %broadcast_in_dim3A_917] : memref<512x128xf32, #tpu.memory_space<vmem>>[vector<16xi32>, vector<16xi32>], vector<16xf32>,
      tpu.vector_store_idx %arg7[%add3A_133, %broadcast_in_dim3A_920], %gather3A_921 : memref<64x128xf32, #tpu.memory_space<vmem>>[vector<16xi32>, vector<16xi32>], vector<16xf32>,
      %gather3A_922 = tpu.vector_load_idx %arg6[%add3A_121, %broadcast_in_dim3A_917] : memref<512x128xf32, #tpu.memory_space<vmem>>[vector<16xi32>, vector<16xi32>], vector<16xf32>,
      tpu.vector_store_idx %arg7[%add3A_137, %broadcast_in_dim3A_920], %gather3A_922 : memref<64x128xf32, #tpu.memory_space<vmem>>[vector<16xi32>, vector<16xi32>], vector<16xf32>,
      %gather3A_923 = tpu.vector_load_idx %arg6[%add3A_125, %broadcast_in_dim3A_917] : memref<512x128xf32, #tpu.memory_space<vmem>>[vector<16xi32>, vector<16xi32>], vector<16xf32>,
      tpu.vector_store_idx %arg7[%add3A_141, %broadcast_in_dim3A_920], %gather3A_923 : memref<64x128xf32, #tpu.memory_space<vmem>>[vector<16xi32>, vector<16xi32>], vector<16xf32>,
      %gather3A_924 = tpu.vector_load_idx %arg6[%add3A_129, %broadcast_in_dim3A_917] : memref<512x128xf32, #tpu.memory_space<vmem>>[vector<16xi32>, vector<16xi32>], vector<16xf32>,
      tpu.vector_store_idx %arg7[%add3A_145, %broadcast_in_dim3A_920], %gather3A_924 : memref<64x128xf32, #tpu.memory_space<vmem>>[vector<16xi32>, vector<16xi32>], vector<16xf32>,
      %slice3A_925 = vector.extract_strided_slice %get3A_284 {offsets = [7], sizes = [1], strides = [1]} : vector<16xi32> to vector<1xi32>
      %squeeze3A_926 = vector.extract %slice3A_925[0] : i32 from vector<1xi32>
      %mul3A_927 = arith.constant 16 : i32
      %mul3A_928 = arith.muli %mul3A_927, %scan3A_274 : i32
      %add3A_929 = arith.constant 15 : i32
      %add3A_930 = arith.addi %mul3A_928, %add3A_929 : i32
      %add3A_931 = arith.constant 8 : i32
      %add3A_932 = arith.addi %add3A_930, %add3A_931 : i32
      %lt3A_933 = arith.constant 512 : i32
      %lt3A_934 = arith.cmpi slt, %add3A_932, %lt3A_933 : i32
      %convert_element_type3A_935 = arith.extui %lt3A_934 : i1 to i32
      %cond3A_936 = arith.constant 0 : i32
      %cond3A_937 = arith.cmpi ne, %convert_element_type3A_935, %cond3A_936 : i32
      scf.if %cond3A_937 {
        %rem3A_944 = arith.constant 128 : i32
        %rem3A_945 = arith.remsi %squeeze3A_926, %rem3A_944 : i32
        %sub3A_946 = arith.subi %squeeze3A_926, %rem3A_945 : i32
        %multiple_of3A_947 = tpu.assume_multiple %sub3A_946, 128 : i32
        %dma_start3A_948 = arith.constant 448 : i32
        %dma_start3A_949 = arith.constant 0 : i32
        %dma_start3A_950 = tpu.memref_slice %arg6[%dma_start3A_948, %dma_start3A_949] : memref<512x128xf32, #tpu.memory_space<vmem>> -> memref<64x128xf32, #tpu.memory_space<vmem>>
        %dma_start3A_951 = arith.constant 0 : i32
        %dma_start3A_952 = tpu.memref_slice %arg3[%dma_start3A_951, %multiple_of3A_947] : memref<64x1000000xf32, #tpu.memory_space<hbm>> -> memref<64x128xf32, #tpu.memory_space<hbm>>
        %dma_start3A_953 = arith.constant 448 : i32
        %dma_start3A_954 = arith.constant 0 : i32
        %dma_start3A_955 = tpu.memref_slice %arg6[%dma_start3A_953, %dma_start3A_954] : memref<512x128xf32, #tpu.memory_space<vmem>> -> memref<64x128xf32, #tpu.memory_space<vmem>>
        %dma_start3A_956 = arith.constant 0 : i32
        %dma_start3A_957 = tpu.memref_slice %arg3[%dma_start3A_956, %multiple_of3A_947] : memref<64x1000000xf32, #tpu.memory_space<hbm>> -> memref<64x128xf32, #tpu.memory_space<hbm>>
        tpu.enqueue_dma source(%dma_start3A_957 : memref<64x128xf32, #tpu.memory_space<hbm>>) target(%dma_start3A_955 : memref<64x128xf32, #tpu.memory_space<vmem>>) target_semaphore(%arg8 : memref<!tpu.dma_semaphore, #tpu.memory_space<semaphore_mem>>)
      } else {
      }
      %and3A_938 = arith.constant 7 : i32
      %and3A_939 = arith.andi %scan3A_274, %and3A_938 : i32
      %eq3A = arith.constant 7 : i32
      %eq3A_940 = arith.cmpi eq, %and3A_939, %eq3A : i32
      %convert_element_type3A_941 = arith.extui %eq3A_940 : i1 to i32
      %cond3A_942 = arith.constant 0 : i32
      %cond3A_943 = arith.cmpi ne, %convert_element_type3A_941, %cond3A_942 : i32
      scf.if %cond3A_943 {
        %jit3A = arith.constant 8 : i32
        %div3A = arith.divsi %scan3A_274, %jit3A : i32
        %sign3A = arith.constant 0 : i32
        %sign3A_944 = arith.cmpi sgt, %scan3A_274, %sign3A : i32
        %sign3A_945 = arith.extui %sign3A_944 : i1 to i32
        %sign3A_946 = arith.constant 0 : i32
        %sign3A_947 = arith.cmpi slt, %scan3A_274, %sign3A_946 : i32
        %sign3A_948 = arith.extui %sign3A_947 : i1 to i32
        %sign3A_949 = arith.subi %sign3A_945, %sign3A_948 : i32
        %sign3A_950 = arith.constant 0 : i32
        %sign3A_951 = arith.cmpi sgt, %jit3A, %sign3A_950 : i32
        %sign3A_952 = arith.extui %sign3A_951 : i1 to i32
        %sign3A_953 = arith.constant 0 : i32
        %sign3A_954 = arith.cmpi slt, %jit3A, %sign3A_953 : i32
        %sign3A_955 = arith.extui %sign3A_954 : i1 to i32
        %sign3A_956 = arith.subi %sign3A_952, %sign3A_955 : i32
        %ne3A = arith.cmpi ne, %sign3A_949, %sign3A_956 : i32
        %rem3A_957 = arith.remsi %scan3A_274, %jit3A : i32
        %ne3A_958 = arith.constant 0 : i32
        %ne3A_959 = arith.cmpi ne, %rem3A_957, %ne3A_958 : i32
        %and3A_960 = arith.andi %ne3A, %ne3A_959 : i1
        %sub3A_961 = arith.constant 1 : i32
        %sub3A_962 = arith.subi %div3A, %sub3A_961 : i32
        %select_n3A = arith.select %and3A_960, %sub3A_962, %div3A : i32
        %mul3A_963 = arith.constant 128 : i32
        %mul3A_964 = arith.muli %select_n3A, %mul3A_963 : i32
        %add3A_965 = arith.addi %mul3A_2, %mul3A_964 : i32
        "tpu.region"() ({
          %run_scoped3A = tpu.sem_alloc : memref<!tpu.dma_semaphore, #tpu.memory_space<semaphore_mem>>
          %dma_start3A_966 = arith.constant 0 : i32
          %dma_start3A_967 = tpu.memref_slice %arg4[%dma_start3A_966, %add3A_965] : memref<64x16384xf32, #tpu.memory_space<hbm>> -> memref<64x128xf32, #tpu.memory_space<hbm>>
          %dma_start3A_968 = arith.constant 0 : i32
          %dma_start3A_969 = tpu.memref_slice %arg4[%dma_start3A_968, %add3A_965] : memref<64x16384xf32, #tpu.memory_space<hbm>> -> memref<64x128xf32, #tpu.memory_space<hbm>>
          tpu.enqueue_dma source(%arg7 : memref<64x128xf32, #tpu.memory_space<vmem>>) target(%dma_start3A_969 : memref<64x128xf32, #tpu.memory_space<hbm>>) target_semaphore(%run_scoped3A : memref<!tpu.dma_semaphore, #tpu.memory_space<semaphore_mem>>)
          %dma_wait3A_970 = arith.constant 0 : i32
          %dma_wait3A_971 = tpu.memref_slice %arg4[%dma_wait3A_970, %add3A_965] : memref<64x16384xf32, #tpu.memory_space<hbm>> -> memref<64x128xf32, #tpu.memory_space<hbm>>
          %dma_wait3A_972 = arith.constant 0 : i32
          %dma_wait3A_973 = tpu.memref_slice %arg4[%dma_wait3A_972, %add3A_965] : memref<64x16384xf32, #tpu.memory_space<hbm>> -> memref<64x128xf32, #tpu.memory_space<hbm>>
          tpu.wait_dma2 semaphore(%run_scoped3A : memref<!tpu.dma_semaphore, #tpu.memory_space<semaphore_mem>>) src(%arg7 : memref<64x128xf32, #tpu.memory_space<vmem>>) dst(%dma_wait3A_973 : memref<64x128xf32, #tpu.memory_space<hbm>>)
          tpu.yield
        }) : () -> ()
      } else {
      }
    }
    %scan3A_273 = arith.constant 32 : i32
    return
  }
}

module attributes {stable_mosaic.version = 14 : i64} {
  func.func @_tc_matmul_body(%arg0: i32, %arg1: memref<2048x128xf32, #tpu.memory_space<vmem>>, %arg2: memref<128x64xf32, #tpu.memory_space<vmem>>, %arg3: memref<2048x64xf32, #tpu.memory_space<vmem>>) attributes {dimension_semantics = [#tpu.dimension_semantics<arbitrary>], iteration_bounds = array<i64: 8>, scalar_prefetch = 0 : i64, scratch_operands = 0 : i64, tpu.core_type = #tpu.core_type<tc>, window_params = [{transform_indices = @transform_0, window_bounds = array<i64: 2048, 128>}, {pipeline_mode = #tpu.pipeline_mode<synchronous>, transform_indices = @transform_1, window_bounds = array<i64: 128, 64>}, {transform_indices = @transform_2, window_bounds = array<i64: 2048, 64>}]} {
    %get3A = arith.constant 0 : index
    %get3A_0 = arith.constant 0 : index
    %get3A_1 = vector.load %arg1[%get3A, %get3A_0] : memref<2048x128xf32, #tpu.memory_space<vmem>>, vector<2048x128xf32>
    %get3A_2 = arith.constant 0 : index
    %get3A_3 = arith.constant 0 : index
    %get3A_4 = vector.load %arg2[%get3A_2, %get3A_3] : memref<128x64xf32, #tpu.memory_space<vmem>>, vector<128x64xf32>
    %dot_general3A = arith.constant dense<0.000000e+00> : vector<2048x64xf32>
    %dot_general3A_5 = tpu.matmul %get3A_1, %get3A_4, %dot_general3A {dimension_numbers = #tpu.dot_dimension_numbers<[1], [0], [0], [1], [0, 0, 1, 1], [], []>, transpose_lhs_hint = false} : vector<2048x128xf32>, vector<128x64xf32>, vector<2048x64xf32> -> vector<2048x64xf32>
    %swap3A = arith.constant 0 : index
    %swap3A_6 = arith.constant 0 : index
    %swap3A_7 = vector.load %arg3[%swap3A, %swap3A_6] : memref<2048x64xf32, #tpu.memory_space<vmem>>, vector<2048x64xf32>
    tpu.vector_store %arg3[%swap3A, %swap3A_6], %dot_general3A_5 {strides = array<i32>} : memref<2048x64xf32, #tpu.memory_space<vmem>>, vector<2048x64xf32>,
    return
  }
  func.func @transform_0(%arg0: i32) -> (i32, i32) {
    %c0_i32 = arith.constant 0 : i32
    %c0_i32_0 = arith.constant 0 : i32
    return %arg0, %c0_i32 : i32, i32
  }
  func.func @transform_1(%arg0: i32) -> (i32, i32) {
    %c0_i32 = arith.constant 0 : i32
    %c0_i32_0 = arith.constant 0 : i32
    %c0_i32_1 = arith.constant 0 : i32
    return %c0_i32, %c0_i32_0 : i32, i32
  }
  func.func @transform_2(%arg0: i32) -> (i32, i32) {
    %c0_i32 = arith.constant 0 : i32
    %c0_i32_0 = arith.constant 0 : i32
    return %arg0, %c0_i32 : i32, i32
  }
}

</mosaic_0001>

<sc_bundles>
// kernel: kernel.5.cloned.1.call-start
scs
__scs_entry_jumppad:
0x0: {  	(pc) =	sbr.rel $0x88, $3  }
0x1: {  	(tag) =	ssettag $0x0;
	lr =	simm.s32 $0x1  }
0x2: {  	[smem:$0x3F9C] =	sst lr;
	_ =	strace $0xD0000000  }
0x3: {  	_ = 	snop  }
0x4: {  	_ = 	snop  }
0x5: {  	_ = 	snop  }
0x6: {  	_ = 	snop  }
0x7: {  	_ = 	snop  }
__scs_overlays_trampoline_lowered:
0x8: {  	[smem:$0x3FAB] =	sst s0  }
0x9: {  	[smem:$0x3FAC] =	sst s1  }
0xa: {  	[smem:$0x3FAD] =	sst s2  }
0xb: {  	[smem:$0x3FAE] =	sst s3  }
0xc: {  	[smem:$0x3FAF] =	sst s4  }
0xd: {  	[smem:$0x3FB0] =	sst s5  }
0xe: {  	[smem:$0x3FB1] =	sst s6  }
0xf: {  	[smem:$0x3FB2] =	sst s7  }
0x10: {  	[smem:$0x3FB3] =	sst s8  }
0x11: {  	[smem:$0x3FB4] =	sst s9;
	s0 =	simm.s32 @!p0 $0x0  }
0x12: {  	s1 =	sld [smem:$0x3F9A];
	s0 =	simm.s32 @p0 $0x1  }
0x13: {  	[smem:$0x3FB5] =	sst s0;
	s0 =	simm.s32 @!p1 $0x0  }
0x14: {  	s2 =	sld [smem:$0x3F99];
	s0 =	simm.s32 @p1 $0x1  }
0x15: {  	[smem:$0x3FB6] =	sst s0;
	s0 =	simm.s32 @!p2 $0x0  }
0x16: {  	s3 =	sld [smem:$0x3FDB];
	s0 =	simm.s32 @p2 $0x1  }
0x17: {  	s4 =	simm.s32 $0x1BF5;
	[smem:$0x3FB8] =	sst s0  }
0x18: {  	s0 =	sld [smem:$0x3F9B];
	_ =	swait.ge [sflag:s4], $0x0  }
0x19: {  	s7 =	sld [smem:$0x3F9C]  }
0x1a: {  	s8 =	sadd.s32 $0xFFFFE003, lr  }
0x1b: {  	s9 =	sadd.s32 $0xFFFFFEF7, lr;
	s5 =	simm.s32 $0xFFFFFFFF;
	p2 =	slt.u32 s8, $0xFFFFF086  }
0x1c: {  	p1 =	slt.u32 s9, $0xF7A;
	s5 =	simm.s32 @!p2 $0x0  }
0x1d: {  	s5 =	simm.s32 @p1 $0x1;
	p0 =	seq.s32 s7, s2  }
0x1e: {  	s7 =	smul.u32 @!p0 $0xF7A, s2;
	p2 =	seq.s32 @!p0 s5, $0x0  }
0x1f: {  	s9 =	smul.u32 $0xF7A, s1;
	s8 =	simm.s32 @!p0 $0x1BF5;
	p2 =	por !p2, p0  }
0x20: {  	[sflag:s8] =	ssyncset.s32 @!p0 $0xFFFFF086;
	s6 =	sadd.s32 @!p0 s3, s7;
	s7 =	simm.s32 @!p0 $0x108  }
0x21: {  	s3 =	sadd.s32 s3, s9;
	s6 =	sadd.s32 @!p0 $0x88, s6;
	s7 =	simm.s32 @p2 $0x1082  }
0x22: {  	[simem:s7], [sflag:s8] =	dma.local @!p0 [hbm:s6], $0xF7A  }
0x23: {  	s9 =	sor.u32 $0xD0000000, s2;
	s6 =	simm.s32 $0x108;
	_ =	swait.ge @!p0 [sflag:s8], $0x0  }
0x24: {  	s3 =	sadd.s32 $0x88, s3;
	s6 =	simm.s32 @!p1 $0x1082;
	[sflag:s4] =	ssyncset.s32 $0xFFFFF086  }
0x25: {  	[simem:s6], [sflag:s4] =	dma.local [hbm:s3], $0xF7A  }
0x26: {  	[smem:$0x3F9C] =	sst s1;
	(tag) =	ssettag s2;
	_ =	strace s9  }
0x27: {  	s1 =	sld [smem:$0x3FAC]  }
0x28: {  	s2 =	sld [smem:$0x3FAD]  }
0x29: {  	s4 =	sld [smem:$0x3FAF]  }
0x2a: {  	p0 =	seq.s32 s5, $0x0;
	s5 =	sld [smem:$0x3FB0]  }
0x2b: {  	s6 =	sld [smem:$0x3FB1]  }
0x2c: {  	s7 =	sld [smem:$0x3FB2]  }
0x2d: {  	s3 =	simm.s32 $0x108;
	s8 =	sld [smem:$0x3FB3]  }
0x2e: {  	s3 =	simm.s32 @!p0 $0x1082;
	s9 =	sld [smem:$0x3FB4]  }
0x2f: {  	lr =	sadd.s32 s0, s3;
	s0 =	sld [smem:$0x3FAB]  }
0x30: {  	s3 =	sld [smem:$0x3FAE]  }
0x31: {  	[smem:$0x3FB7] =	sst s10  }
0x32: {  	s10 =	sld [smem:$0x3FB5];
	_ =	sdelay $0x3  }
0x33: {  	p0 =	seq.s32 s10, $0x1;
	s10 =	sld [smem:$0x3FB7];
	_ =	sdelay $0x3  }
0x34: {  	[smem:$0x3FB7] =	sst s10  }
0x35: {  	s10 =	sld [smem:$0x3FB6];
	_ =	sdelay $0x3  }
0x36: {  	p1 =	seq.s32 s10, $0x1;
	s10 =	sld [smem:$0x3FB7];
	_ =	sdelay $0x3  }
0x37: {  	[smem:$0x3FB7] =	sst s10  }
0x38: {  	s10 =	sld [smem:$0x3FB8]  }
0x39: {  	_ = 	snop;
	(pc) =	sbr.ind lr, $3  }
0x3a: {  	_ = 	snop  }
0x3b: {  	_ = 	snop  }
0x3c: {  	p2 =	seq.s32 s10, $0x1;
	s10 =	sld [smem:$0x3FB7]  }
0x3d: {  	_ =	shalt  }
0x3e: {  	_ =	shalt  }
0x3f: {  	_ =	shalt  }
0x40: {  	_ =	shalt  }
0x41: {  	_ =	shalt  }
0x42: {  	_ =	shalt  }
0x43: {  	_ =	shalt  }
0x44: {  	_ =	shalt  }
0x45: {  	_ =	shalt  }
0x46: {  	_ =	shalt  }
0x47: {  	_ =	shalt  }
0x48: {  	_ =	shalt  }
0x49: {  	_ =	shalt  }
0x4a: {  	_ =	shalt  }
0x4b: {  	_ =	shalt  }
0x4c: {  	_ =	shalt  }
0x4d: {  	_ =	shalt  }
0x4e: {  	_ =	shalt  }
0x4f: {  	_ =	shalt  }
0x50: {  	_ =	shalt  }
0x51: {  	_ =	shalt  }
0x52: {  	_ =	shalt  }
0x53: {  	_ =	shalt  }
0x54: {  	_ =	shalt  }
0x55: {  	_ =	shalt  }
0x56: {  	_ =	shalt  }
0x57: {  	_ =	shalt  }
0x58: {  	_ =	shalt  }
0x59: {  	_ =	shalt  }
0x5a: {  	_ =	shalt  }
0x5b: {  	_ =	shalt  }
0x5c: {  	_ =	shalt  }
0x5d: {  	_ =	shalt  }
0x5e: {  	_ =	shalt  }
0x5f: {  	_ =	shalt  }
0x60: {  	_ =	shalt  }
0x61: {  	_ =	shalt  }
0x62: {  	_ =	shalt  }
0x63: {  	_ =	shalt  }
0x64: {  	_ =	shalt  }
0x65: {  	_ =	shalt  }
0x66: {  	_ =	shalt  }
0x67: {  	_ =	shalt  }
0x68: {  	_ =	shalt  }
0x69: {  	_ =	shalt  }
0x6a: {  	_ =	shalt  }
0x6b: {  	_ =	shalt  }
0x6c: {  	_ =	shalt  }
0x6d: {  	_ =	shalt  }
0x6e: {  	_ =	shalt  }
0x6f: {  	_ =	shalt  }
0x70: {  	_ =	shalt  }
0x71: {  	_ =	shalt  }
0x72: {  	_ =	shalt  }
0x73: {  	_ =	shalt  }
0x74: {  	_ =	shalt  }
0x75: {  	_ =	shalt  }
0x76: {  	_ =	shalt  }
0x77: {  	_ =	shalt  }
0x78: {  	_ =	shalt  }
0x79: {  	_ =	shalt  }
0x7a: {  	_ =	shalt  }
0x7b: {  	_ =	shalt  }
0x7c: {  	_ =	shalt  }
0x7d: {  	_ =	shalt  }
0x7e: {  	_ =	shalt  }
0x7f: {  	_ =	shalt  }
0x80: {  	_ =	shalt  }
0x81: {  	_ =	shalt  }
0x82: {  	_ =	shalt  }
0x83: {  	_ =	shalt  }
0x84: {  	_ =	shalt  }
0x85: {  	_ =	shalt  }
0x86: {  	_ =	shalt  }
0x87: {  	_ =	shalt  }
.Lfunc_end0:
.L_simem_size_0:
called_computation_lowered:
.L_overlay_start_0:
0x88: {  	s2 =	sld [smem:$0x3FD9]  }
0x89: {  	s3 =	sld [smem:$0x3FFE];
	_ =	sdelay $0x1  }
0x8a: {  	s1 =	srdreg.scid  }
0x8b: {  	s0 =	sand.u32 $0x1, s1  }
0x8c: {  	s17 =	sshll.u32 s0, $0xA;
	s2 =	sadd.s32 s3, s2  }
0x8d: {  	s2 =	sadd.s32 s2, s17  }
0x8e: {  	[smem:$0x3FC3] =	sst s2  }
0x8f: {  	_ = 	snop  }
0x90: {  	s2 =	sld [smem:$0x3FC8]  }
0x91: {  	s18 =	sld [smem:$0x3FC6];
	(tm) =	ssettm $0x1  }
0x92: {  	s4 =	sld [smem:$0x3FFB];
	_ =	sdelay $0x3  }
0x93: {  	_ =	strace s4  }
0x94: {  	s4 =	sld [smem:$0x3FFC];
	_ =	sdelay $0x3  }
0x95: {  	_ =	strace s4  }
0x96: {  	s4 =	sld [smem:$0x3FFD];
	_ =	sdelay $0x3  }
0x97: {  	_ =	strace s4  }
0x98: {  	_ =	strace $0x8FFFFFFF  }
0x99: {  	s19 =	sld [smem:$0x3FDB];
	_ =	sdelay $0x1  }
0x9a: {  	s5 =	simm.s32 $_scs_section_size  }
0x9b: {  	s6 =	simm.s32 $_size__tile_overlayer_lowered;
	s7 =	simm.s32 $_tile_overlayer_lowered  }
0x9c: {  	s22 =	simm.s32 $0x1BFF;
	s21 =	sshll.u32 s7, $0x1;
	s4 =	sadd.s32 s5, s19  }
0x9d: {  	s8 =	simm.s32 $0x0;
	s20 =	sshll.u32 s6, $0x1;
	s6 =	sadd.s32 s21, s4  }
0x9e: {  	[timem:s8], [sflag:s22] =	dma.local [hbm:s6], s20  }
0x9f: {  	_ =	swait.ge [sflag:s22], s20  }
0xa0: {  	s5 =	ssub.s32 $0x0, s20;
	[sflag:s22] =	ssyncset.done $0x0  }
0xa1: {  	[sflag:s22] =	ssyncadd.s32 s5;
	_ =	sdelay $0x1  }
0xa2: {  	s23 =	simm.s32 $0x1B8B  }
0xa3: {  	_ =	swait.ge [sflag:s23], $0x1  }
0xa4: {  	[sflag:s23] =	ssyncset.done $0x0  }
0xa5: {  	s25 =	simm.s32 $0x1B8E;
	s24 =	sld [smem:$0x3FFE];
	[sflag:s23] =	ssyncadd.s32 $0xFFFFFFFF  }
0xa6: {  	s26 =	simm.s32 $execute0_lowered;
	[smem:$0x3FD2] =	sst s25  }
0xa7: {  	s6 =	sshll.u32 s26, $0x1;
	_ =	strace $0x80000046;
	[dreg:$0x1] =	wrdreg $0xFFFFFFFF  }
0xa8: {  	s28 =	simm.s32 $_size_execute0_lowered;
	s4 =	sadd.s32 s4, s6;
	[dreg:$0x0] =	wrdreg $0x0  }
0xa9: {  	s6 =	sshll.u32 s28, $0x1;
	[dreg:$0x2] =	wrdreg s4  }
0xaa: {  	[dreg:$0x3] =	wrdreg s6  }
0xab: {  	[dreg:$0x4] =	wrdreg $0xC0  }
0xac: {  	_ =	task [dreg:s8], $0x5FFFF  }
0xad: {  	[dreg:$0x1] =	wrdreg $0xFFFFFFFF  }
0xae: {  	[dreg:$0x0] =	wrdreg $0x60  }
0xaf: {  	[dreg:$0x2] =	wrdreg s2  }
0xb0: {  	[dreg:$0x3] =	wrdreg s18  }
0xb1: {  	[dreg:$0x4] =	wrdreg s24  }
0xb2: {  	[dreg:$0x5] =	wrdreg $0x9  }
0xb3: {  	_ =	task.clear_ibuf [dreg:s8], $0x6FFFF;
	_ =	strace $0x90000046  }
0xb4: {  	s29 =	simm.s32 $0x9;
	_ =	strace $0x80000048  }
0xb5: {  	_ =	swait.ge [sflag:s29], $0x1  }
0xb6: {  	[sflag:s29] =	ssyncadd.s32 $0xFFFFFFFF  }
0xb7: {  	_ =	strace $0x90000048  }
0xb8: {  	_ =	sfence  }
0xb9: {  	s30 =	sld [smem:$0x0];
	_ =	sdelay $0x2  }
0xba: {  	s31 =	sshll.u32 s1, $0xD;
	s1 =	sshrl.u32 s1, $0x2  }
0xbb: {  	s3 =	sand.u32 $0x4000, s31;
	s1 =	sadd.s32 s1, s30  }
0xbc: {  	s0 =	sor.u32 s3, s0;
	s1 =	sshll.u32 s1, $0x11  }
0xbd: {  	s0 =	sor.u32 s1, s0  }
0xbe: {  	s0 =	sadd.s32 $0x8F2B, s0  }
0xbf: {  	[sflag:s0] =	ssyncadd.remote.s32 $0x1  }
0xc0: {  	_ =	sfence.sel $0xFFFF  }
0xc1: {  	[dreg:$0x0] =	wrdreg $0xFFFFFFFF;
	(pc) =	sbr.abs _section_cstart, $3  }
0xc2: {  	[dreg:$0x1] =	wrdreg $0xFFFFFFFF  }
0xc3: {  	_ =	task.clear_ibuf [dreg:s8], $0x2FFFF;
	_ =	strace $0x9FFFFFFF  }
0xc4: {  	(tm) =	ssettm $0x7FFFFFFF  }
0xc5: {  	_ =	shalt  }
tec
execute0_lowered:
.L_overlay_start_1:
0x0: {  	(tag) =	ssettag $0x1  }
0x1: {  	s4 =	rddreg [dreg:$0x0]  }
0x2: {  	s1 =	rddreg [dreg:$0x1]  }
0x3: {  	s14 =	rddreg [dreg:$0x2];
	s2 =	srdreg.scid  }
0x4: {  	s0 =	rddreg [dreg:$0x3];
	s15 =	sand.u32 $0x1, s2  }
0x5: {  	s3 =	simm.s32 $0x0;
	s2 =	stileid.u32;
	s5 =	sshll.u32 s15, $0x6  }
0x6: {  	[smem:$0x7FF] =	sst s3;
	s6 =	sshll.u32 s2, $0x7;
	s4 =	sadd.s32 s4, s5  }
0x7: {  	_ =	strace $0x80000047;
	s5 =	sadd.s32 s6, s4;
	s4 =	simm.s32 $0x2  }
0x8: {  	[tilespmem:s3], [sflag:$0x2] =	stream.linear.gather [hbm4b:s5+s3], $0x200, $0x38;
	[tilespmem:$0x10200] =	vst v63  }
0x9: {  	_ =	swait.ge [sflag:s4], $0x200  }
0xa: {  	[sflag:s4] =	ssyncset.done $0x0  }
0xb: {  	s7 =	simm.s32 $0x200;
	s6 =	simm.s32 $0x80;
	[sflag:s4] =	ssyncadd.s32 $0xFFFFFE00  }
0xc: {  	[tilespmem:s7], [sflag:$0x1] =	stream.indirect.gather [hbm4b:s1+s6], $0x80, s3, s6, $0xb8;
	[tilespmem:$0x10200] =	vst v63  }
0xd: {  	s8 =	simm.s32 $0x4200  }
0xe: {  	[tilespmem:s8], [sflag:$0x1] =	stream.indirect.gather [hbm4b:s1+s6], $0x80, s6, s6, $0xb8;
	[tilespmem:$0x10200] =	vst v63  }
0xf: {  	s9 =	simm.s32 $0x100;
	s10 =	simm.s32 $0x8200  }
0x10: {  	[tilespmem:s10], [sflag:$0x1] =	stream.indirect.gather [hbm4b:s1+s6], $0x80, s9, s6, $0xb8;
	[tilespmem:$0x10200] =	vst v63  }
0x11: {  	s11 =	simm.s32 $0x180;
	s12 =	simm.s32 $0xC200;
	s13 =	simm.s32 $0x1  }
0x12: {  	[tilespmem:s12], [sflag:$0x1] =	stream.indirect.gather [hbm4b:s1+s6], $0x80, s11, s6, $0xb8;
	[tilespmem:$0x10200] =	vst v63  }
0x13: {  	_ =	swait.ge [sflag:s13], $0x4000  }
0x14: {  	[sflag:s13] =	ssyncset.done $0x0  }
0x15: {  	[sflag:s13] =	ssyncadd.s32 $0xFFFFC000  }
0x16: {  	_ =	swait.ge [sflag:s13], $0x4000  }
0x17: {  	[sflag:s13] =	ssyncset.done $0x0  }
0x18: {  	s16 =	sshll.u32 s15, $0xD;
	s15 =	ssub.s32 $0x2, s15;
	[sflag:s13] =	ssyncadd.s32 $0xFFFFC000  }
0x19: {  	s31 =	sshrl.u32 s15, $0x1;
	_ =	swait.ge [sflag:s13], $0x4000  }
0x1a: {  	s15 =	ssub.s32 s15, s31;
	[sflag:s13] =	ssyncset.done $0x0  }
0x1b: {  	s17 =	sshll.u32 s2, $0xE;
	s15 =	smax.u32 s15, $0x1;
	[sflag:s13] =	ssyncadd.s32 $0xFFFFC000  }
0x1c: {  	s14 =	sadd.s32 s16, s14;
	p0 =	sne.s32 s15, $0x1;
	_ =	swait.ge [sflag:s13], $0x4000  }
.Ltmp0:
0x1d: {  	s14 =	sadd.s32 s17, s14;
	[sflag:s13] =	ssyncset.done $0x0;
	(pc) =	sbr.rel @!p0 .LBB2_2-.Ltmp0, $4  }
0x1e: {  	s14 =	sadd.s32 $0xC00, s14;
	[sflag:s13] =	ssyncadd.s32 $0xFFFFC000  }
0x1f: {  	[hbm4b:s14+s3] =	stream.linear.scatter [tilespmem:s7], [sflag:$0x2], $0x10000, $0x38;
	[tilespmem:$0x10200] =	vst v63  }
0x20: {  	_ =	swait.ge [sflag:s4], $0x10000  }
0x21: {  	s15 =	sadd.s32 $0xFFFFFFFF, s15;
	[sflag:s4] =	ssyncset.done $0x0  }
.LBB2_1:
0x22: {  	p0 =	sne.s32 s15, $0x1;
	s15 =	sadd.s32 $0xFFFFFFFF, s15;
	[sflag:s4] =	ssyncadd.s32 $0xFFFF0000  }
0x23: {  	[tilespmem:s3], [sflag:$0x2] =	stream.linear.gather [hbm4b:s5+s3], $0x200, $0x38;
	[tilespmem:$0x10200] =	vst v63  }
0x24: {  	_ =	swait.ge [sflag:s4], $0x200  }
0x25: {  	[sflag:s4] =	ssyncset.done $0x0  }
0x26: {  	[sflag:s4] =	ssyncadd.s32 $0xFFFFFE00  }
0x27: {  	[tilespmem:s7], [sflag:$0x1] =	stream.indirect.gather [hbm4b:s1+s6], $0x80, s3, s6, $0xb8;
	[tilespmem:$0x10200] =	vst v63  }
0x28: {  	_ = 	snop  }
0x29: {  	[tilespmem:s8], [sflag:$0x1] =	stream.indirect.gather [hbm4b:s1+s6], $0x80, s6, s6, $0xb8;
	[tilespmem:$0x10200] =	vst v63  }
0x2a: {  	_ = 	snop  }
0x2b: {  	[tilespmem:s10], [sflag:$0x1] =	stream.indirect.gather [hbm4b:s1+s6], $0x80, s9, s6, $0xb8;
	[tilespmem:$0x10200] =	vst v63  }
0x2c: {  	_ = 	snop  }
0x2d: {  	[tilespmem:s12], [sflag:$0x1] =	stream.indirect.gather [hbm4b:s1+s6], $0x80, s11, s6, $0xb8;
	[tilespmem:$0x10200] =	vst v63  }
0x2e: {  	_ =	swait.ge [sflag:s13], $0x4000  }
0x2f: {  	[sflag:s13] =	ssyncset.done $0x0  }
0x30: {  	[sflag:s13] =	ssyncadd.s32 $0xFFFFC000  }
0x31: {  	_ =	swait.ge [sflag:s13], $0x4000  }
0x32: {  	[sflag:s13] =	ssyncset.done $0x0  }
0x33: {  	[sflag:s13] =	ssyncadd.s32 $0xFFFFC000  }
0x34: {  	_ =	swait.ge [sflag:s13], $0x4000  }
0x35: {  	[sflag:s13] =	ssyncset.done $0x0  }
0x36: {  	[sflag:s13] =	ssyncadd.s32 $0xFFFFC000  }
0x37: {  	_ =	swait.ge [sflag:s13], $0x4000  }
.Ltmp1:
0x38: {  	[sflag:s13] =	ssyncset.done $0x0;
	(pc) =	sbr.rel @p0 .LBB2_1-.Ltmp1, $4  }
0x39: {  	[sflag:s13] =	ssyncadd.s32 $0xFFFFC000  }
0x3a: {  	[hbm4b:s14+s3] =	stream.linear.scatter [tilespmem:s7], [sflag:$0x2], $0x10000, $0x38;
	[tilespmem:$0x10200] =	vst v63  }
0x3b: {  	_ =	swait.ge [sflag:s4], $0x10000  }
0x3c: {  	[sflag:s4] =	ssyncset.done $0x0  }
.LBB2_2:
0x3d: {  	[sflag:s4] =	ssyncadd.s32 $0xFFFF0000  }
0x3e: {  	_ =	sfence.sel $0x180000  }
0x3f: {  	[bflag:$0x0] =	sbarrier.arrive $0xFFFF  }
0x40: {  	p0 =	sne.s32 s2, $0x0;
	_ =	strace $0x90000047  }
0x41: {  	s0 =	sadd.s32 @!p0 $0x100000, s0;
	[bflag:$0x2] =	sbarrier.arrive $0xFFFF  }
0x42: {  	[sflag:s0] =	ssyncadd.tile.s32 @!p0 $0x1;
	_ =	shalt  }
.Lfunc_end2:
_tile_overlayer_lowered:
.L_overlay_start_2:
0x43: {  	(tag) =	ssettag $0x2  }
0x44: {  	s0 =	rddreg [dreg:$0x0];
	s2 =	stileid.u32  }
0x45: {  	s1 =	rddreg [dreg:$0x1];
	p0 =	sne.s32 s2, $0x0  }
0x46: {  	s3 =	rddreg [dreg:$0x2];
	[bflag:$0x3] =	sbarrier.arrive $0xFFFF;
	s2 =	simm.s32 @!p0 $0x1C02  }
0x47: {  	[timem:s3], [sflag:s2] =	dma.local @!p0 [hbm:s0], s1  }
0x48: {  	s0 =	simm.s32 @!p0 $0x2  }
0x49: {  	_ =	swait.ge @!p0 [sflag:s0], s1  }
0x4a: {  	s1 =	ssub.s32 @!p0 $0x0, s1;
	[sflag:s0] =	ssyncset.done @!p0 $0x0  }
0x4b: {  	[sflag:s0] =	ssyncadd.s32 @!p0 s1  }
0x4c: {  	[bflag:$0x3] =	sbarrier.arrive $0xFFFF  }
0x4d: {  	_ =	shalt  }

// kernel: kernel.8.cloned.1.call-start
scs
__scs_entry_jumppad:
0x0: {  	(pc) =	sbr.rel $0x88, $3  }
0x1: {  	(tag) =	ssettag $0x0;
	lr =	simm.s32 $0x1  }
0x2: {  	[smem:$0x3F9C] =	sst lr;
	_ =	strace $0xD0000000  }
0x3: {  	_ = 	snop  }
0x4: {  	_ = 	snop  }
0x5: {  	_ = 	snop  }
0x6: {  	_ = 	snop  }
0x7: {  	_ = 	snop  }
__scs_overlays_trampoline_lowered:
0x8: {  	[smem:$0x3FAB] =	sst s0  }
0x9: {  	[smem:$0x3FAC] =	sst s1  }
0xa: {  	[smem:$0x3FAD] =	sst s2  }
0xb: {  	[smem:$0x3FAE] =	sst s3  }
0xc: {  	[smem:$0x3FAF] =	sst s4  }
0xd: {  	[smem:$0x3FB0] =	sst s5  }
0xe: {  	[smem:$0x3FB1] =	sst s6  }
0xf: {  	[smem:$0x3FB2] =	sst s7  }
0x10: {  	[smem:$0x3FB3] =	sst s8  }
0x11: {  	[smem:$0x3FB4] =	sst s9;
	s0 =	simm.s32 @!p0 $0x0  }
0x12: {  	s1 =	sld [smem:$0x3F9A];
	s0 =	simm.s32 @p0 $0x1  }
0x13: {  	[smem:$0x3FB5] =	sst s0;
	s0 =	simm.s32 @!p1 $0x0  }
0x14: {  	s2 =	sld [smem:$0x3F99];
	s0 =	simm.s32 @p1 $0x1  }
0x15: {  	[smem:$0x3FB6] =	sst s0;
	s0 =	simm.s32 @!p2 $0x0  }
0x16: {  	s3 =	sld [smem:$0x3FDB];
	s0 =	simm.s32 @p2 $0x1  }
0x17: {  	s4 =	simm.s32 $0x1BF5;
	[smem:$0x3FB8] =	sst s0  }
0x18: {  	s0 =	sld [smem:$0x3F9B];
	_ =	swait.ge [sflag:s4], $0x0  }
0x19: {  	s7 =	sld [smem:$0x3F9C]  }
0x1a: {  	s8 =	sadd.s32 $0xFFFFE003, lr  }
0x1b: {  	s9 =	sadd.s32 $0xFFFFFEF7, lr;
	s5 =	simm.s32 $0xFFFFFFFF;
	p2 =	slt.u32 s8, $0xFFFFF086  }
0x1c: {  	p1 =	slt.u32 s9, $0xF7A;
	s5 =	simm.s32 @!p2 $0x0  }
0x1d: {  	s5 =	simm.s32 @p1 $0x1;
	p0 =	seq.s32 s7, s2  }
0x1e: {  	s7 =	smul.u32 @!p0 $0xF7A, s2;
	p2 =	seq.s32 @!p0 s5, $0x0  }
0x1f: {  	s9 =	smul.u32 $0xF7A, s1;
	s8 =	simm.s32 @!p0 $0x1BF5;
	p2 =	por !p2, p0  }
0x20: {  	[sflag:s8] =	ssyncset.s32 @!p0 $0xFFFFF086;
	s6 =	sadd.s32 @!p0 s3, s7;
	s7 =	simm.s32 @!p0 $0x108  }
0x21: {  	s3 =	sadd.s32 s3, s9;
	s6 =	sadd.s32 @!p0 $0x88, s6;
	s7 =	simm.s32 @p2 $0x1082  }
0x22: {  	[simem:s7], [sflag:s8] =	dma.local @!p0 [hbm:s6], $0xF7A  }
0x23: {  	s9 =	sor.u32 $0xD0000000, s2;
	s6 =	simm.s32 $0x108;
	_ =	swait.ge @!p0 [sflag:s8], $0x0  }
0x24: {  	s3 =	sadd.s32 $0x88, s3;
	s6 =	simm.s32 @!p1 $0x1082;
	[sflag:s4] =	ssyncset.s32 $0xFFFFF086  }
0x25: {  	[simem:s6], [sflag:s4] =	dma.local [hbm:s3], $0xF7A  }
0x26: {  	[smem:$0x3F9C] =	sst s1;
	(tag) =	ssettag s2;
	_ =	strace s9  }
0x27: {  	s1 =	sld [smem:$0x3FAC]  }
0x28: {  	s2 =	sld [smem:$0x3FAD]  }
0x29: {  	s4 =	sld [smem:$0x3FAF]  }
0x2a: {  	p0 =	seq.s32 s5, $0x0;
	s5 =	sld [smem:$0x3FB0]  }
0x2b: {  	s6 =	sld [smem:$0x3FB1]  }
0x2c: {  	s7 =	sld [smem:$0x3FB2]  }
0x2d: {  	s3 =	simm.s32 $0x108;
	s8 =	sld [smem:$0x3FB3]  }
0x2e: {  	s3 =	simm.s32 @!p0 $0x1082;
	s9 =	sld [smem:$0x3FB4]  }
0x2f: {  	lr =	sadd.s32 s0, s3;
	s0 =	sld [smem:$0x3FAB]  }
0x30: {  	s3 =	sld [smem:$0x3FAE]  }
0x31: {  	[smem:$0x3FB7] =	sst s10  }
0x32: {  	s10 =	sld [smem:$0x3FB5];
	_ =	sdelay $0x3  }
0x33: {  	p0 =	seq.s32 s10, $0x1;
	s10 =	sld [smem:$0x3FB7];
	_ =	sdelay $0x3  }
0x34: {  	[smem:$0x3FB7] =	sst s10  }
0x35: {  	s10 =	sld [smem:$0x3FB6];
	_ =	sdelay $0x3  }
0x36: {  	p1 =	seq.s32 s10, $0x1;
	s10 =	sld [smem:$0x3FB7];
	_ =	sdelay $0x3  }
0x37: {  	[smem:$0x3FB7] =	sst s10  }
0x38: {  	s10 =	sld [smem:$0x3FB8]  }
0x39: {  	_ = 	snop;
	(pc) =	sbr.ind lr, $3  }
0x3a: {  	_ = 	snop  }
0x3b: {  	_ = 	snop  }
0x3c: {  	p2 =	seq.s32 s10, $0x1;
	s10 =	sld [smem:$0x3FB7]  }
0x3d: {  	_ =	shalt  }
0x3e: {  	_ =	shalt  }
0x3f: {  	_ =	shalt  }
0x40: {  	_ =	shalt  }
0x41: {  	_ =	shalt  }
0x42: {  	_ =	shalt  }
0x43: {  	_ =	shalt  }
0x44: {  	_ =	shalt  }
0x45: {  	_ =	shalt  }
0x46: {  	_ =	shalt  }
0x47: {  	_ =	shalt  }
0x48: {  	_ =	shalt  }
0x49: {  	_ =	shalt  }
0x4a: {  	_ =	shalt  }
0x4b: {  	_ =	shalt  }
0x4c: {  	_ =	shalt  }
0x4d: {  	_ =	shalt  }
0x4e: {  	_ =	shalt  }
0x4f: {  	_ =	shalt  }
0x50: {  	_ =	shalt  }
0x51: {  	_ =	shalt  }
0x52: {  	_ =	shalt  }
0x53: {  	_ =	shalt  }
0x54: {  	_ =	shalt  }
0x55: {  	_ =	shalt  }
0x56: {  	_ =	shalt  }
0x57: {  	_ =	shalt  }
0x58: {  	_ =	shalt  }
0x59: {  	_ =	shalt  }
0x5a: {  	_ =	shalt  }
0x5b: {  	_ =	shalt  }
0x5c: {  	_ =	shalt  }
0x5d: {  	_ =	shalt  }
0x5e: {  	_ =	shalt  }
0x5f: {  	_ =	shalt  }
0x60: {  	_ =	shalt  }
0x61: {  	_ =	shalt  }
0x62: {  	_ =	shalt  }
0x63: {  	_ =	shalt  }
0x64: {  	_ =	shalt  }
0x65: {  	_ =	shalt  }
0x66: {  	_ =	shalt  }
0x67: {  	_ =	shalt  }
0x68: {  	_ =	shalt  }
0x69: {  	_ =	shalt  }
0x6a: {  	_ =	shalt  }
0x6b: {  	_ =	shalt  }
0x6c: {  	_ =	shalt  }
0x6d: {  	_ =	shalt  }
0x6e: {  	_ =	shalt  }
0x6f: {  	_ =	shalt  }
0x70: {  	_ =	shalt  }
0x71: {  	_ =	shalt  }
0x72: {  	_ =	shalt  }
0x73: {  	_ =	shalt  }
0x74: {  	_ =	shalt  }
0x75: {  	_ =	shalt  }
0x76: {  	_ =	shalt  }
0x77: {  	_ =	shalt  }
0x78: {  	_ =	shalt  }
0x79: {  	_ =	shalt  }
0x7a: {  	_ =	shalt  }
0x7b: {  	_ =	shalt  }
0x7c: {  	_ =	shalt  }
0x7d: {  	_ =	shalt  }
0x7e: {  	_ =	shalt  }
0x7f: {  	_ =	shalt  }
0x80: {  	_ =	shalt  }
0x81: {  	_ =	shalt  }
0x82: {  	_ =	shalt  }
0x83: {  	_ =	shalt  }
0x84: {  	_ =	shalt  }
0x85: {  	_ =	shalt  }
0x86: {  	_ =	shalt  }
0x87: {  	_ =	shalt  }
.Lfunc_end0:
.L_simem_size_0:
called_computation.1_lowered:
.L_overlay_start_0:
0x88: {  	s2 =	sld [smem:$0x3FD9]  }
0x89: {  	s3 =	sld [smem:$0x3FFE];
	_ =	sdelay $0x1  }
0x8a: {  	s1 =	srdreg.scid  }
0x8b: {  	s0 =	sand.u32 $0x1, s1  }
0x8c: {  	s16 =	sshll.u32 s0, $0xA;
	s2 =	sadd.s32 s3, s2  }
0x8d: {  	s2 =	sadd.s32 s2, s16  }
0x8e: {  	[smem:$0x3FC3] =	sst s2  }
0x8f: {  	_ = 	snop  }
0x90: {  	s4 =	sld [smem:$0x3FD0];
	_ =	sdelay $0x1  }
0x91: {  	s2 =	sld [smem:$0x3FC9]  }
0x92: {  	s5 =	simm.s32 $0xB;
	s6 =	simm.s32 $0x10;
	s17 =	sld [smem:$0x3FC7]  }
0x93: {  	[smem:s6], [sflag:s5] =	dma.local [hbm:s4], $0x1  }
0x94: {  	_ =	swait.eq [sflag:s5], $0x1  }
0x95: {  	[sflag:s5] =	ssyncset.done $0x0  }
0x96: {  	[sflag:s5] =	ssyncadd.s32 $0xFFFFFFFF  }
0x97: {  	s18 =	sld [smem:$0x10];
	(tm) =	ssettm $0x1  }
0x98: {  	s19 =	sld [smem:$0x3FFB];
	_ =	sdelay $0x3  }
0x99: {  	_ =	strace s19  }
0x9a: {  	s4 =	sld [smem:$0x3FFC];
	_ =	sdelay $0x3  }
0x9b: {  	_ =	strace s4  }
0x9c: {  	s4 =	sld [smem:$0x3FFD];
	_ =	sdelay $0x3  }
0x9d: {  	_ =	strace s4  }
0x9e: {  	_ =	strace $0x8FFFFFFF  }
0x9f: {  	s20 =	sld [smem:$0x3FDB];
	_ =	sdelay $0x1  }
0xa0: {  	s21 =	simm.s32 $_scs_section_size  }
0xa1: {  	s7 =	simm.s32 $_size__tile_overlayer_lowered;
	s8 =	simm.s32 $_tile_overlayer_lowered  }
0xa2: {  	s9 =	simm.s32 $0x1BFF;
	s22 =	sshll.u32 s8, $0x1;
	s6 =	sadd.s32 s21, s20  }
0xa3: {  	s23 =	simm.s32 $0x0;
	s7 =	sshll.u32 s7, $0x1;
	s8 =	sadd.s32 s22, s6  }
0xa4: {  	[timem:s23], [sflag:s9] =	dma.local [hbm:s8], s7  }
0xa5: {  	_ =	swait.ge [sflag:s9], s7  }
0xa6: {  	s7 =	ssub.s32 $0x0, s7;
	[sflag:s9] =	ssyncset.done $0x0  }
0xa7: {  	[sflag:s9] =	ssyncadd.s32 s7;
	_ =	sdelay $0x1  }
0xa8: {  	s24 =	simm.s32 $0x1B8B  }
0xa9: {  	_ =	swait.ge [sflag:s24], $0x1  }
0xaa: {  	[sflag:s24] =	ssyncset.done $0x0  }
0xab: {  	[sflag:s24] =	ssyncadd.s32 $0xFFFFFFFF  }
0xac: {  	s7 =	sld [smem:$0x0]  }
0xad: {  	s8 =	sand.u32 $0xFFFFFFFE, s1  }
0xae: {  	p0 =	sne.s32 s1, s8  }
0xaf: {  	s8 =	sshll.u32 @p0 s8, $0xE  }
0xb0: {  	s8 =	sadd.s32 @p0 $0x11B8D, s8;
	s9 =	sshll.u32 @p0 s7, $0x11  }
0xb1: {  	s8 =	sor.u32 @p0 s9, s8  }
0xb2: {  	[sflag:s8] =	ssyncadd.remote.s32 @p0 $0x1;
	_ =	sdelay $0x1  }
0xb3: {  	s8 =	simm.s32 @p0 $0x1B8D  }
0xb4: {  	_ =	swait.eq @p0 [sflag:s8], $0x1  }
0xb5: {  	[sflag:s8] =	ssyncadd.s32 @p0 $0xFFFFFFFF  }
0xb6: {  	s9 =	sshll.u32 @!p0 s1, $0xE  }
0xb7: {  	s9 =	sor.u32 @!p0 $0x4000, s9;
	s8 =	simm.s32 @!p0 $0x1B8D  }
0xb8: {  	s7 =	sshll.u32 @!p0 s7, $0x11;
	s9 =	sadd.s32 @!p0 $0x11B8D, s9;
	_ =	swait.eq @!p0 [sflag:s8], $0x1  }
0xb9: {  	s7 =	sor.u32 @!p0 s7, s9;
	[sflag:s8] =	ssyncadd.s32 @!p0 $0xFFFFFFFF  }
0xba: {  	s25 =	simm.s32 $0x1B8E;
	[sflag:s7] =	ssyncadd.remote.s32 @!p0 $0x1  }
0xbb: {  	s26 =	simm.s32 $execute0_lowered;
	[smem:$0x3FD2] =	sst s25  }
0xbc: {  	s7 =	sshll.u32 s26, $0x1;
	_ =	strace $0x80000049;
	[dreg:$0x1] =	wrdreg $0xFFFFFFFF  }
0xbd: {  	s28 =	simm.s32 $_size_execute0_lowered;
	s6 =	sadd.s32 s6, s7;
	[dreg:$0x0] =	wrdreg $0x0  }
0xbe: {  	s7 =	sshll.u32 s28, $0x1;
	[dreg:$0x2] =	wrdreg s6  }
0xbf: {  	[dreg:$0x3] =	wrdreg s7  }
0xc0: {  	[dreg:$0x4] =	wrdreg $0xC0  }
0xc1: {  	_ =	task [dreg:s23], $0x5FFFF  }
0xc2: {  	[dreg:$0x1] =	wrdreg $0xFFFFFFFF  }
0xc3: {  	[dreg:$0x0] =	wrdreg $0x60  }
0xc4: {  	[dreg:$0x2] =	wrdreg s2  }
0xc5: {  	[dreg:$0x3] =	wrdreg s17  }
0xc6: {  	[dreg:$0x4] =	wrdreg s18  }
0xc7: {  	[dreg:$0x5] =	wrdreg $0xA  }
0xc8: {  	_ =	task.clear_ibuf [dreg:s23], $0x6FFFF;
	_ =	strace $0x90000049  }
0xc9: {  	s29 =	simm.s32 $0xA;
	_ =	strace $0x8000004B  }
0xca: {  	_ =	swait.ge [sflag:s29], $0x1  }
0xcb: {  	[sflag:s29] =	ssyncadd.s32 $0xFFFFFFFF  }
0xcc: {  	_ =	strace $0x9000004B  }
0xcd: {  	_ =	sfence  }
0xce: {  	s30 =	sld [smem:$0x0];
	_ =	sdelay $0x2  }
0xcf: {  	s31 =	sshll.u32 s1, $0xD;
	s1 =	sshrl.u32 s1, $0x2  }
0xd0: {  	s3 =	sand.u32 $0x4000, s31;
	s1 =	sadd.s32 s1, s30  }
0xd1: {  	s0 =	sor.u32 s3, s0;
	s1 =	sshll.u32 s1, $0x11  }
0xd2: {  	s0 =	sor.u32 s1, s0  }
0xd3: {  	s0 =	sadd.s32 $0x8F2B, s0  }
0xd4: {  	[sflag:s0] =	ssyncadd.remote.s32 $0x1  }
0xd5: {  	_ =	sfence.sel $0xFFFF  }
0xd6: {  	[dreg:$0x0] =	wrdreg $0xFFFFFFFF;
	(pc) =	sbr.abs _section_cstart, $3  }
0xd7: {  	[dreg:$0x1] =	wrdreg $0xFFFFFFFF  }
0xd8: {  	_ =	task.clear_ibuf [dreg:s23], $0x2FFFF;
	_ =	strace $0x9FFFFFFF  }
0xd9: {  	(tm) =	ssettm $0x7FFFFFFF  }
tec
execute0_lowered:
.L_overlay_start_1:
0x0: {  	(tag) =	ssettag $0x1  }
0x1: {  	v0 =	vlaneseq.u32  }
0x2: {  	v0 =	vmul.u32 $0x80, v0  }
0x3: {  	s0 =	rddreg [dreg:$0x0]  }
0x4: {  	s1 =	rddreg [dreg:$0x1];
	v1 =	vor.u32 $0x800, v0  }
0x5: {  	s2 =	rddreg [dreg:$0x2];
	s3 =	srdreg.scid;
	v2 =	vor.u32 $0x1000, v0;
	v3 =	vor.u32 $0x1800, v0;
	v4 =	vor.u32 $0x2000, v0  }
0x6: {  	s6 =	simm.s32 $0x0;
	s5 =	stileid.u32;
	s8 =	simm.s32 $0x400;
	v5 =	vor.u32 $0x2800, v0;
	v6 =	vor.u32 $0x3000, v0;
	v7 =	vor.u32 $0x3800, v0  }
0x7: {  	s7 =	simm.s32 $0x2;
	s9 =	simm.s32 $0x7A1400;
	s10 =	simm.s32 $0x280;
	v8 =	vor.u32 $0x4000, v0;
	v9 =	vor.u32 $0x4800, v0;
	v10 =	vor.u32 $0x5000, v0  }
0x8: {  	s16 =	simm.s32 $0xC280;
	s3 =	sand.u32 $0x1, s3;
	s5 =	sshll.u32 s5, $0xA;
	v11 =	vor.u32 $0x5800, v0;
	v12 =	vor.u32 $0x6000, v0;
	v13 =	vor.u32 $0x6800, v0  }
0x9: {  	[smem:$0x7FF] =	sst s6;
	s4 =	ssub.s32 $0x2, s3;
	s3 =	sshll.u32 s3, $0x9;
	v14 =	vor.u32 $0x7000, v0;
	v15 =	vor.u32 $0x7800, v0;
	v16 =	vor.u32 $0x8000, v0  }
0xa: {  	s17 =	simm.s32 $0xE280;
	_ =	strace $0x8000004A;
	s3 =	sor.u32 s3, s5;
	v17 =	vor.u32 $0x8800, v0;
	v18 =	vor.u32 $0x9000, v0;
	v19 =	vor.u32 $0x9800, v0  }
0xb: {  	s29 =	sshrl.u32 s4, $0x1;
	v20 =	vor.u32 $0xA000, v0;
	v21 =	vor.u32 $0xA800, v0;
	v22 =	vor.u32 $0xB000, v0;
	s5 =	sshrl.u32 s3, $0x3;
	s30 =	sadd.s32 s2, s3  }
0xc: {  	v23 =	vor.u32 $0xB800, v0;
	v24 =	vor.u32 $0xC000, v0;
	v25 =	vor.u32 $0xC800, v0;
	s4 =	ssub.s32 s4, s29;
	s0 =	sadd.s32 s0, s5;
	[dreg:$0x5] =	wrdreg s30  }
0xd: {  	s18 =	simm.s32 $0x1;
	v26 =	vor.u32 $0xD000, v0;
	v27 =	vor.u32 $0xD800, v0;
	v28 =	vor.u32 $0xE000, v0;
	s31 =	smax.u32 s4, $0x1;
	[dreg:$0x4] =	wrdreg s0  }
0xe: {  	s19 =	simm.s32 $0x10280;
	v29 =	vor.u32 $0xE800, v0;
	v30 =	vor.u32 $0xF000, v0;
	v31 =	vor.u32 $0xF800, v0;
	s2 =	simm.s32 $0x0;
	[dreg:$0x6] =	wrdreg s31  }
.LBB2_1:
0xf: {  	[dreg:$0x7] =	wrdreg s2  }
0x10: {  	s0 =	simm.s32 $0x0;
	s31 =	rddreg [dreg:$0x4]  }
0x11: {  	[tilespmem:s0], [sflag:$0x2] =	stream.linear.gather [hbm4b:s31+s0], $0x200, $0x38;
	[tilespmem:$0x12280] =	vst v63  }
0x12: {  	_ =	swait.ge [sflag:s7], $0x200  }
0x13: {  	[sflag:s7] =	ssyncset.done $0x0  }
0x14: {  	[sflag:s7] =	ssyncadd.s32 $0xFFFFFE00  }
0x15: {  	v32 =	vld [tilespmem:$0x0];
	_ =	sdelay $0x4  }
0x16: {  	(v2sf) =	vpush v32, $0x0;
	_ =	sdelay $0x2  }
0x17: {  	(v2sf) =	vpush v32, $0x1;
	_ =	sdelay $0x3  }
0x18: {  	(v2sf) =	vpush v32, $0x2;
	_ =	sdelay $0x7  }
0x19: {  	s3 =	spop (v2sf);
	(v2sf) =	vpush v32, $0x3  }
0x1a: {  	s4 =	sshra.s32 s3, $0x1F  }
0x1b: {  	s2 =	sshrl.u32 s4, $0x19  }
0x1c: {  	s5 =	spop (v2sf);
	(v2sf) =	vpush v32, $0x4;
	s0 =	sadd.s32 s2, s3  }
0x1d: {  	s6 =	sshra.s32 s5, $0x1F;
	s0 =	sand.u32 $0xFFFFF80, s0  }
0x1e: {  	s2 =	sshrl.u32 s6, $0x19;
	s0 =	sadd.s32 s1, s0  }
0x1f: {  	[tilespmem:s10], [sflag:$0x1] =	stream.strided.gather [hbm4b:s0+s8], $0x2000, s9, s8, $0x38;
	[tilespmem:$0x12280] =	vst v63  }
0x20: {  	s12 =	spop (v2sf);
	s0 =	sadd.s32 s2, s5  }
0x21: {  	(v2sf) =	vpush v32, $0x5;
	s13 =	sshra.s32 s12, $0x1F;
	s0 =	sand.u32 $0xFFFFF80, s0  }
0x22: {  	s11 =	simm.s32 $0x2280;
	s2 =	sshrl.u32 s13, $0x19;
	s0 =	sadd.s32 s1, s0  }
0x23: {  	[tilespmem:s11], [sflag:$0x1] =	stream.strided.gather [hbm4b:s0+s8], $0x2000, s9, s8, $0x38;
	[tilespmem:$0x12280] =	vst v63  }
0x24: {  	s0 =	sadd.s32 s2, s12  }
0x25: {  	s0 =	sand.u32 $0xFFFFF80, s0  }
0x26: {  	s14 =	simm.s32 $0x4280;
	s0 =	sadd.s32 s1, s0  }
0x27: {  	[tilespmem:s14], [sflag:$0x1] =	stream.strided.gather [hbm4b:s0+s8], $0x2000, s9, s8, $0x38;
	[tilespmem:$0x12280] =	vst v63  }
0x28: {  	s15 =	spop (v2sf)  }
0x29: {  	(v2sf) =	vpush v32, $0x6;
	s20 =	sshra.s32 s15, $0x1F  }
0x2a: {  	s2 =	sshrl.u32 s20, $0x19  }
0x2b: {  	s22 =	spop (v2sf);
	s0 =	sadd.s32 s2, s15  }
0x2c: {  	(v2sf) =	vpush v32, $0x7;
	s23 =	sshra.s32 s22, $0x1F;
	s0 =	sand.u32 $0xFFFFF80, s0  }
0x2d: {  	s21 =	simm.s32 $0x6280;
	s2 =	sshrl.u32 s23, $0x19;
	s0 =	sadd.s32 s1, s0  }
0x2e: {  	[tilespmem:s21], [sflag:$0x1] =	stream.strided.gather [hbm4b:s0+s8], $0x2000, s9, s8, $0x38;
	[tilespmem:$0x12280] =	vst v63  }
0x2f: {  	s0 =	sadd.s32 s2, s22  }
0x30: {  	s24 =	spop (v2sf);
	s0 =	sand.u32 $0xFFFFF80, s0  }
0x31: {  	s3 =	simm.s32 $0x8280;
	s25 =	sshra.s32 s24, $0x1F;
	s0 =	sadd.s32 s1, s0  }
0x32: {  	[tilespmem:s3], [sflag:$0x1] =	stream.strided.gather [hbm4b:s0+s8], $0x2000, s9, s8, $0x38;
	[tilespmem:$0x12280] =	vst v63  }
0x33: {  	s0 =	sshrl.u32 s25, $0x19  }
0x34: {  	s0 =	sadd.s32 s0, s24  }
0x35: {  	s0 =	sand.u32 $0xFFFFF80, s0  }
0x36: {  	s28 =	simm.s32 $0xA280;
	s0 =	sadd.s32 s1, s0  }
0x37: {  	[tilespmem:s28], [sflag:$0x1] =	stream.strided.gather [hbm4b:s0+s8], $0x2000, s9, s8, $0x38;
	[tilespmem:$0x12280] =	vst v63  }
0x38: {  	s26 =	spop (v2sf)  }
0x39: {  	s29 =	sshra.s32 s26, $0x1F  }
0x3a: {  	s0 =	sshrl.u32 s29, $0x19  }
0x3b: {  	s30 =	spop (v2sf);
	s0 =	sadd.s32 s0, s26  }
0x3c: {  	s31 =	sshra.s32 s30, $0x1F;
	s0 =	sand.u32 $0xFFFFF80, s0  }
0x3d: {  	s2 =	sshrl.u32 s31, $0x19;
	s0 =	sadd.s32 s1, s0  }
0x3e: {  	[tilespmem:s16], [sflag:$0x1] =	stream.strided.gather [hbm4b:s0+s8], $0x2000, s9, s8, $0x38;
	[tilespmem:$0x12280] =	vst v63  }
0x3f: {  	s0 =	sadd.s32 s2, s30  }
0x40: {  	s23 =	simm.s32 $0x0;
	s0 =	sand.u32 $0xFFFFF80, s0  }
0x41: {  	s22 =	simm.s32 $0x10;
	s24 =	simm.s32 $0x0;
	s0 =	sadd.s32 s1, s0  }
0x42: {  	[tilespmem:s17], [sflag:$0x1] =	stream.strided.gather [hbm4b:s0+s8], $0x2000, s9, s8, $0x38;
	[tilespmem:$0x12280] =	vst v63  }
.LBB2_2:
0x43: {  	v33 =	vld [tilespmem:s22+$0xFFFFFFF0];
	_ =	sdelay $0x3  }
0x44: {  	v32 =	vld [tilespmem:s22+$0x0];
	_ =	swait.ge [sflag:s18], $0x2000  }
0x45: {  	(v2sf) =	vpush v33, $0x0;
	_ =	sdelay $0xe  }
0x46: {  	s0 =	spop (v2sf)  }
0x47: {  	s2 =	sshra.s32 s0, $0x1F  }
0x48: {  	s2 =	sshrl.u32 s2, $0x19  }
0x49: {  	s2 =	sadd.s32 s2, s0  }
0x4a: {  	s2 =	sand.u32 $0xFFFFFF80, s2  }
0x4b: {  	s0 =	ssub.s32 s0, s2  }
0x4c: {  	v34 =	vadd.s32 s0, v0;
	_ =	sdelay $0x2  }
0x4d: {  	s25 =	sand.u32 $0x7, s24;
	[sflag:s18] =	ssyncset.done $0x0  }
0x4e: {  	s26 =	sshll.u32 s25, $0x4;
	[sflag:s18] =	ssyncadd.s32 $0xFFFFE000  }
0x4f: {  	v35 =	vor.u32 s26, v0;
	v34 =	vld.idx.msk [tilespmem:v34+s10+$0x0], $0xffff  }
0x50: {  	v36 =	vadd.s32 s0, v1;
	_ =	sdelay $0x1  }
0x51: {  	(v2sf) =	vpush v33, $0x8;
	_ =	sdelay $0x1  }
0x52: {  	[tilespmem:v35+s19+$0x0] =	vst.idx.msk $0xffff, v34  }
0x53: {  	v41 =	vor.u32 s26, v1;
	v34 =	vld.idx.msk [tilespmem:v36+s10+$0x0], $0xffff  }
0x54: {  	v42 =	vadd.s32 s0, v2;
	_ =	sdelay $0x3  }
0x55: {  	[tilespmem:v41+s19+$0x0] =	vst.idx.msk $0xffff, v34  }
0x56: {  	v43 =	vor.u32 s26, v2;
	v34 =	vld.idx.msk [tilespmem:v42+s10+$0x0], $0xffff  }
0x57: {  	v44 =	vadd.s32 s0, v3;
	_ =	sdelay $0x3  }
0x58: {  	[tilespmem:v43+s19+$0x0] =	vst.idx.msk $0xffff, v34  }
0x59: {  	v45 =	vor.u32 s26, v3;
	s28 =	spop (v2sf);
	v34 =	vld.idx.msk [tilespmem:v44+s10+$0x0], $0xffff  }
0x5a: {  	s20 =	sshra.s32 s28, $0x1F  }
0x5b: {  	s0 =	sshrl.u32 s20, $0x19  }
0x5c: {  	s30 =	sadd.s32 s0, s28  }
0x5d: {  	s0 =	sand.u32 $0xFFFFF80, s30  }
0x5e: {  	s0 =	sadd.s32 s1, s0;
	[tilespmem:v45+s19+$0x0] =	vst.idx.msk $0xffff, v34  }
0x5f: {  	[tilespmem:s10], [sflag:$0x1] =	stream.strided.gather [hbm4b:s0+s8], $0x2000, s9, s8, $0x38;
	[tilespmem:$0x12280] =	vst v63  }
0x60: {  	_ =	swait.ge [sflag:s18], $0x2000  }
0x61: {  	(v2sf) =	vpush v33, $0x1;
	_ =	sdelay $0xe  }
0x62: {  	s21 =	spop (v2sf)  }
0x63: {  	s29 =	sshra.s32 s21, $0x1F  }
0x64: {  	s2 =	sshrl.u32 s29, $0x19  }
0x65: {  	s2 =	sadd.s32 s2, s21  }
0x66: {  	s2 =	sand.u32 $0xFFFFFF80, s2  }
0x67: {  	s0 =	ssub.s32 s21, s2  }
0x68: {  	v46 =	vadd.s32 s0, v4;
	_ =	sdelay $0x2  }
0x69: {  	[sflag:s18] =	ssyncset.done $0x0  }
0x6a: {  	s31 =	sor.u32 $0x1, s26;
	[sflag:s18] =	ssyncadd.s32 $0xFFFFE000  }
0x6b: {  	v47 =	vor.u32 s31, v0;
	v34 =	vld.idx.msk [tilespmem:v46+s10+$0x0], $0xffff  }
0x6c: {  	v48 =	vadd.s32 s0, v5;
	_ =	sdelay $0x1  }
0x6d: {  	(v2sf) =	vpush v33, $0x9;
	_ =	sdelay $0x1  }
0x6e: {  	[tilespmem:v47+s19+$0x0] =	vst.idx.msk $0xffff, v34  }
0x6f: {  	v49 =	vor.u32 s31, v1;
	v34 =	vld.idx.msk [tilespmem:v48+s10+$0x0], $0xffff  }
0x70: {  	v50 =	vadd.s32 s0, v6;
	_ =	sdelay $0x3  }
0x71: {  	[tilespmem:v49+s19+$0x0] =	vst.idx.msk $0xffff, v34  }
0x72: {  	v51 =	vor.u32 s31, v2;
	v34 =	vld.idx.msk [tilespmem:v50+s10+$0x0], $0xffff  }
0x73: {  	v52 =	vadd.s32 s0, v7;
	_ =	sdelay $0x3  }
0x74: {  	[tilespmem:v51+s19+$0x0] =	vst.idx.msk $0xffff, v34  }
0x75: {  	v53 =	vor.u32 s31, v3;
	s29 =	spop (v2sf);
	v34 =	vld.idx.msk [tilespmem:v52+s10+$0x0], $0xffff  }
0x76: {  	s2 =	sshra.s32 s29, $0x1F  }
0x77: {  	s0 =	sshrl.u32 s2, $0x19  }
0x78: {  	s0 =	sadd.s32 s0, s29  }
0x79: {  	s3 =	sand.u32 $0xFFFFF80, s0  }
0x7a: {  	s2 =	sadd.s32 s1, s3;
	s3 =	simm.s32 $0x2280;
	[tilespmem:v53+s19+$0x0] =	vst.idx.msk $0xffff, v34  }
0x7b: {  	[tilespmem:s3], [sflag:$0x1] =	stream.strided.gather [hbm4b:s2+s8], $0x2000, s9, s8, $0x38;
	[tilespmem:$0x12280] =	vst v63  }
0x7c: {  	_ =	swait.ge [sflag:s18], $0x2000  }
0x7d: {  	(v2sf) =	vpush v33, $0x2;
	_ =	sdelay $0xe  }
0x7e: {  	s4 =	spop (v2sf)  }
0x7f: {  	s5 =	sshra.s32 s4, $0x1F  }
0x80: {  	s3 =	sshrl.u32 s5, $0x19  }
0x81: {  	s3 =	sadd.s32 s3, s4  }
0x82: {  	s3 =	sand.u32 $0xFFFFFF80, s3  }
0x83: {  	s2 =	ssub.s32 s4, s3  }
0x84: {  	v54 =	vadd.s32 s2, v8;
	_ =	sdelay $0x2  }
0x85: {  	[sflag:s18] =	ssyncset.done $0x0  }
0x86: {  	s6 =	sor.u32 $0x2, s26;
	[sflag:s18] =	ssyncadd.s32 $0xFFFFE000  }
0x87: {  	v55 =	vor.u32 s6, v0;
	v34 =	vld.idx.msk [tilespmem:v54+s10+$0x0], $0xffff  }
0x88: {  	v56 =	vadd.s32 s2, v9;
	_ =	sdelay $0x1  }
0x89: {  	(v2sf) =	vpush v33, $0xA;
	_ =	sdelay $0x1  }
0x8a: {  	[tilespmem:v55+s19+$0x0] =	vst.idx.msk $0xffff, v34  }
0x8b: {  	v57 =	vor.u32 s6, v1;
	v34 =	vld.idx.msk [tilespmem:v56+s10+$0x0], $0xffff  }
0x8c: {  	v58 =	vadd.s32 s2, v10;
	_ =	sdelay $0x3  }
0x8d: {  	[tilespmem:v57+s19+$0x0] =	vst.idx.msk $0xffff, v34  }
0x8e: {  	v59 =	vor.u32 s6, v2;
	v34 =	vld.idx.msk [tilespmem:v58+s10+$0x0], $0xffff  }
0x8f: {  	v60 =	vadd.s32 s2, v11;
	_ =	sdelay $0x3  }
0x90: {  	[tilespmem:v59+s19+$0x0] =	vst.idx.msk $0xffff, v34  }
0x91: {  	v61 =	vor.u32 s6, v3;
	s31 =	spop (v2sf);
	v34 =	vld.idx.msk [tilespmem:v60+s10+$0x0], $0xffff  }
0x92: {  	s11 =	sshra.s32 s31, $0x1F  }
0x93: {  	s2 =	sshrl.u32 s11, $0x19  }
0x94: {  	s2 =	sadd.s32 s2, s31  }
0x95: {  	s12 =	sand.u32 $0xFFFFF80, s2  }
0x96: {  	s4 =	simm.s32 $0x4280;
	s3 =	sadd.s32 s1, s12;
	[tilespmem:v61+s19+$0x0] =	vst.idx.msk $0xffff, v34  }
0x97: {  	[tilespmem:s4], [sflag:$0x1] =	stream.strided.gather [hbm4b:s3+s8], $0x2000, s9, s8, $0x38;
	[tilespmem:$0x12280] =	vst v63  }
0x98: {  	_ =	swait.ge [sflag:s18], $0x2000  }
0x99: {  	(v2sf) =	vpush v33, $0x3;
	_ =	sdelay $0xe  }
0x9a: {  	s13 =	spop (v2sf)  }
0x9b: {  	s14 =	sshra.s32 s13, $0x1F  }
0x9c: {  	s4 =	sshrl.u32 s14, $0x19  }
0x9d: {  	s4 =	sadd.s32 s4, s13  }
0x9e: {  	s4 =	sand.u32 $0xFFFFFF80, s4  }
0x9f: {  	s3 =	ssub.s32 s13, s4  }
0xa0: {  	v62 =	vadd.s32 s3, v12;
	_ =	sdelay $0x2  }
0xa1: {  	[sflag:s18] =	ssyncset.done $0x0  }
0xa2: {  	s15 =	sor.u32 $0x3, s26;
	[sflag:s18] =	ssyncadd.s32 $0xFFFFE000  }
0xa3: {  	v63 =	vor.u32 s15, v0;
	v34 =	vld.idx.msk [tilespmem:v62+s10+$0x0], $0xffff  }
0xa4: {  	v40 =	vadd.s32 s3, v13;
	_ =	sdelay $0x1  }
0xa5: {  	(v2sf) =	vpush v33, $0xB;
	_ =	sdelay $0x1  }
0xa6: {  	[tilespmem:v63+s19+$0x0] =	vst.idx.msk $0xffff, v34  }
0xa7: {  	v41 =	vor.u32 s15, v1;
	v34 =	vld.idx.msk [tilespmem:v40+s10+$0x0], $0xffff  }
0xa8: {  	v42 =	vadd.s32 s3, v14;
	_ =	sdelay $0x3  }
0xa9: {  	[tilespmem:v41+s19+$0x0] =	vst.idx.msk $0xffff, v34  }
0xaa: {  	v43 =	vor.u32 s15, v2;
	v34 =	vld.idx.msk [tilespmem:v42+s10+$0x0], $0xffff  }
0xab: {  	v44 =	vadd.s32 s3, v15;
	_ =	sdelay $0x3  }
0xac: {  	[tilespmem:v43+s19+$0x0] =	vst.idx.msk $0xffff, v34  }
0xad: {  	v45 =	vor.u32 s15, v3;
	s3 =	spop (v2sf);
	v34 =	vld.idx.msk [tilespmem:v44+s10+$0x0], $0xffff  }
0xae: {  	s20 =	sshra.s32 s3, $0x1F  }
0xaf: {  	s4 =	sshrl.u32 s20, $0x19  }
0xb0: {  	s4 =	sadd.s32 s4, s3  }
0xb1: {  	s5 =	sand.u32 $0xFFFFF80, s4  }
0xb2: {  	s6 =	simm.s32 $0x6280;
	s5 =	sadd.s32 s1, s5;
	[tilespmem:v45+s19+$0x0] =	vst.idx.msk $0xffff, v34  }
0xb3: {  	[tilespmem:s6], [sflag:$0x1] =	stream.strided.gather [hbm4b:s5+s8], $0x2000, s9, s8, $0x38;
	[tilespmem:$0x12280] =	vst v63  }
0xb4: {  	_ =	swait.ge [sflag:s18], $0x2000  }
0xb5: {  	(v2sf) =	vpush v33, $0x4;
	_ =	sdelay $0xe  }
0xb6: {  	s21 =	spop (v2sf)  }
0xb7: {  	s11 =	sshra.s32 s21, $0x1F  }
0xb8: {  	s6 =	sshrl.u32 s11, $0x19  }
0xb9: {  	s6 =	sadd.s32 s6, s21  }
0xba: {  	s6 =	sand.u32 $0xFFFFFF80, s6  }
0xbb: {  	s5 =	ssub.s32 s21, s6  }
0xbc: {  	v46 =	vadd.s32 s5, v16;
	_ =	sdelay $0x2  }
0xbd: {  	[sflag:s18] =	ssyncset.done $0x0  }
0xbe: {  	s12 =	sor.u32 $0x4, s26;
	[sflag:s18] =	ssyncadd.s32 $0xFFFFE000  }
0xbf: {  	v47 =	vor.u32 s12, v0;
	v34 =	vld.idx.msk [tilespmem:v46+s10+$0x0], $0xffff  }
0xc0: {  	v48 =	vadd.s32 s5, v17;
	_ =	sdelay $0x1  }
0xc1: {  	(v2sf) =	vpush v33, $0xC;
	_ =	sdelay $0x1  }
0xc2: {  	[tilespmem:v47+s19+$0x0] =	vst.idx.msk $0xffff, v34  }
0xc3: {  	v49 =	vor.u32 s12, v1;
	v34 =	vld.idx.msk [tilespmem:v48+s10+$0x0], $0xffff  }
0xc4: {  	v50 =	vadd.s32 s5, v18;
	_ =	sdelay $0x3  }
0xc5: {  	[tilespmem:v49+s19+$0x0] =	vst.idx.msk $0xffff, v34  }
0xc6: {  	v51 =	vor.u32 s12, v2;
	v34 =	vld.idx.msk [tilespmem:v50+s10+$0x0], $0xffff  }
0xc7: {  	v52 =	vadd.s32 s5, v19;
	_ =	sdelay $0x3  }
0xc8: {  	[tilespmem:v51+s19+$0x0] =	vst.idx.msk $0xffff, v34  }
0xc9: {  	v53 =	vor.u32 s12, v3;
	s6 =	spop (v2sf);
	v34 =	vld.idx.msk [tilespmem:v52+s10+$0x0], $0xffff  }
0xca: {  	s13 =	sshra.s32 s6, $0x1F  }
0xcb: {  	s5 =	sshrl.u32 s13, $0x19  }
0xcc: {  	s21 =	sadd.s32 s5, s6  }
0xcd: {  	s5 =	sand.u32 $0xFFFFF80, s21  }
0xce: {  	s11 =	simm.s32 $0x8280;
	s5 =	sadd.s32 s1, s5;
	[tilespmem:v53+s19+$0x0] =	vst.idx.msk $0xffff, v34  }
0xcf: {  	[tilespmem:s11], [sflag:$0x1] =	stream.strided.gather [hbm4b:s5+s8], $0x2000, s9, s8, $0x38;
	[tilespmem:$0x12280] =	vst v63  }
0xd0: {  	_ =	swait.ge [sflag:s18], $0x2000  }
0xd1: {  	(v2sf) =	vpush v33, $0x5;
	_ =	sdelay $0xe  }
0xd2: {  	s14 =	spop (v2sf)  }
0xd3: {  	s15 =	sshra.s32 s14, $0x1F  }
0xd4: {  	s11 =	sshrl.u32 s15, $0x19  }
0xd5: {  	s11 =	sadd.s32 s11, s14  }
0xd6: {  	s11 =	sand.u32 $0xFFFFFF80, s11  }
0xd7: {  	s5 =	ssub.s32 s14, s11  }
0xd8: {  	v54 =	vadd.s32 s5, v20;
	_ =	sdelay $0x2  }
0xd9: {  	[sflag:s18] =	ssyncset.done $0x0  }
0xda: {  	s20 =	sor.u32 $0x5, s26;
	[sflag:s18] =	ssyncadd.s32 $0xFFFFE000  }
0xdb: {  	v55 =	vor.u32 s20, v0;
	v34 =	vld.idx.msk [tilespmem:v54+s10+$0x0], $0xffff  }
0xdc: {  	v56 =	vadd.s32 s5, v21;
	_ =	sdelay $0x1  }
0xdd: {  	(v2sf) =	vpush v33, $0xD;
	_ =	sdelay $0x1  }
0xde: {  	[tilespmem:v55+s19+$0x0] =	vst.idx.msk $0xffff, v34  }
0xdf: {  	v57 =	vor.u32 s20, v1;
	v34 =	vld.idx.msk [tilespmem:v56+s10+$0x0], $0xffff  }
0xe0: {  	v58 =	vadd.s32 s5, v22;
	_ =	sdelay $0x3  }
0xe1: {  	[tilespmem:v57+s19+$0x0] =	vst.idx.msk $0xffff, v34  }
0xe2: {  	v59 =	vor.u32 s20, v2;
	v34 =	vld.idx.msk [tilespmem:v58+s10+$0x0], $0xffff  }
0xe3: {  	v60 =	vadd.s32 s5, v23;
	_ =	sdelay $0x3  }
0xe4: {  	[tilespmem:v59+s19+$0x0] =	vst.idx.msk $0xffff, v34  }
0xe5: {  	v61 =	vor.u32 s20, v3;
	s20 =	spop (v2sf);
	v34 =	vld.idx.msk [tilespmem:v60+s10+$0x0], $0xffff  }
0xe6: {  	s12 =	sshra.s32 s20, $0x1F  }
0xe7: {  	s5 =	sshrl.u32 s12, $0x19  }
0xe8: {  	s5 =	sadd.s32 s5, s20  }
0xe9: {  	s13 =	sand.u32 $0xFFFFF80, s5  }
0xea: {  	s12 =	simm.s32 $0xA280;
	s11 =	sadd.s32 s1, s13;
	[tilespmem:v61+s19+$0x0] =	vst.idx.msk $0xffff, v34  }
0xeb: {  	[tilespmem:s12], [sflag:$0x1] =	stream.strided.gather [hbm4b:s11+s8], $0x2000, s9, s8, $0x38;
	[tilespmem:$0x12280] =	vst v63  }
0xec: {  	_ =	swait.ge [sflag:s18], $0x2000  }
0xed: {  	(v2sf) =	vpush v33, $0x6;
	_ =	sdelay $0xe  }
0xee: {  	s14 =	spop (v2sf)  }
0xef: {  	s15 =	sshra.s32 s14, $0x1F  }
0xf0: {  	s12 =	sshrl.u32 s15, $0x19  }
0xf1: {  	s12 =	sadd.s32 s12, s14  }
0xf2: {  	s12 =	sand.u32 $0xFFFFFF80, s12  }
0xf3: {  	s11 =	ssub.s32 s14, s12  }
0xf4: {  	v62 =	vadd.s32 s11, v24;
	_ =	sdelay $0x2  }
0xf5: {  	[sflag:s18] =	ssyncset.done $0x0  }
0xf6: {  	s13 =	sor.u32 $0x6, s26;
	[sflag:s18] =	ssyncadd.s32 $0xFFFFE000  }
0xf7: {  	v63 =	vor.u32 s13, v0;
	v34 =	vld.idx.msk [tilespmem:v62+s10+$0x0], $0xffff  }
0xf8: {  	v40 =	vadd.s32 s11, v25;
	_ =	sdelay $0x1  }
0xf9: {  	(v2sf) =	vpush v33, $0xE;
	_ =	sdelay $0x1  }
0xfa: {  	[tilespmem:v63+s19+$0x0] =	vst.idx.msk $0xffff, v34  }
0xfb: {  	v41 =	vor.u32 s13, v1;
	v34 =	vld.idx.msk [tilespmem:v40+s10+$0x0], $0xffff  }
0xfc: {  	v42 =	vadd.s32 s11, v26;
	_ =	sdelay $0x3  }
0xfd: {  	[tilespmem:v41+s19+$0x0] =	vst.idx.msk $0xffff, v34  }
0xfe: {  	v43 =	vor.u32 s13, v2;
	v34 =	vld.idx.msk [tilespmem:v42+s10+$0x0], $0xffff  }
0xff: {  	v44 =	vadd.s32 s11, v27;
	_ =	sdelay $0x3  }
0x100: {  	[tilespmem:v43+s19+$0x0] =	vst.idx.msk $0xffff, v34  }
0x101: {  	v45 =	vor.u32 s13, v3;
	s11 =	spop (v2sf);
	v34 =	vld.idx.msk [tilespmem:v44+s10+$0x0], $0xffff  }
0x102: {  	s14 =	sshra.s32 s11, $0x1F  }
0x103: {  	s12 =	sshrl.u32 s14, $0x19  }
0x104: {  	s12 =	sadd.s32 s12, s11  }
0x105: {  	s13 =	sand.u32 $0xFFFFF80, s12  }
0x106: {  	s13 =	sadd.s32 s1, s13;
	[tilespmem:v45+s19+$0x0] =	vst.idx.msk $0xffff, v34  }
0x107: {  	[tilespmem:s16], [sflag:$0x1] =	stream.strided.gather [hbm4b:s13+s8], $0x2000, s9, s8, $0x38;
	[tilespmem:$0x12280] =	vst v63  }
0x108: {  	_ =	swait.ge [sflag:s18], $0x2000  }
0x109: {  	(v2sf) =	vpush v33, $0x7;
	_ =	sdelay $0xe  }
0x10a: {  	s15 =	spop (v2sf)  }
0x10b: {  	s14 =	sshra.s32 s15, $0x1F  }
0x10c: {  	s14 =	sshrl.u32 s14, $0x19  }
0x10d: {  	s14 =	sadd.s32 s14, s15  }
0x10e: {  	s14 =	sand.u32 $0xFFFFFF80, s14  }
0x10f: {  	s13 =	ssub.s32 s15, s14  }
0x110: {  	v46 =	vadd.s32 s13, v28;
	_ =	sdelay $0x2  }
0x111: {  	[sflag:s18] =	ssyncset.done $0x0  }
0x112: {  	[sflag:s18] =	ssyncadd.s32 $0xFFFFE000;
	s15 =	sor.u32 $0x7, s26  }
0x113: {  	v47 =	vor.u32 s15, v0;
	v34 =	vld.idx.msk [tilespmem:v46+s10+$0x0], $0xffff  }
0x114: {  	v48 =	vadd.s32 s13, v29;
	_ =	sdelay $0x1  }
0x115: {  	(v2sf) =	vpush v33, $0xF;
	_ =	sdelay $0x1  }
0x116: {  	[tilespmem:v47+s19+$0x0] =	vst.idx.msk $0xffff, v34  }
0x117: {  	v50 =	vor.u32 s15, v1;
	v49 =	vld.idx.msk [tilespmem:v48+s10+$0x0], $0xffff  }
0x118: {  	v51 =	vadd.s32 s13, v30;
	_ =	sdelay $0x3  }
0x119: {  	[tilespmem:v50+s19+$0x0] =	vst.idx.msk $0xffff, v49  }
0x11a: {  	v52 =	vor.u32 s15, v2;
	v33 =	vld.idx.msk [tilespmem:v51+s10+$0x0], $0xffff  }
0x11b: {  	v53 =	vadd.s32 s13, v31;
	_ =	sdelay $0x3  }
0x11c: {  	[tilespmem:v52+s19+$0x0] =	vst.idx.msk $0xffff, v33  }
0x11d: {  	v54 =	vor.u32 s15, v3;
	s13 =	spop (v2sf);
	v33 =	vld.idx.msk [tilespmem:v53+s10+$0x0], $0xffff  }
0x11e: {  	s15 =	sshra.s32 s13, $0x1F  }
0x11f: {  	s14 =	sshrl.u32 s15, $0x19  }
0x120: {  	s15 =	sand.u32 $0xFFFFFF80, s30;
	s30 =	sadd.s32 s14, s13  }
0x121: {  	s14 =	ssub.s32 s28, s15;
	s28 =	sand.u32 $0xFFFFF80, s30  }
0x122: {  	v55 =	vadd.s32 s14, v0;
	s15 =	sadd.s32 s1, s28;
	[tilespmem:v54+s19+$0x0] =	vst.idx.msk $0xffff, v33  }
0x123: {  	[tilespmem:s17], [sflag:$0x1] =	stream.strided.gather [hbm4b:s15+s8], $0x2000, s9, s8, $0x38;
	[tilespmem:$0x12280] =	vst v63  }
0x124: {  	_ =	swait.ge [sflag:s18], $0x2000  }
0x125: {  	[sflag:s18] =	ssyncset.done $0x0  }
0x126: {  	s28 =	sor.u32 $0x8, s26;
	[sflag:s18] =	ssyncadd.s32 $0xFFFFE000  }
0x127: {  	v56 =	vor.u32 s28, v0;
	v33 =	vld.idx.msk [tilespmem:v55+s10+$0x0], $0xffff  }
0x128: {  	v57 =	vadd.s32 s14, v1  }
0x129: {  	p0 =	seq.s32 s24, $0x1F  }
0x12a: {  	(v2sf) =	vpush @!p0 v32, $0x0;
	_ =	sdelay $0x1  }
0x12b: {  	[tilespmem:v56+s19+$0x0] =	vst.idx.msk $0xffff, v33  }
0x12c: {  	v58 =	vor.u32 s28, v1;
	v33 =	vld.idx.msk [tilespmem:v57+s10+$0x0], $0xffff  }
0x12d: {  	v59 =	vadd.s32 s14, v2;
	_ =	sdelay $0x3  }
0x12e: {  	[tilespmem:v58+s19+$0x0] =	vst.idx.msk $0xffff, v33  }
0x12f: {  	v60 =	vor.u32 s28, v2;
	v33 =	vld.idx.msk [tilespmem:v59+s10+$0x0], $0xffff  }
0x130: {  	v61 =	vadd.s32 s14, v3;
	_ =	sdelay $0x3  }
0x131: {  	[tilespmem:v60+s19+$0x0] =	vst.idx.msk $0xffff, v33  }
0x132: {  	v62 =	vor.u32 s28, v3;
	s14 =	spop @!p0 (v2sf);
	v33 =	vld.idx.msk [tilespmem:v61+s10+$0x0], $0xffff  }
0x133: {  	s15 =	sshra.s32 @!p0 s14, $0x1F  }
0x134: {  	s15 =	sshrl.u32 @!p0 s15, $0x19  }
0x135: {  	s0 =	sand.u32 $0xFFFFFF80, s0;
	s14 =	sadd.s32 @!p0 s15, s14  }
0x136: {  	s28 =	simm.s32 @!p0 $0x7A1400;
	s15 =	ssub.s32 s29, s0;
	s14 =	sand.u32 @!p0 $0xFFFFF80, s14  }
0x137: {  	s0 =	simm.s32 @!p0 $0x400;
	s29 =	simm.s32 @!p0 $0x280;
	v63 =	vadd.s32 s15, v4;
	s14 =	sadd.s32 @!p0 s1, s14;
	[tilespmem:v62+s19+$0x0] =	vst.idx.msk $0xffff, v33  }
0x138: {  	[tilespmem:s29], [sflag:$0x1] =	stream.strided.gather @!p0 [hbm4b:s14+s0], $0x2000, s28, s0, $0x38;
	[tilespmem:$0x12280] =	vst v63  }
0x139: {  	_ =	swait.ge [sflag:s18], $0x2000  }
0x13a: {  	[sflag:s18] =	ssyncset.done $0x0  }
0x13b: {  	s29 =	sor.u32 $0x9, s26;
	[sflag:s18] =	ssyncadd.s32 $0xFFFFE000  }
0x13c: {  	v36 =	vor.u32 s29, v0;
	v33 =	vld.idx.msk [tilespmem:v63+s10+$0x0], $0xffff  }
0x13d: {  	v37 =	vadd.s32 s15, v5;
	_ =	sdelay $0x1  }
0x13e: {  	(v2sf) =	vpush @!p0 v32, $0x1;
	_ =	sdelay $0x1  }
0x13f: {  	[tilespmem:v36+s19+$0x0] =	vst.idx.msk $0xffff, v33  }
0x140: {  	v38 =	vor.u32 s29, v1;
	v33 =	vld.idx.msk [tilespmem:v37+s10+$0x0], $0xffff  }
0x141: {  	v39 =	vadd.s32 s15, v6;
	_ =	sdelay $0x3  }
0x142: {  	[tilespmem:v38+s19+$0x0] =	vst.idx.msk $0xffff, v33  }
0x143: {  	v40 =	vor.u32 s29, v2;
	v33 =	vld.idx.msk [tilespmem:v39+s10+$0x0], $0xffff  }
0x144: {  	v41 =	vadd.s32 s15, v7;
	_ =	sdelay $0x3  }
0x145: {  	[tilespmem:v40+s19+$0x0] =	vst.idx.msk $0xffff, v33  }
0x146: {  	v42 =	vor.u32 s29, v3;
	s14 =	spop @!p0 (v2sf);
	v33 =	vld.idx.msk [tilespmem:v41+s10+$0x0], $0xffff  }
0x147: {  	s15 =	sshra.s32 @!p0 s14, $0x1F  }
0x148: {  	s15 =	sshrl.u32 @!p0 s15, $0x19  }
0x149: {  	s2 =	sand.u32 $0xFFFFFF80, s2;
	s14 =	sadd.s32 @!p0 s15, s14  }
0x14a: {  	s2 =	ssub.s32 s31, s2;
	s14 =	sand.u32 @!p0 $0xFFFFF80, s14  }
0x14b: {  	v43 =	vadd.s32 s2, v8;
	s15 =	simm.s32 @!p0 $0x2280;
	s14 =	sadd.s32 @!p0 s1, s14;
	[tilespmem:v42+s19+$0x0] =	vst.idx.msk $0xffff, v33  }
0x14c: {  	[tilespmem:s15], [sflag:$0x1] =	stream.strided.gather @!p0 [hbm4b:s14+s0], $0x2000, s28, s0, $0x38;
	[tilespmem:$0x12280] =	vst v63  }
0x14d: {  	_ =	swait.ge [sflag:s18], $0x2000  }
0x14e: {  	[sflag:s18] =	ssyncset.done $0x0  }
0x14f: {  	s29 =	sor.u32 $0xA, s26;
	[sflag:s18] =	ssyncadd.s32 $0xFFFFE000  }
0x150: {  	v44 =	vor.u32 s29, v0;
	v33 =	vld.idx.msk [tilespmem:v43+s10+$0x0], $0xffff  }
0x151: {  	v45 =	vadd.s32 s2, v9;
	_ =	sdelay $0x1  }
0x152: {  	(v2sf) =	vpush @!p0 v32, $0x2;
	_ =	sdelay $0x1  }
0x153: {  	[tilespmem:v44+s19+$0x0] =	vst.idx.msk $0xffff, v33  }
0x154: {  	v46 =	vor.u32 s29, v1;
	v33 =	vld.idx.msk [tilespmem:v45+s10+$0x0], $0xffff  }
0x155: {  	v47 =	vadd.s32 s2, v10;
	_ =	sdelay $0x3  }
0x156: {  	[tilespmem:v46+s19+$0x0] =	vst.idx.msk $0xffff, v33  }
0x157: {  	v48 =	vor.u32 s29, v2;
	v33 =	vld.idx.msk [tilespmem:v47+s10+$0x0], $0xffff  }
0x158: {  	v49 =	vadd.s32 s2, v11;
	_ =	sdelay $0x3  }
0x159: {  	[tilespmem:v48+s19+$0x0] =	vst.idx.msk $0xffff, v33  }
0x15a: {  	v50 =	vor.u32 s29, v3;
	s2 =	spop @!p0 (v2sf);
	v33 =	vld.idx.msk [tilespmem:v49+s10+$0x0], $0xffff  }
0x15b: {  	s14 =	sshra.s32 @!p0 s2, $0x1F  }
0x15c: {  	s14 =	sshrl.u32 @!p0 s14, $0x19  }
0x15d: {  	s4 =	sand.u32 $0xFFFFFF80, s4;
	s2 =	sadd.s32 @!p0 s14, s2  }
0x15e: {  	s3 =	ssub.s32 s3, s4;
	s2 =	sand.u32 @!p0 $0xFFFFF80, s2  }
0x15f: {  	s4 =	simm.s32 @!p0 $0x4280;
	v51 =	vadd.s32 s3, v12;
	s2 =	sadd.s32 @!p0 s1, s2;
	[tilespmem:v50+s19+$0x0] =	vst.idx.msk $0xffff, v33  }
0x160: {  	[tilespmem:s4], [sflag:$0x1] =	stream.strided.gather @!p0 [hbm4b:s2+s0], $0x2000, s28, s0, $0x38;
	[tilespmem:$0x12280] =	vst v63  }
0x161: {  	_ =	swait.ge [sflag:s18], $0x2000  }
0x162: {  	[sflag:s18] =	ssyncset.done $0x0  }
0x163: {  	s31 =	sor.u32 $0xB, s26;
	[sflag:s18] =	ssyncadd.s32 $0xFFFFE000  }
0x164: {  	v52 =	vor.u32 s31, v0;
	v33 =	vld.idx.msk [tilespmem:v51+s10+$0x0], $0xffff  }
0x165: {  	v53 =	vadd.s32 s3, v13;
	_ =	sdelay $0x1  }
0x166: {  	(v2sf) =	vpush @!p0 v32, $0x3;
	_ =	sdelay $0x1  }
0x167: {  	[tilespmem:v52+s19+$0x0] =	vst.idx.msk $0xffff, v33  }
0x168: {  	v54 =	vor.u32 s31, v1;
	v33 =	vld.idx.msk [tilespmem:v53+s10+$0x0], $0xffff  }
0x169: {  	v55 =	vadd.s32 s3, v14;
	_ =	sdelay $0x3  }
0x16a: {  	[tilespmem:v54+s19+$0x0] =	vst.idx.msk $0xffff, v33  }
0x16b: {  	v56 =	vor.u32 s31, v2;
	v33 =	vld.idx.msk [tilespmem:v55+s10+$0x0], $0xffff  }
0x16c: {  	v57 =	vadd.s32 s3, v15;
	_ =	sdelay $0x3  }
0x16d: {  	[tilespmem:v56+s19+$0x0] =	vst.idx.msk $0xffff, v33  }
0x16e: {  	v58 =	vor.u32 s31, v3;
	s2 =	spop @!p0 (v2sf);
	v33 =	vld.idx.msk [tilespmem:v57+s10+$0x0], $0xffff  }
0x16f: {  	s3 =	sshra.s32 @!p0 s2, $0x1F  }
0x170: {  	s3 =	sshrl.u32 @!p0 s3, $0x19  }
0x171: {  	s4 =	sand.u32 $0xFFFFFF80, s21;
	s2 =	sadd.s32 @!p0 s3, s2  }
0x172: {  	s3 =	ssub.s32 s6, s4;
	s2 =	sand.u32 @!p0 $0xFFFFF80, s2  }
0x173: {  	s4 =	simm.s32 @!p0 $0x6280;
	v59 =	vadd.s32 s3, v16;
	s2 =	sadd.s32 @!p0 s1, s2;
	[tilespmem:v58+s19+$0x0] =	vst.idx.msk $0xffff, v33  }
0x174: {  	[tilespmem:s4], [sflag:$0x1] =	stream.strided.gather @!p0 [hbm4b:s2+s0], $0x2000, s28, s0, $0x38;
	[tilespmem:$0x12280] =	vst v63  }
0x175: {  	_ =	swait.ge [sflag:s18], $0x2000  }
0x176: {  	[sflag:s18] =	ssyncset.done $0x0  }
0x177: {  	s14 =	sor.u32 $0xC, s26;
	[sflag:s18] =	ssyncadd.s32 $0xFFFFE000  }
0x178: {  	v60 =	vor.u32 s14, v0;
	v33 =	vld.idx.msk [tilespmem:v59+s10+$0x0], $0xffff  }
0x179: {  	v61 =	vadd.s32 s3, v17;
	_ =	sdelay $0x1  }
0x17a: {  	(v2sf) =	vpush @!p0 v32, $0x4;
	_ =	sdelay $0x1  }
0x17b: {  	[tilespmem:v60+s19+$0x0] =	vst.idx.msk $0xffff, v33  }
0x17c: {  	v62 =	vor.u32 s14, v1;
	v33 =	vld.idx.msk [tilespmem:v61+s10+$0x0], $0xffff  }
0x17d: {  	v63 =	vadd.s32 s3, v18;
	_ =	sdelay $0x3  }
0x17e: {  	[tilespmem:v62+s19+$0x0] =	vst.idx.msk $0xffff, v33  }
0x17f: {  	v36 =	vor.u32 s14, v2;
	v33 =	vld.idx.msk [tilespmem:v63+s10+$0x0], $0xffff  }
0x180: {  	v37 =	vadd.s32 s3, v19;
	_ =	sdelay $0x3  }
0x181: {  	[tilespmem:v36+s19+$0x0] =	vst.idx.msk $0xffff, v33  }
0x182: {  	v38 =	vor.u32 s14, v3;
	s2 =	spop @!p0 (v2sf);
	v33 =	vld.idx.msk [tilespmem:v37+s10+$0x0], $0xffff  }
0x183: {  	s3 =	sshra.s32 @!p0 s2, $0x1F  }
0x184: {  	s3 =	sshrl.u32 @!p0 s3, $0x19  }
0x185: {  	s15 =	sand.u32 $0xFFFFFF80, s5;
	s2 =	sadd.s32 @!p0 s3, s2  }
0x186: {  	s3 =	ssub.s32 s20, s15;
	s2 =	sand.u32 @!p0 $0xFFFFF80, s2  }
0x187: {  	s4 =	simm.s32 @!p0 $0x8280;
	v39 =	vadd.s32 s3, v20;
	s2 =	sadd.s32 @!p0 s1, s2;
	[tilespmem:v38+s19+$0x0] =	vst.idx.msk $0xffff, v33  }
0x188: {  	[tilespmem:s4], [sflag:$0x1] =	stream.strided.gather @!p0 [hbm4b:s2+s0], $0x2000, s28, s0, $0x38;
	[tilespmem:$0x12280] =	vst v63  }
0x189: {  	_ =	swait.ge [sflag:s18], $0x2000  }
0x18a: {  	[sflag:s18] =	ssyncset.done $0x0  }
0x18b: {  	s20 =	sor.u32 $0xD, s26;
	[sflag:s18] =	ssyncadd.s32 $0xFFFFE000  }
0x18c: {  	v40 =	vor.u32 s20, v0;
	v33 =	vld.idx.msk [tilespmem:v39+s10+$0x0], $0xffff  }
0x18d: {  	v41 =	vadd.s32 s3, v21;
	_ =	sdelay $0x1  }
0x18e: {  	(v2sf) =	vpush @!p0 v32, $0x5;
	_ =	sdelay $0x1  }
0x18f: {  	[tilespmem:v40+s19+$0x0] =	vst.idx.msk $0xffff, v33  }
0x190: {  	v42 =	vor.u32 s20, v1;
	v33 =	vld.idx.msk [tilespmem:v41+s10+$0x0], $0xffff  }
0x191: {  	v43 =	vadd.s32 s3, v22;
	_ =	sdelay $0x3  }
0x192: {  	[tilespmem:v42+s19+$0x0] =	vst.idx.msk $0xffff, v33  }
0x193: {  	v44 =	vor.u32 s20, v2;
	v33 =	vld.idx.msk [tilespmem:v43+s10+$0x0], $0xffff  }
0x194: {  	v45 =	vadd.s32 s3, v23;
	_ =	sdelay $0x3  }
0x195: {  	[tilespmem:v44+s19+$0x0] =	vst.idx.msk $0xffff, v33  }
0x196: {  	v46 =	vor.u32 s20, v3;
	s2 =	spop @!p0 (v2sf);
	v33 =	vld.idx.msk [tilespmem:v45+s10+$0x0], $0xffff  }
0x197: {  	s3 =	sshra.s32 @!p0 s2, $0x1F  }
0x198: {  	s3 =	sshrl.u32 @!p0 s3, $0x19  }
0x199: {  	s21 =	sand.u32 $0xFFFFFF80, s12;
	s2 =	sadd.s32 @!p0 s3, s2  }
0x19a: {  	s3 =	ssub.s32 s11, s21;
	s2 =	sand.u32 @!p0 $0xFFFFF80, s2  }
0x19b: {  	s4 =	simm.s32 @!p0 $0xA280;
	v47 =	vadd.s32 s3, v24;
	s2 =	sadd.s32 @!p0 s1, s2;
	[tilespmem:v46+s19+$0x0] =	vst.idx.msk $0xffff, v33  }
0x19c: {  	[tilespmem:s4], [sflag:$0x1] =	stream.strided.gather @!p0 [hbm4b:s2+s0], $0x2000, s28, s0, $0x38;
	[tilespmem:$0x12280] =	vst v63  }
0x19d: {  	_ =	swait.ge [sflag:s18], $0x2000  }
0x19e: {  	[sflag:s18] =	ssyncset.done $0x0  }
0x19f: {  	s29 =	sor.u32 $0xE, s26;
	[sflag:s18] =	ssyncadd.s32 $0xFFFFE000  }
0x1a0: {  	v48 =	vor.u32 s29, v0;
	v33 =	vld.idx.msk [tilespmem:v47+s10+$0x0], $0xffff  }
0x1a1: {  	v49 =	vadd.s32 s3, v25;
	_ =	sdelay $0x1  }
0x1a2: {  	(v2sf) =	vpush @!p0 v32, $0x6;
	_ =	sdelay $0x1  }
0x1a3: {  	[tilespmem:v48+s19+$0x0] =	vst.idx.msk $0xffff, v33  }
0x1a4: {  	v50 =	vor.u32 s29, v1;
	v33 =	vld.idx.msk [tilespmem:v49+s10+$0x0], $0xffff  }
0x1a5: {  	v51 =	vadd.s32 s3, v26;
	_ =	sdelay $0x3  }
0x1a6: {  	[tilespmem:v50+s19+$0x0] =	vst.idx.msk $0xffff, v33  }
0x1a7: {  	v52 =	vor.u32 s29, v2;
	v33 =	vld.idx.msk [tilespmem:v51+s10+$0x0], $0xffff  }
0x1a8: {  	v53 =	vadd.s32 s3, v27;
	_ =	sdelay $0x3  }
0x1a9: {  	[tilespmem:v52+s19+$0x0] =	vst.idx.msk $0xffff, v33  }
0x1aa: {  	v54 =	vor.u32 s29, v3;
	s2 =	spop @!p0 (v2sf);
	v33 =	vld.idx.msk [tilespmem:v53+s10+$0x0], $0xffff  }
0x1ab: {  	s3 =	sshra.s32 @!p0 s2, $0x1F  }
0x1ac: {  	s3 =	sshrl.u32 @!p0 s3, $0x19  }
0x1ad: {  	s30 =	sand.u32 $0xFFFFFF80, s30;
	s2 =	sadd.s32 @!p0 s3, s2  }
0x1ae: {  	s3 =	ssub.s32 s13, s30;
	s2 =	sand.u32 @!p0 $0xFFFFF80, s2  }
0x1af: {  	s4 =	simm.s32 @!p0 $0xC280;
	v55 =	vadd.s32 s3, v28;
	s2 =	sadd.s32 @!p0 s1, s2;
	[tilespmem:v54+s19+$0x0] =	vst.idx.msk $0xffff, v33  }
0x1b0: {  	[tilespmem:s4], [sflag:$0x1] =	stream.strided.gather @!p0 [hbm4b:s2+s0], $0x2000, s28, s0, $0x38;
	[tilespmem:$0x12280] =	vst v63  }
0x1b1: {  	_ =	swait.ge [sflag:s18], $0x2000  }
0x1b2: {  	[sflag:s18] =	ssyncset.done $0x0  }
0x1b3: {  	s31 =	sor.u32 $0xF, s26;
	[sflag:s18] =	ssyncadd.s32 $0xFFFFE000  }
0x1b4: {  	v56 =	vor.u32 s31, v0;
	v33 =	vld.idx.msk [tilespmem:v55+s10+$0x0], $0xffff  }
0x1b5: {  	v57 =	vadd.s32 s3, v29;
	_ =	sdelay $0x1  }
0x1b6: {  	(v2sf) =	vpush @!p0 v32, $0x7;
	_ =	sdelay $0x1  }
0x1b7: {  	[tilespmem:v56+s19+$0x0] =	vst.idx.msk $0xffff, v33  }
0x1b8: {  	v59 =	vor.u32 s31, v1;
	v58 =	vld.idx.msk [tilespmem:v57+s10+$0x0], $0xffff  }
0x1b9: {  	v60 =	vadd.s32 s3, v30;
	_ =	sdelay $0x3  }
0x1ba: {  	[tilespmem:v59+s19+$0x0] =	vst.idx.msk $0xffff, v58  }
0x1bb: {  	v61 =	vor.u32 s31, v2;
	v32 =	vld.idx.msk [tilespmem:v60+s10+$0x0], $0xffff  }
0x1bc: {  	v62 =	vadd.s32 s3, v31;
	_ =	sdelay $0x3  }
0x1bd: {  	[tilespmem:v61+s19+$0x0] =	vst.idx.msk $0xffff, v32  }
0x1be: {  	v63 =	vor.u32 s31, v3;
	s2 =	spop @!p0 (v2sf);
	v32 =	vld.idx.msk [tilespmem:v62+s10+$0x0], $0xffff  }
0x1bf: {  	s3 =	sshra.s32 @!p0 s2, $0x1F  }
0x1c0: {  	s3 =	sshrl.u32 @!p0 s3, $0x19  }
0x1c1: {  	s2 =	sadd.s32 @!p0 s3, s2  }
0x1c2: {  	s2 =	sand.u32 @!p0 $0xFFFFF80, s2  }
0x1c3: {  	p1 =	sne.s32 @!p0 s25, $0x7;
	s3 =	simm.s32 @!p0 $0xE280;
	s2 =	sadd.s32 @!p0 s1, s2;
	[tilespmem:v63+s19+$0x0] =	vst.idx.msk $0xffff, v32  }
0x1c4: {  	[tilespmem:s3], [sflag:$0x1] =	stream.strided.gather @!p0 [hbm4b:s2+s0], $0x2000, s28, s0, $0x38;
	[tilespmem:$0x12280] =	vst v63  }
0x1c5: {  	p0 =	por p0, !p1  }
0x1c6: {  	s0 =	sand.u32 @p0 $0x180, s23;
	s2 =	rddreg @p0 [dreg:$0x5]  }
0x1c7: {  	s0 =	sadd.s32 @p0 s0, s2;
	s2 =	simm.s32 @p0 $0x20000  }
0x1c8: {  	[hbm4b:s0+s8] =	stream.strided.scatter @p0 [tilespmem:s19], [sflag:$0x2], $0x2000, s2, s8, $0x38;
	[tilespmem:$0x12280] =	vst v63  }
0x1c9: {  	_ =	swait.ge @p0 [sflag:s7], $0x2000  }
0x1ca: {  	s23 =	sadd.s32 $0x10, s23;
	[sflag:s7] =	ssyncset.done @p0 $0x0  }
0x1cb: {  	[sflag:s7] =	ssyncadd.s32 @p0 $0xFFFFE000;
	p0 =	sne.s32 s23, $0x200  }
.Ltmp0:
0x1cc: {  	_ = 	snop;
	(pc) =	sbr.rel @p0 .LBB2_2-.Ltmp0, $2  }
0x1cd: {  	_ =	sdelay $0x2  }
0x1ce: {  	s24 =	sadd.s32 $0x1, s24;
	s22 =	sadd.s32 $0x10, s22  }
0x1cf: {  	s2 =	rddreg [dreg:$0x7]  }
0x1d0: {  	s0 =	rddreg [dreg:$0x6];
	s2 =	sadd.s32 $0x1, s2  }
0x1d1: {  	p0 =	sne.s32 s2, s0  }
.Ltmp1:
0x1d2: {  	_ = 	snop;
	(pc) =	sbr.rel @p0 .LBB2_1-.Ltmp1, $1  }
0x1d3: {  	_ =	sdelay $0x3  }
0x1d4: {  	_ =	sfence.sel $0x180000  }
0x1d5: {  	[bflag:$0x0] =	sbarrier.arrive $0xFFFF  }
0x1d6: {  	_ =	strace $0x9000004A  }
0x1d7: {  	s0 =	stileid.u32;
	[bflag:$0x2] =	sbarrier.arrive $0xFFFF  }
0x1d8: {  	p0 =	sne.s32 s0, $0x0;
	s0 =	rddreg [dreg:$0x3]  }
0x1d9: {  	s0 =	sadd.s32 @!p0 $0x100000, s0  }
0x1da: {  	[sflag:s0] =	ssyncadd.tile.s32 @!p0 $0x1;
	_ =	shalt  }
.Lfunc_end2:
_tile_overlayer_lowered:
.L_overlay_start_2:
0x1db: {  	(tag) =	ssettag $0x2  }
0x1dc: {  	s0 =	rddreg [dreg:$0x0];
	s2 =	stileid.u32  }
0x1dd: {  	s1 =	rddreg [dreg:$0x1];
	p0 =	sne.s32 s2, $0x0  }
0x1de: {  	s3 =	rddreg [dreg:$0x2];
	[bflag:$0x3] =	sbarrier.arrive $0xFFFF;
	s2 =	simm.s32 @!p0 $0x1C02  }
0x1df: {  	[timem:s3], [sflag:s2] =	dma.local @!p0 [hbm:s0], s1  }
0x1e0: {  	s0 =	simm.s32 @!p0 $0x2  }
0x1e1: {  	_ =	swait.ge @!p0 [sflag:s0], s1  }
0x1e2: {  	s1 =	ssub.s32 @!p0 $0x0, s1;
	[sflag:s0] =	ssyncset.done @!p0 $0x0  }
0x1e3: {  	[sflag:s0] =	ssyncadd.s32 @!p0 s1  }
0x1e4: {  	[bflag:$0x3] =	sbarrier.arrive $0xFFFF  }
0x1e5: {  	_ =	shalt  }

</sc_bundles>
